<compile_context>
chip_gen: v7x
topology: tpu7x:2x2x1
jax: 0.10.2.dev20260603
libtpu: 0.0.44.dev20260713+nightly
codegen_flags: <defaults>
</compile_context>

<pallas_src>
import jax
import jax.numpy as jnp
from jax import lax
from jax.experimental import pallas as pl
from jax.experimental.pallas import tpu as pltpu
from jax.experimental.pallas import tpu_sc as plsc

B, L, D = 4, 4096, 1024
NC, NS, NL = 2, 16, 16
NW = NC * NS
LW = L // NW
R = 8
NCHUNK = LW // R
CH = R * D
STEPS = NCHUNK * B
NXB = 8
GROUP = 2 * B
NGROUP = STEPS // GROUP


def _body(x_hbm, tbl_hbm, out_hbm, tb0, tb1, xb0, xb1, xb2, xb3, xb4, xb5, xb6, xb7,
          sems_t, sems_x, sems_o):
    tbufs = [tb0, tb1]
    xbufs = [xb0, xb1, xb2, xb3, xb4, xb5, xb6, xb7]
    wid = lax.axis_index("s") * NC + lax.axis_index("c")
    lbase = wid * LW

    def start_t(c, slot):
        return pltpu.async_copy(
            tbl_hbm.at[pl.ds(lbase + c * R, R), :], tbufs[slot],
            sems_t.at[slot])

    def x_slice(g):
        c = g // B
        b = g % B
        return x_hbm.at[b, pl.ds(lbase + c * R, R), :]

    def out_slice(g):
        c = g // B
        b = g % B
        return out_hbm.at[b, pl.ds(lbase + c * R, R), :]

    def start_x(g, slot):
        return pltpu.async_copy(x_slice(g), xbufs[slot], sems_x.at[slot])

    def start_o(g, slot):
        return pltpu.async_copy(xbufs[slot], out_slice(g), sems_o.at[slot])

    def wait_x(g, slot):
        pltpu.make_async_copy(x_slice(g), xbufs[slot], sems_x.at[slot]).wait()

    def wait_o(g, slot):
        pltpu.make_async_copy(xbufs[slot], out_slice(g), sems_o.at[slot]).wait()

    def wait_t(c, slot):
        pltpu.make_async_copy(
            tbl_hbm.at[pl.ds(lbase + c * R, R), :], tbufs[slot],
            sems_t.at[slot]).wait()

    start_t(0, 0)
    for p in range(NXB - 1):
        start_x(p, p)

    def group(m, carry):
        for sl in range(GROUP):
            g = m * GROUP + sl
            c = 2 * m + sl // B
            tslot = (sl // B) % 2
            if sl == 0:
                wait_t(c, 0)
                start_t(c + 1, 1)
            if sl == B:
                wait_t(c, 1)

                @pl.when(c + 1 < NCHUNK)
                def _():
                    start_t(c + 1, 0)
            xslot = sl % NXB
            wait_x(g, xslot)
            tbuf = tbufs[tslot]
            xbuf = xbufs[xslot]

            @plsc.parallel_loop(0, CH, NL, unroll=8)
            def _(o):
                i = o // D
                j = o % D
                plsc.addupdate(xbuf.at[i, pl.ds(j, NL)], tbuf[i, pl.ds(j, NL)])

            start_o(g, xslot)
            pslot = (sl + NXB - 1) % NXB
            if sl == 0:
                @pl.when(g >= 1)
                def _():
                    wait_o(g - 1, pslot)

                @pl.when(g + NXB - 1 < STEPS)
                def _():
                    start_x(g + NXB - 1, pslot)
            else:
                @pl.when(g + NXB - 1 < STEPS)
                def _():
                    wait_o(g - 1, pslot)
                    start_x(g + NXB - 1, pslot)
        return carry

    lax.fori_loop(0, NGROUP, group, None)
    for k in range(NXB, 0, -1):
        g = STEPS - k
        wait_o(g, g % NXB)


@jax.jit
def _run(x, tbl):
    mesh = plsc.VectorSubcoreMesh(core_axis_name="c", subcore_axis_name="s")
    return pl.kernel(
        _body,
        out_type=jax.ShapeDtypeStruct((B, L, D), jnp.float32),
        mesh=mesh,
        scratch_types=[
            pltpu.VMEM((R, D), jnp.float32),
            pltpu.VMEM((R, D), jnp.float32),
            pltpu.VMEM((R, D), jnp.float32),
            pltpu.VMEM((R, D), jnp.float32),
            pltpu.VMEM((R, D), jnp.float32),
            pltpu.VMEM((R, D), jnp.float32),
            pltpu.VMEM((R, D), jnp.float32),
            pltpu.VMEM((R, D), jnp.float32),
            pltpu.VMEM((R, D), jnp.float32),
            pltpu.VMEM((R, D), jnp.float32),
            pltpu.SemaphoreType.DMA((2,)),
            pltpu.SemaphoreType.DMA((NXB,)),
            pltpu.SemaphoreType.DMA((NXB,)),
        ],
    )(x, tbl)


def kernel(x, pos_emb_table):
    return _run(x, pos_emb_table)

# --- scband reference (transcript-rebuilt; emitter-appended) ---
"""Pipeline reference for scband-embedding-17738214933153 (READ-ONLY COPY).

The authoritative reference and input builder live on the scoring server;
editing this copy changes nothing except your own understanding.
"""

import jax, jax.numpy as jnp
import numpy as np


def setup_inputs(seed: int = 0) -> dict:
    key = jax.random.key(seed)
    k1, k2 = jax.random.split(key)
    x = jax.random.normal(k1, (4, 4096, 1024), dtype=jnp.float32)
    # learned positional embedding table sized per init_kwargs (max_len=8192, d_model=1024)
    pos_emb_table = jax.random.normal(k2, (8192, 1024), dtype=jnp.float32) * 0.02
    return {"x": x, "pos_emb_table": pos_emb_table}


def reference(x, pos_emb_table):
    # Faithful translation of Embedding.forward (dropout in eval mode = identity):
    #   pos_emb = pos_emb_table(arange(L))  broadcast over batch
    #   x = x + pos_emb
    B, L, D = x.shape
    pos = jnp.arange(L)
    pos_emb = jnp.take(pos_emb_table, pos, axis=0)  # [L, D] gather (embedding lookup)
    pos_emb = jnp.broadcast_to(pos_emb[None, :, :], (B, L, D))
    out = x + pos_emb
    return out

if __name__ == "__main__":
    import jax
    _d = setup_inputs()
    print(jax.jit(kernel)(*tuple(_d.values())))

</pallas_src>

<mosaic_0001>
#map = affine_map<(d0, d1) -> (0, 0, 0)>
#map1 = affine_map<(d0, d1) -> (0, 0)>
module attributes {stable_mosaic.version = 14 : i64} {
  func.func @_body(%arg0: i32, %arg1: i32, %arg2: memref<4x4096x1024xf32, #tpu.memory_space<hbm>>, %arg3: memref<8192x1024xf32, #tpu.memory_space<hbm>>, %arg4: memref<4x4096x1024xf32, #tpu.memory_space<hbm>>, %arg5: memref<8x1024xf32, #tpu.memory_space<vmem>>, %arg6: memref<8x1024xf32, #tpu.memory_space<vmem>>, %arg7: memref<8x1024xf32, #tpu.memory_space<vmem>>, %arg8: memref<8x1024xf32, #tpu.memory_space<vmem>>, %arg9: memref<8x1024xf32, #tpu.memory_space<vmem>>, %arg10: memref<8x1024xf32, #tpu.memory_space<vmem>>, %arg11: memref<8x1024xf32, #tpu.memory_space<vmem>>, %arg12: memref<8x1024xf32, #tpu.memory_space<vmem>>, %arg13: memref<8x1024xf32, #tpu.memory_space<vmem>>, %arg14: memref<8x1024xf32, #tpu.memory_space<vmem>>, %arg15: memref<2x!tpu.dma_semaphore, #tpu.memory_space<semaphore_mem>>, %arg16: memref<8x!tpu.dma_semaphore, #tpu.memory_space<semaphore_mem>>, %arg17: memref<8x!tpu.dma_semaphore, #tpu.memory_space<semaphore_mem>>) attributes {dimension_semantics = [#tpu.dimension_semantics<core_parallel>, #tpu.dimension_semantics<subcore_parallel>], iteration_bounds = array<i64: 2, 16>, scalar_prefetch = 0 : i64, scratch_operands = 13 : i64, tpu.core_type = #tpu.core_type<sc_vector_subcore>, window_params = [{transform_indices = #map}, {transform_indices = #map1}, {transform_indices = #map}]} {
    %mul3A = arith.constant 2 : i32
    %mul3A_0 = arith.muli %arg1, %mul3A : i32
    %add3A = arith.addi %mul3A_0, %arg0 : i32
    %mul3A_1 = arith.constant 128 : i32
    %mul3A_2 = arith.muli %add3A, %mul3A_1 : i32
    %add3A_3 = arith.constant 0 : i32
    %add3A_4 = arith.addi %mul3A_2, %add3A_3 : i32
    %dma_start3A = arith.constant 0 : i32
    %dma_start3A_5 = arith.constant 0 : i32
    %dma_start3A_6 = tpu.memref_slice %arg3[%add3A_4, %dma_start3A_5] : memref<8192x1024xf32, #tpu.memory_space<hbm>> -> memref<8x1024xf32, #tpu.memory_space<hbm>>
    %dma_start3A_7 = tpu.memref_slice %arg15[%dma_start3A] : memref<2x!tpu.dma_semaphore, #tpu.memory_space<semaphore_mem>> -> memref<1x!tpu.dma_semaphore, #tpu.memory_space<semaphore_mem>>
    %dma_start3A_8 = tpu.memref_squeeze %dma_start3A_7 : memref<1x!tpu.dma_semaphore, #tpu.memory_space<semaphore_mem>> -> memref<!tpu.dma_semaphore, #tpu.memory_space<semaphore_mem>>
    %dma_start3A_9 = arith.constant 0 : i32
    %dma_start3A_10 = tpu.memref_slice %arg3[%add3A_4, %dma_start3A_9] : memref<8192x1024xf32, #tpu.memory_space<hbm>> -> memref<8x1024xf32, #tpu.memory_space<hbm>>
    tpu.enqueue_dma source(%dma_start3A_10 : memref<8x1024xf32, #tpu.memory_space<hbm>>) target(%arg5 : memref<8x1024xf32, #tpu.memory_space<vmem>>) target_semaphore(%dma_start3A_8 : memref<!tpu.dma_semaphore, #tpu.memory_space<semaphore_mem>>)
    %add3A_11 = arith.constant 0 : i32
    %add3A_12 = arith.addi %mul3A_2, %add3A_11 : i32
    %dma_start3A_13 = arith.constant 0 : i32
    %dma_start3A_14 = arith.constant 0 : i32
    %dma_start3A_15 = arith.constant 0 : i32
    %dma_start3A_16 = tpu.memref_slice %arg2[%dma_start3A_13, %add3A_12, %dma_start3A_15] : memref<4x4096x1024xf32, #tpu.memory_space<hbm>> -> memref<1x8x1024xf32, #tpu.memory_space<hbm>>
    %dma_start3A_17 = tpu.memref_squeeze %dma_start3A_16 : memref<1x8x1024xf32, #tpu.memory_space<hbm>> -> memref<8x1024xf32, #tpu.memory_space<hbm>>
    %dma_start3A_18 = tpu.memref_slice %arg16[%dma_start3A_14] : memref<8x!tpu.dma_semaphore, #tpu.memory_space<semaphore_mem>> -> memref<1x!tpu.dma_semaphore, #tpu.memory_space<semaphore_mem>>
    %dma_start3A_19 = tpu.memref_squeeze %dma_start3A_18 : memref<1x!tpu.dma_semaphore, #tpu.memory_space<semaphore_mem>> -> memref<!tpu.dma_semaphore, #tpu.memory_space<semaphore_mem>>
    %dma_start3A_20 = arith.constant 0 : i32
    %dma_start3A_21 = tpu.memref_slice %arg2[%dma_start3A_13, %add3A_12, %dma_start3A_20] : memref<4x4096x1024xf32, #tpu.memory_space<hbm>> -> memref<1x8x1024xf32, #tpu.memory_space<hbm>>
    %dma_start3A_22 = tpu.memref_squeeze %dma_start3A_21 : memref<1x8x1024xf32, #tpu.memory_space<hbm>> -> memref<8x1024xf32, #tpu.memory_space<hbm>>
    tpu.enqueue_dma source(%dma_start3A_22 : memref<8x1024xf32, #tpu.memory_space<hbm>>) target(%arg7 : memref<8x1024xf32, #tpu.memory_space<vmem>>) target_semaphore(%dma_start3A_19 : memref<!tpu.dma_semaphore, #tpu.memory_space<semaphore_mem>>)
    %add3A_23 = arith.constant 0 : i32
    %add3A_24 = arith.addi %mul3A_2, %add3A_23 : i32
    %dma_start3A_25 = arith.constant 1 : i32
    %dma_start3A_26 = arith.constant 1 : i32
    %dma_start3A_27 = arith.constant 0 : i32
    %dma_start3A_28 = tpu.memref_slice %arg2[%dma_start3A_25, %add3A_24, %dma_start3A_27] : memref<4x4096x1024xf32, #tpu.memory_space<hbm>> -> memref<1x8x1024xf32, #tpu.memory_space<hbm>>
    %dma_start3A_29 = tpu.memref_squeeze %dma_start3A_28 : memref<1x8x1024xf32, #tpu.memory_space<hbm>> -> memref<8x1024xf32, #tpu.memory_space<hbm>>
    %dma_start3A_30 = tpu.memref_slice %arg16[%dma_start3A_26] : memref<8x!tpu.dma_semaphore, #tpu.memory_space<semaphore_mem>> -> memref<1x!tpu.dma_semaphore, #tpu.memory_space<semaphore_mem>>
    %dma_start3A_31 = tpu.memref_squeeze %dma_start3A_30 : memref<1x!tpu.dma_semaphore, #tpu.memory_space<semaphore_mem>> -> memref<!tpu.dma_semaphore, #tpu.memory_space<semaphore_mem>>
    %dma_start3A_32 = arith.constant 0 : i32
    %dma_start3A_33 = tpu.memref_slice %arg2[%dma_start3A_25, %add3A_24, %dma_start3A_32] : memref<4x4096x1024xf32, #tpu.memory_space<hbm>> -> memref<1x8x1024xf32, #tpu.memory_space<hbm>>
    %dma_start3A_34 = tpu.memref_squeeze %dma_start3A_33 : memref<1x8x1024xf32, #tpu.memory_space<hbm>> -> memref<8x1024xf32, #tpu.memory_space<hbm>>
    tpu.enqueue_dma source(%dma_start3A_34 : memref<8x1024xf32, #tpu.memory_space<hbm>>) target(%arg8 : memref<8x1024xf32, #tpu.memory_space<vmem>>) target_semaphore(%dma_start3A_31 : memref<!tpu.dma_semaphore, #tpu.memory_space<semaphore_mem>>)
    %add3A_35 = arith.constant 0 : i32
    %add3A_36 = arith.addi %mul3A_2, %add3A_35 : i32
    %dma_start3A_37 = arith.constant 2 : i32
    %dma_start3A_38 = arith.constant 2 : i32
    %dma_start3A_39 = arith.constant 0 : i32
    %dma_start3A_40 = tpu.memref_slice %arg2[%dma_start3A_37, %add3A_36, %dma_start3A_39] : memref<4x4096x1024xf32, #tpu.memory_space<hbm>> -> memref<1x8x1024xf32, #tpu.memory_space<hbm>>
    %dma_start3A_41 = tpu.memref_squeeze %dma_start3A_40 : memref<1x8x1024xf32, #tpu.memory_space<hbm>> -> memref<8x1024xf32, #tpu.memory_space<hbm>>
    %dma_start3A_42 = tpu.memref_slice %arg16[%dma_start3A_38] : memref<8x!tpu.dma_semaphore, #tpu.memory_space<semaphore_mem>> -> memref<1x!tpu.dma_semaphore, #tpu.memory_space<semaphore_mem>>
    %dma_start3A_43 = tpu.memref_squeeze %dma_start3A_42 : memref<1x!tpu.dma_semaphore, #tpu.memory_space<semaphore_mem>> -> memref<!tpu.dma_semaphore, #tpu.memory_space<semaphore_mem>>
    %dma_start3A_44 = arith.constant 0 : i32
    %dma_start3A_45 = tpu.memref_slice %arg2[%dma_start3A_37, %add3A_36, %dma_start3A_44] : memref<4x4096x1024xf32, #tpu.memory_space<hbm>> -> memref<1x8x1024xf32, #tpu.memory_space<hbm>>
    %dma_start3A_46 = tpu.memref_squeeze %dma_start3A_45 : memref<1x8x1024xf32, #tpu.memory_space<hbm>> -> memref<8x1024xf32, #tpu.memory_space<hbm>>
    tpu.enqueue_dma source(%dma_start3A_46 : memref<8x1024xf32, #tpu.memory_space<hbm>>) target(%arg9 : memref<8x1024xf32, #tpu.memory_space<vmem>>) target_semaphore(%dma_start3A_43 : memref<!tpu.dma_semaphore, #tpu.memory_space<semaphore_mem>>)
    %add3A_47 = arith.constant 0 : i32
    %add3A_48 = arith.addi %mul3A_2, %add3A_47 : i32
    %dma_start3A_49 = arith.constant 3 : i32
    %dma_start3A_50 = arith.constant 3 : i32
    %dma_start3A_51 = arith.constant 0 : i32
    %dma_start3A_52 = tpu.memref_slice %arg2[%dma_start3A_49, %add3A_48, %dma_start3A_51] : memref<4x4096x1024xf32, #tpu.memory_space<hbm>> -> memref<1x8x1024xf32, #tpu.memory_space<hbm>>
    %dma_start3A_53 = tpu.memref_squeeze %dma_start3A_52 : memref<1x8x1024xf32, #tpu.memory_space<hbm>> -> memref<8x1024xf32, #tpu.memory_space<hbm>>
    %dma_start3A_54 = tpu.memref_slice %arg16[%dma_start3A_50] : memref<8x!tpu.dma_semaphore, #tpu.memory_space<semaphore_mem>> -> memref<1x!tpu.dma_semaphore, #tpu.memory_space<semaphore_mem>>
    %dma_start3A_55 = tpu.memref_squeeze %dma_start3A_54 : memref<1x!tpu.dma_semaphore, #tpu.memory_space<semaphore_mem>> -> memref<!tpu.dma_semaphore, #tpu.memory_space<semaphore_mem>>
    %dma_start3A_56 = arith.constant 0 : i32
    %dma_start3A_57 = tpu.memref_slice %arg2[%dma_start3A_49, %add3A_48, %dma_start3A_56] : memref<4x4096x1024xf32, #tpu.memory_space<hbm>> -> memref<1x8x1024xf32, #tpu.memory_space<hbm>>
    %dma_start3A_58 = tpu.memref_squeeze %dma_start3A_57 : memref<1x8x1024xf32, #tpu.memory_space<hbm>> -> memref<8x1024xf32, #tpu.memory_space<hbm>>
    tpu.enqueue_dma source(%dma_start3A_58 : memref<8x1024xf32, #tpu.memory_space<hbm>>) target(%arg10 : memref<8x1024xf32, #tpu.memory_space<vmem>>) target_semaphore(%dma_start3A_55 : memref<!tpu.dma_semaphore, #tpu.memory_space<semaphore_mem>>)
    %add3A_59 = arith.constant 8 : i32
    %add3A_60 = arith.addi %mul3A_2, %add3A_59 : i32
    %dma_start3A_61 = arith.constant 0 : i32
    %dma_start3A_62 = arith.constant 4 : i32
    %dma_start3A_63 = arith.constant 0 : i32
    %dma_start3A_64 = tpu.memref_slice %arg2[%dma_start3A_61, %add3A_60, %dma_start3A_63] : memref<4x4096x1024xf32, #tpu.memory_space<hbm>> -> memref<1x8x1024xf32, #tpu.memory_space<hbm>>
    %dma_start3A_65 = tpu.memref_squeeze %dma_start3A_64 : memref<1x8x1024xf32, #tpu.memory_space<hbm>> -> memref<8x1024xf32, #tpu.memory_space<hbm>>
    %dma_start3A_66 = tpu.memref_slice %arg16[%dma_start3A_62] : memref<8x!tpu.dma_semaphore, #tpu.memory_space<semaphore_mem>> -> memref<1x!tpu.dma_semaphore, #tpu.memory_space<semaphore_mem>>
    %dma_start3A_67 = tpu.memref_squeeze %dma_start3A_66 : memref<1x!tpu.dma_semaphore, #tpu.memory_space<semaphore_mem>> -> memref<!tpu.dma_semaphore, #tpu.memory_space<semaphore_mem>>
    %dma_start3A_68 = arith.constant 0 : i32
    %dma_start3A_69 = tpu.memref_slice %arg2[%dma_start3A_61, %add3A_60, %dma_start3A_68] : memref<4x4096x1024xf32, #tpu.memory_space<hbm>> -> memref<1x8x1024xf32, #tpu.memory_space<hbm>>
    %dma_start3A_70 = tpu.memref_squeeze %dma_start3A_69 : memref<1x8x1024xf32, #tpu.memory_space<hbm>> -> memref<8x1024xf32, #tpu.memory_space<hbm>>
    tpu.enqueue_dma source(%dma_start3A_70 : memref<8x1024xf32, #tpu.memory_space<hbm>>) target(%arg11 : memref<8x1024xf32, #tpu.memory_space<vmem>>) target_semaphore(%dma_start3A_67 : memref<!tpu.dma_semaphore, #tpu.memory_space<semaphore_mem>>)
    %add3A_71 = arith.constant 8 : i32
    %add3A_72 = arith.addi %mul3A_2, %add3A_71 : i32
    %dma_start3A_73 = arith.constant 1 : i32
    %dma_start3A_74 = arith.constant 5 : i32
    %dma_start3A_75 = arith.constant 0 : i32
    %dma_start3A_76 = tpu.memref_slice %arg2[%dma_start3A_73, %add3A_72, %dma_start3A_75] : memref<4x4096x1024xf32, #tpu.memory_space<hbm>> -> memref<1x8x1024xf32, #tpu.memory_space<hbm>>
    %dma_start3A_77 = tpu.memref_squeeze %dma_start3A_76 : memref<1x8x1024xf32, #tpu.memory_space<hbm>> -> memref<8x1024xf32, #tpu.memory_space<hbm>>
    %dma_start3A_78 = tpu.memref_slice %arg16[%dma_start3A_74] : memref<8x!tpu.dma_semaphore, #tpu.memory_space<semaphore_mem>> -> memref<1x!tpu.dma_semaphore, #tpu.memory_space<semaphore_mem>>
    %dma_start3A_79 = tpu.memref_squeeze %dma_start3A_78 : memref<1x!tpu.dma_semaphore, #tpu.memory_space<semaphore_mem>> -> memref<!tpu.dma_semaphore, #tpu.memory_space<semaphore_mem>>
    %dma_start3A_80 = arith.constant 0 : i32
    %dma_start3A_81 = tpu.memref_slice %arg2[%dma_start3A_73, %add3A_72, %dma_start3A_80] : memref<4x4096x1024xf32, #tpu.memory_space<hbm>> -> memref<1x8x1024xf32, #tpu.memory_space<hbm>>
    %dma_start3A_82 = tpu.memref_squeeze %dma_start3A_81 : memref<1x8x1024xf32, #tpu.memory_space<hbm>> -> memref<8x1024xf32, #tpu.memory_space<hbm>>
    tpu.enqueue_dma source(%dma_start3A_82 : memref<8x1024xf32, #tpu.memory_space<hbm>>) target(%arg12 : memref<8x1024xf32, #tpu.memory_space<vmem>>) target_semaphore(%dma_start3A_79 : memref<!tpu.dma_semaphore, #tpu.memory_space<semaphore_mem>>)
    %add3A_83 = arith.constant 8 : i32
    %add3A_84 = arith.addi %mul3A_2, %add3A_83 : i32
    %dma_start3A_85 = arith.constant 2 : i32
    %dma_start3A_86 = arith.constant 6 : i32
    %dma_start3A_87 = arith.constant 0 : i32
    %dma_start3A_88 = tpu.memref_slice %arg2[%dma_start3A_85, %add3A_84, %dma_start3A_87] : memref<4x4096x1024xf32, #tpu.memory_space<hbm>> -> memref<1x8x1024xf32, #tpu.memory_space<hbm>>
    %dma_start3A_89 = tpu.memref_squeeze %dma_start3A_88 : memref<1x8x1024xf32, #tpu.memory_space<hbm>> -> memref<8x1024xf32, #tpu.memory_space<hbm>>
    %dma_start3A_90 = tpu.memref_slice %arg16[%dma_start3A_86] : memref<8x!tpu.dma_semaphore, #tpu.memory_space<semaphore_mem>> -> memref<1x!tpu.dma_semaphore, #tpu.memory_space<semaphore_mem>>
    %dma_start3A_91 = tpu.memref_squeeze %dma_start3A_90 : memref<1x!tpu.dma_semaphore, #tpu.memory_space<semaphore_mem>> -> memref<!tpu.dma_semaphore, #tpu.memory_space<semaphore_mem>>
    %dma_start3A_92 = arith.constant 0 : i32
    %dma_start3A_93 = tpu.memref_slice %arg2[%dma_start3A_85, %add3A_84, %dma_start3A_92] : memref<4x4096x1024xf32, #tpu.memory_space<hbm>> -> memref<1x8x1024xf32, #tpu.memory_space<hbm>>
    %dma_start3A_94 = tpu.memref_squeeze %dma_start3A_93 : memref<1x8x1024xf32, #tpu.memory_space<hbm>> -> memref<8x1024xf32, #tpu.memory_space<hbm>>
    tpu.enqueue_dma source(%dma_start3A_94 : memref<8x1024xf32, #tpu.memory_space<hbm>>) target(%arg13 : memref<8x1024xf32, #tpu.memory_space<vmem>>) target_semaphore(%dma_start3A_91 : memref<!tpu.dma_semaphore, #tpu.memory_space<semaphore_mem>>)
    %scan3A = arith.constant 0 : i32
    %scan3A_95 = arith.constant 8 : i32
    %scan3A_96 = arith.addi %scan3A, %scan3A_95 : i32
    %scan3A_97 = arith.constant 1 : i32
    scf.for %scan3A_194 = %scan3A to %scan3A_96 step %scan3A_97  : i32 {
      %mul3A_195 = arith.constant 8 : i32
      %mul3A_196 = arith.muli %scan3A_194, %mul3A_195 : i32
      %add3A_197 = arith.constant 0 : i32
      %add3A_198 = arith.addi %mul3A_196, %add3A_197 : i32
      %mul3A_199 = arith.constant 2 : i32
      %mul3A_200 = arith.muli %mul3A_199, %scan3A_194 : i32
      %add3A_201 = arith.constant 0 : i32
      %add3A_202 = arith.addi %mul3A_200, %add3A_201 : i32
      %mul3A_203 = arith.constant 8 : i32
      %mul3A_204 = arith.muli %add3A_202, %mul3A_203 : i32
      %add3A_205 = arith.addi %mul3A_2, %mul3A_204 : i32
      %dma_wait3A_206 = arith.constant 0 : i32
      %dma_wait3A_207 = arith.constant 0 : i32
      %dma_wait3A_208 = tpu.memref_slice %arg3[%add3A_205, %dma_wait3A_207] : memref<8192x1024xf32, #tpu.memory_space<hbm>> -> memref<8x1024xf32, #tpu.memory_space<hbm>>
      %dma_wait3A_209 = tpu.memref_slice %arg15[%dma_wait3A_206] : memref<2x!tpu.dma_semaphore, #tpu.memory_space<semaphore_mem>> -> memref<1x!tpu.dma_semaphore, #tpu.memory_space<semaphore_mem>>
      %dma_wait3A_210 = tpu.memref_squeeze %dma_wait3A_209 : memref<1x!tpu.dma_semaphore, #tpu.memory_space<semaphore_mem>> -> memref<!tpu.dma_semaphore, #tpu.memory_space<semaphore_mem>>
      %dma_wait3A_211 = arith.constant 0 : i32
      %dma_wait3A_212 = tpu.memref_slice %arg3[%add3A_205, %dma_wait3A_211] : memref<8192x1024xf32, #tpu.memory_space<hbm>> -> memref<8x1024xf32, #tpu.memory_space<hbm>>
      tpu.wait_dma2 semaphore(%dma_wait3A_210 : memref<!tpu.dma_semaphore, #tpu.memory_space<semaphore_mem>>) src(%dma_wait3A_212 : memref<8x1024xf32, #tpu.memory_space<hbm>>) dst(%arg5 : memref<8x1024xf32, #tpu.memory_space<vmem>>)
      %add3A_213 = arith.constant 1 : i32
      %add3A_214 = arith.addi %add3A_202, %add3A_213 : i32
      %mul3A_215 = arith.constant 8 : i32
      %mul3A_216 = arith.muli %add3A_214, %mul3A_215 : i32
      %add3A_217 = arith.addi %mul3A_2, %mul3A_216 : i32
      %dma_start3A_218 = arith.constant 1 : i32
      %dma_start3A_219 = arith.constant 0 : i32
      %dma_start3A_220 = tpu.memref_slice %arg3[%add3A_217, %dma_start3A_219] : memref<8192x1024xf32, #tpu.memory_space<hbm>> -> memref<8x1024xf32, #tpu.memory_space<hbm>>
      %dma_start3A_221 = tpu.memref_slice %arg15[%dma_start3A_218] : memref<2x!tpu.dma_semaphore, #tpu.memory_space<semaphore_mem>> -> memref<1x!tpu.dma_semaphore, #tpu.memory_space<semaphore_mem>>
      %dma_start3A_222 = tpu.memref_squeeze %dma_start3A_221 : memref<1x!tpu.dma_semaphore, #tpu.memory_space<semaphore_mem>> -> memref<!tpu.dma_semaphore, #tpu.memory_space<semaphore_mem>>
      %dma_start3A_223 = arith.constant 0 : i32
      %dma_start3A_224 = tpu.memref_slice %arg3[%add3A_217, %dma_start3A_223] : memref<8192x1024xf32, #tpu.memory_space<hbm>> -> memref<8x1024xf32, #tpu.memory_space<hbm>>
      tpu.enqueue_dma source(%dma_start3A_224 : memref<8x1024xf32, #tpu.memory_space<hbm>>) target(%arg6 : memref<8x1024xf32, #tpu.memory_space<vmem>>) target_semaphore(%dma_start3A_222 : memref<!tpu.dma_semaphore, #tpu.memory_space<semaphore_mem>>)
      %jit3A = arith.constant 4 : i32
      %div3A = arith.divsi %add3A_198, %jit3A : i32
      %sign3A = arith.constant 0 : i32
      %sign3A_225 = arith.cmpi sgt, %add3A_198, %sign3A : i32
      %sign3A_226 = arith.extui %sign3A_225 : i1 to i32
      %sign3A_227 = arith.constant 0 : i32
      %sign3A_228 = arith.cmpi slt, %add3A_198, %sign3A_227 : i32
      %sign3A_229 = arith.extui %sign3A_228 : i1 to i32
      %sign3A_230 = arith.subi %sign3A_226, %sign3A_229 : i32
      %sign3A_231 = arith.constant 0 : i32
      %sign3A_232 = arith.cmpi sgt, %jit3A, %sign3A_231 : i32
      %sign3A_233 = arith.extui %sign3A_232 : i1 to i32
      %sign3A_234 = arith.constant 0 : i32
      %sign3A_235 = arith.cmpi slt, %jit3A, %sign3A_234 : i32
      %sign3A_236 = arith.extui %sign3A_235 : i1 to i32
      %sign3A_237 = arith.subi %sign3A_233, %sign3A_236 : i32
      %ne3A = arith.cmpi ne, %sign3A_230, %sign3A_237 : i32
      %rem3A = arith.remsi %add3A_198, %jit3A : i32
      %ne3A_238 = arith.constant 0 : i32
      %ne3A_239 = arith.cmpi ne, %rem3A, %ne3A_238 : i32
      %and3A = arith.andi %ne3A, %ne3A_239 : i1
      %sub3A = arith.constant 1 : i32
      %sub3A_240 = arith.subi %div3A, %sub3A : i32
      %select_n3A = arith.select %and3A, %sub3A_240, %div3A : i32
      %jit3A_241 = arith.constant 4 : i32
      %eq3A = arith.constant 0 : i32
      %eq3A_242 = arith.cmpi eq, %jit3A_241, %eq3A : i32
      %jit3A_243 = arith.constant 1 : i32
      %select_n3A_244 = arith.select %eq3A_242, %jit3A_243, %jit3A_241 : i32
      %rem3A_245 = arith.remsi %add3A_198, %select_n3A_244 : i32
      %ne3A_246 = arith.constant 0 : i32
      %ne3A_247 = arith.cmpi ne, %rem3A_245, %ne3A_246 : i32
      %lt3A = arith.constant 0 : i32
      %lt3A_248 = arith.cmpi slt, %rem3A_245, %lt3A : i32
      %lt3A_249 = arith.constant 0 : i32
      %lt3A_250 = arith.cmpi slt, %select_n3A_244, %lt3A_249 : i32
      %ne3A_251 = arith.xori %lt3A_248, %lt3A_250 : i1
      %and3A_252 = arith.andi %ne3A_251, %ne3A_247 : i1
      %add3A_253 = arith.addi %rem3A_245, %select_n3A_244 : i32
      %select_n3A_254 = arith.select %and3A_252, %add3A_253, %rem3A_245 : i32
      %mul3A_255 = arith.constant 8 : i32
      %mul3A_256 = arith.muli %select_n3A, %mul3A_255 : i32
      %add3A_257 = arith.addi %mul3A_2, %mul3A_256 : i32
      %dma_wait3A_258 = arith.constant 0 : i32
      %dma_wait3A_259 = arith.constant 0 : i32
      %dma_wait3A_260 = tpu.memref_slice %arg2[%select_n3A_254, %add3A_257, %dma_wait3A_259] : memref<4x4096x1024xf32, #tpu.memory_space<hbm>> -> memref<1x8x1024xf32, #tpu.memory_space<hbm>>
      %dma_wait3A_261 = tpu.memref_squeeze %dma_wait3A_260 : memref<1x8x1024xf32, #tpu.memory_space<hbm>> -> memref<8x1024xf32, #tpu.memory_space<hbm>>
      %dma_wait3A_262 = tpu.memref_slice %arg16[%dma_wait3A_258] : memref<8x!tpu.dma_semaphore, #tpu.memory_space<semaphore_mem>> -> memref<1x!tpu.dma_semaphore, #tpu.memory_space<semaphore_mem>>
      %dma_wait3A_263 = tpu.memref_squeeze %dma_wait3A_262 : memref<1x!tpu.dma_semaphore, #tpu.memory_space<semaphore_mem>> -> memref<!tpu.dma_semaphore, #tpu.memory_space<semaphore_mem>>
      %dma_wait3A_264 = arith.constant 0 : i32
      %dma_wait3A_265 = tpu.memref_slice %arg2[%select_n3A_254, %add3A_257, %dma_wait3A_264] : memref<4x4096x1024xf32, #tpu.memory_space<hbm>> -> memref<1x8x1024xf32, #tpu.memory_space<hbm>>
      %dma_wait3A_266 = tpu.memref_squeeze %dma_wait3A_265 : memref<1x8x1024xf32, #tpu.memory_space<hbm>> -> memref<8x1024xf32, #tpu.memory_space<hbm>>
      tpu.wait_dma2 semaphore(%dma_wait3A_263 : memref<!tpu.dma_semaphore, #tpu.memory_space<semaphore_mem>>) src(%dma_wait3A_266 : memref<8x1024xf32, #tpu.memory_space<hbm>>) dst(%arg7 : memref<8x1024xf32, #tpu.memory_space<vmem>>)
      %parallel_loop3A = arith.constant 0 : i32
      %parallel_loop3A_267 = arith.constant 8192 : i32
      %parallel_loop3A_268 = arith.constant 16 : i32
      scf.for %parallel_loop3A_1217 = %parallel_loop3A to %parallel_loop3A_267 step %parallel_loop3A_268  : i32 {
        %parallel_loop3A_1218 = arith.constant 1024 : i32
        %parallel_loop3A_1219 = arith.divsi %parallel_loop3A_1217, %parallel_loop3A_1218 : i32
        %parallel_loop3A_1220 = arith.constant 0 : i32
        %parallel_loop3A_1221 = arith.cmpi sgt, %parallel_loop3A_1217, %parallel_loop3A_1220 : i32
        %parallel_loop3A_1222 = arith.extui %parallel_loop3A_1221 : i1 to i32
        %parallel_loop3A_1223 = arith.constant 0 : i32
        %parallel_loop3A_1224 = arith.cmpi slt, %parallel_loop3A_1217, %parallel_loop3A_1223 : i32
        %parallel_loop3A_1225 = arith.extui %parallel_loop3A_1224 : i1 to i32
        %parallel_loop3A_1226 = arith.subi %parallel_loop3A_1222, %parallel_loop3A_1225 : i32
        %parallel_loop3A_1227 = arith.constant 0 : i32
        %parallel_loop3A_1228 = arith.cmpi sgt, %parallel_loop3A_1218, %parallel_loop3A_1227 : i32
        %parallel_loop3A_1229 = arith.extui %parallel_loop3A_1228 : i1 to i32
        %parallel_loop3A_1230 = arith.constant 0 : i32
        %parallel_loop3A_1231 = arith.cmpi slt, %parallel_loop3A_1218, %parallel_loop3A_1230 : i32
        %parallel_loop3A_1232 = arith.extui %parallel_loop3A_1231 : i1 to i32
        %parallel_loop3A_1233 = arith.subi %parallel_loop3A_1229, %parallel_loop3A_1232 : i32
        %parallel_loop3A_1234 = arith.cmpi ne, %parallel_loop3A_1226, %parallel_loop3A_1233 : i32
        %parallel_loop3A_1235 = arith.remsi %parallel_loop3A_1217, %parallel_loop3A_1218 : i32
        %parallel_loop3A_1236 = arith.constant 0 : i32
        %parallel_loop3A_1237 = arith.cmpi ne, %parallel_loop3A_1235, %parallel_loop3A_1236 : i32
        %parallel_loop3A_1238 = arith.andi %parallel_loop3A_1234, %parallel_loop3A_1237 : i1
        %parallel_loop3A_1239 = arith.constant 1 : i32
        %parallel_loop3A_1240 = arith.subi %parallel_loop3A_1219, %parallel_loop3A_1239 : i32
        %parallel_loop3A_1241 = arith.select %parallel_loop3A_1238, %parallel_loop3A_1240, %parallel_loop3A_1219 : i32
        %parallel_loop3A_1242 = arith.constant 1024 : i32
        %parallel_loop3A_1243 = arith.constant 0 : i32
        %parallel_loop3A_1244 = arith.cmpi eq, %parallel_loop3A_1242, %parallel_loop3A_1243 : i32
        %parallel_loop3A_1245 = arith.constant 1 : i32
        %parallel_loop3A_1246 = arith.select %parallel_loop3A_1244, %parallel_loop3A_1245, %parallel_loop3A_1242 : i32
        %parallel_loop3A_1247 = arith.remsi %parallel_loop3A_1217, %parallel_loop3A_1246 : i32
        %parallel_loop3A_1248 = arith.constant 0 : i32
        %parallel_loop3A_1249 = arith.cmpi ne, %parallel_loop3A_1247, %parallel_loop3A_1248 : i32
        %parallel_loop3A_1250 = arith.constant 0 : i32
        %parallel_loop3A_1251 = arith.cmpi slt, %parallel_loop3A_1247, %parallel_loop3A_1250 : i32
        %parallel_loop3A_1252 = arith.constant 0 : i32
        %parallel_loop3A_1253 = arith.cmpi slt, %parallel_loop3A_1246, %parallel_loop3A_1252 : i32
        %parallel_loop3A_1254 = arith.xori %parallel_loop3A_1251, %parallel_loop3A_1253 : i1
        %parallel_loop3A_1255 = arith.andi %parallel_loop3A_1254, %parallel_loop3A_1249 : i1
        %parallel_loop3A_1256 = arith.addi %parallel_loop3A_1247, %parallel_loop3A_1246 : i32
        %parallel_loop3A_1257 = arith.select %parallel_loop3A_1255, %parallel_loop3A_1256, %parallel_loop3A_1247 : i32
        %parallel_loop3A_1258 = arith.index_cast %parallel_loop3A_1241 : i32 to index
        %parallel_loop3A_1259 = arith.index_cast %parallel_loop3A_1257 : i32 to index
        %parallel_loop3A_1260 = tpu.vector_load %arg5[%parallel_loop3A_1258, %parallel_loop3A_1259] {strides = array<i32>} : memref<8x1024xf32, #tpu.memory_space<vmem>>, vector<1x16xf32>,
        %parallel_loop3A_1261 = vector.shape_cast %parallel_loop3A_1260 : vector<1x16xf32> to vector<16xf32>
        %parallel_loop3A_1262 = arith.index_cast %parallel_loop3A_1241 : i32 to index
        %parallel_loop3A_1263 = arith.index_cast %parallel_loop3A_1257 : i32 to index
        %parallel_loop3A_1264 = tpu.vector_load %arg7[%parallel_loop3A_1262, %parallel_loop3A_1263] {strides = array<i32>} : memref<8x1024xf32, #tpu.memory_space<vmem>>, vector<1x16xf32>,
        %parallel_loop3A_1265 = vector.shape_cast %parallel_loop3A_1264 : vector<1x16xf32> to vector<16xf32>
        %parallel_loop3A_1266 = vector.shape_cast %parallel_loop3A_1261 : vector<16xf32> to vector<1x16xf32>
        tpu.vector_store %arg7[%parallel_loop3A_1262, %parallel_loop3A_1263], %parallel_loop3A_1266 {add = true, strides = array<i32>} : memref<8x1024xf32, #tpu.memory_space<vmem>>, vector<1x16xf32>,
      } {sc.loop_unroll_factor = 8 : i64, sc.parallel_access}
      %jit3A_269 = arith.constant 4 : i32
      %div3A_270 = arith.divsi %add3A_198, %jit3A_269 : i32
      %sign3A_271 = arith.constant 0 : i32
      %sign3A_272 = arith.cmpi sgt, %add3A_198, %sign3A_271 : i32
      %sign3A_273 = arith.extui %sign3A_272 : i1 to i32
      %sign3A_274 = arith.constant 0 : i32
      %sign3A_275 = arith.cmpi slt, %add3A_198, %sign3A_274 : i32
      %sign3A_276 = arith.extui %sign3A_275 : i1 to i32
      %sign3A_277 = arith.subi %sign3A_273, %sign3A_276 : i32
      %sign3A_278 = arith.constant 0 : i32
      %sign3A_279 = arith.cmpi sgt, %jit3A_269, %sign3A_278 : i32
      %sign3A_280 = arith.extui %sign3A_279 : i1 to i32
      %sign3A_281 = arith.constant 0 : i32
      %sign3A_282 = arith.cmpi slt, %jit3A_269, %sign3A_281 : i32
      %sign3A_283 = arith.extui %sign3A_282 : i1 to i32
      %sign3A_284 = arith.subi %sign3A_280, %sign3A_283 : i32
      %ne3A_285 = arith.cmpi ne, %sign3A_277, %sign3A_284 : i32
      %rem3A_286 = arith.remsi %add3A_198, %jit3A_269 : i32
      %ne3A_287 = arith.constant 0 : i32
      %ne3A_288 = arith.cmpi ne, %rem3A_286, %ne3A_287 : i32
      %and3A_289 = arith.andi %ne3A_285, %ne3A_288 : i1
      %sub3A_290 = arith.constant 1 : i32
      %sub3A_291 = arith.subi %div3A_270, %sub3A_290 : i32
      %select_n3A_292 = arith.select %and3A_289, %sub3A_291, %div3A_270 : i32
      %jit3A_293 = arith.constant 4 : i32
      %eq3A_294 = arith.constant 0 : i32
      %eq3A_295 = arith.cmpi eq, %jit3A_293, %eq3A_294 : i32
      %jit3A_296 = arith.constant 1 : i32
      %select_n3A_297 = arith.select %eq3A_295, %jit3A_296, %jit3A_293 : i32
      %rem3A_298 = arith.remsi %add3A_198, %select_n3A_297 : i32
      %ne3A_299 = arith.constant 0 : i32
      %ne3A_300 = arith.cmpi ne, %rem3A_298, %ne3A_299 : i32
      %lt3A_301 = arith.constant 0 : i32
      %lt3A_302 = arith.cmpi slt, %rem3A_298, %lt3A_301 : i32
      %lt3A_303 = arith.constant 0 : i32
      %lt3A_304 = arith.cmpi slt, %select_n3A_297, %lt3A_303 : i32
      %ne3A_305 = arith.xori %lt3A_302, %lt3A_304 : i1
      %and3A_306 = arith.andi %ne3A_305, %ne3A_300 : i1
      %add3A_307 = arith.addi %rem3A_298, %select_n3A_297 : i32
      %select_n3A_308 = arith.select %and3A_306, %add3A_307, %rem3A_298 : i32
      %mul3A_309 = arith.constant 8 : i32
      %mul3A_310 = arith.muli %select_n3A_292, %mul3A_309 : i32
      %add3A_311 = arith.addi %mul3A_2, %mul3A_310 : i32
      %dma_start3A_312 = arith.constant 0 : i32
      %dma_start3A_313 = arith.constant 0 : i32
      %dma_start3A_314 = tpu.memref_slice %arg4[%select_n3A_308, %add3A_311, %dma_start3A_313] : memref<4x4096x1024xf32, #tpu.memory_space<hbm>> -> memref<1x8x1024xf32, #tpu.memory_space<hbm>>
      %dma_start3A_315 = tpu.memref_squeeze %dma_start3A_314 : memref<1x8x1024xf32, #tpu.memory_space<hbm>> -> memref<8x1024xf32, #tpu.memory_space<hbm>>
      %dma_start3A_316 = tpu.memref_slice %arg17[%dma_start3A_312] : memref<8x!tpu.dma_semaphore, #tpu.memory_space<semaphore_mem>> -> memref<1x!tpu.dma_semaphore, #tpu.memory_space<semaphore_mem>>
      %dma_start3A_317 = tpu.memref_squeeze %dma_start3A_316 : memref<1x!tpu.dma_semaphore, #tpu.memory_space<semaphore_mem>> -> memref<!tpu.dma_semaphore, #tpu.memory_space<semaphore_mem>>
      %dma_start3A_318 = arith.constant 0 : i32
      %dma_start3A_319 = tpu.memref_slice %arg4[%select_n3A_308, %add3A_311, %dma_start3A_318] : memref<4x4096x1024xf32, #tpu.memory_space<hbm>> -> memref<1x8x1024xf32, #tpu.memory_space<hbm>>
      %dma_start3A_320 = tpu.memref_squeeze %dma_start3A_319 : memref<1x8x1024xf32, #tpu.memory_space<hbm>> -> memref<8x1024xf32, #tpu.memory_space<hbm>>
      tpu.enqueue_dma source(%arg7 : memref<8x1024xf32, #tpu.memory_space<vmem>>) target(%dma_start3A_320 : memref<8x1024xf32, #tpu.memory_space<hbm>>) target_semaphore(%dma_start3A_317 : memref<!tpu.dma_semaphore, #tpu.memory_space<semaphore_mem>>)
      %ge3A = arith.constant 1 : i32
      %ge3A_321 = arith.cmpi sge, %add3A_198, %ge3A : i32
      %convert_element_type3A = arith.extui %ge3A_321 : i1 to i32
      %cond3A = arith.constant 0 : i32
      %cond3A_322 = arith.cmpi ne, %convert_element_type3A, %cond3A : i32
      scf.if %cond3A_322 {
        %sub3A_1217 = arith.constant 1 : i32
        %sub3A_1218 = arith.subi %add3A_198, %sub3A_1217 : i32
        %jit3A_1219 = arith.constant 4 : i32
        %div3A_1220 = arith.divsi %sub3A_1218, %jit3A_1219 : i32
        %sign3A_1221 = arith.constant 0 : i32
        %sign3A_1222 = arith.cmpi sgt, %sub3A_1218, %sign3A_1221 : i32
        %sign3A_1223 = arith.extui %sign3A_1222 : i1 to i32
        %sign3A_1224 = arith.constant 0 : i32
        %sign3A_1225 = arith.cmpi slt, %sub3A_1218, %sign3A_1224 : i32
        %sign3A_1226 = arith.extui %sign3A_1225 : i1 to i32
        %sign3A_1227 = arith.subi %sign3A_1223, %sign3A_1226 : i32
        %sign3A_1228 = arith.constant 0 : i32
        %sign3A_1229 = arith.cmpi sgt, %jit3A_1219, %sign3A_1228 : i32
        %sign3A_1230 = arith.extui %sign3A_1229 : i1 to i32
        %sign3A_1231 = arith.constant 0 : i32
        %sign3A_1232 = arith.cmpi slt, %jit3A_1219, %sign3A_1231 : i32
        %sign3A_1233 = arith.extui %sign3A_1232 : i1 to i32
        %sign3A_1234 = arith.subi %sign3A_1230, %sign3A_1233 : i32
        %ne3A_1235 = arith.cmpi ne, %sign3A_1227, %sign3A_1234 : i32
        %rem3A_1236 = arith.remsi %sub3A_1218, %jit3A_1219 : i32
        %ne3A_1237 = arith.constant 0 : i32
        %ne3A_1238 = arith.cmpi ne, %rem3A_1236, %ne3A_1237 : i32
        %and3A_1239 = arith.andi %ne3A_1235, %ne3A_1238 : i1
        %sub3A_1240 = arith.constant 1 : i32
        %sub3A_1241 = arith.subi %div3A_1220, %sub3A_1240 : i32
        %select_n3A_1242 = arith.select %and3A_1239, %sub3A_1241, %div3A_1220 : i32
        %jit3A_1243 = arith.constant 4 : i32
        %eq3A_1244 = arith.constant 0 : i32
        %eq3A_1245 = arith.cmpi eq, %jit3A_1243, %eq3A_1244 : i32
        %jit3A_1246 = arith.constant 1 : i32
        %select_n3A_1247 = arith.select %eq3A_1245, %jit3A_1246, %jit3A_1243 : i32
        %rem3A_1248 = arith.remsi %sub3A_1218, %select_n3A_1247 : i32
        %ne3A_1249 = arith.constant 0 : i32
        %ne3A_1250 = arith.cmpi ne, %rem3A_1248, %ne3A_1249 : i32
        %lt3A_1251 = arith.constant 0 : i32
        %lt3A_1252 = arith.cmpi slt, %rem3A_1248, %lt3A_1251 : i32
        %lt3A_1253 = arith.constant 0 : i32
        %lt3A_1254 = arith.cmpi slt, %select_n3A_1247, %lt3A_1253 : i32
        %ne3A_1255 = arith.xori %lt3A_1252, %lt3A_1254 : i1
        %and3A_1256 = arith.andi %ne3A_1255, %ne3A_1250 : i1
        %add3A_1257 = arith.addi %rem3A_1248, %select_n3A_1247 : i32
        %select_n3A_1258 = arith.select %and3A_1256, %add3A_1257, %rem3A_1248 : i32
        %mul3A_1259 = arith.constant 8 : i32
        %mul3A_1260 = arith.muli %select_n3A_1242, %mul3A_1259 : i32
        %add3A_1261 = arith.addi %mul3A_2, %mul3A_1260 : i32
        %dma_wait3A_1262 = arith.constant 7 : i32
        %dma_wait3A_1263 = arith.constant 0 : i32
        %dma_wait3A_1264 = tpu.memref_slice %arg4[%select_n3A_1258, %add3A_1261, %dma_wait3A_1263] : memref<4x4096x1024xf32, #tpu.memory_space<hbm>> -> memref<1x8x1024xf32, #tpu.memory_space<hbm>>
        %dma_wait3A_1265 = tpu.memref_squeeze %dma_wait3A_1264 : memref<1x8x1024xf32, #tpu.memory_space<hbm>> -> memref<8x1024xf32, #tpu.memory_space<hbm>>
        %dma_wait3A_1266 = tpu.memref_slice %arg17[%dma_wait3A_1262] : memref<8x!tpu.dma_semaphore, #tpu.memory_space<semaphore_mem>> -> memref<1x!tpu.dma_semaphore, #tpu.memory_space<semaphore_mem>>
        %dma_wait3A_1267 = tpu.memref_squeeze %dma_wait3A_1266 : memref<1x!tpu.dma_semaphore, #tpu.memory_space<semaphore_mem>> -> memref<!tpu.dma_semaphore, #tpu.memory_space<semaphore_mem>>
        %dma_wait3A_1268 = arith.constant 0 : i32
        %dma_wait3A_1269 = tpu.memref_slice %arg4[%select_n3A_1258, %add3A_1261, %dma_wait3A_1268] : memref<4x4096x1024xf32, #tpu.memory_space<hbm>> -> memref<1x8x1024xf32, #tpu.memory_space<hbm>>
        %dma_wait3A_1270 = tpu.memref_squeeze %dma_wait3A_1269 : memref<1x8x1024xf32, #tpu.memory_space<hbm>> -> memref<8x1024xf32, #tpu.memory_space<hbm>>
        tpu.wait_dma2 semaphore(%dma_wait3A_1267 : memref<!tpu.dma_semaphore, #tpu.memory_space<semaphore_mem>>) src(%arg14 : memref<8x1024xf32, #tpu.memory_space<vmem>>) dst(%dma_wait3A_1270 : memref<8x1024xf32, #tpu.memory_space<hbm>>)
      } else {
      }
      %add3A_323 = arith.constant 8 : i32
      %add3A_324 = arith.addi %add3A_198, %add3A_323 : i32
      %sub3A_325 = arith.constant 1 : i32
      %sub3A_326 = arith.subi %add3A_324, %sub3A_325 : i32
      %lt3A_327 = arith.constant 64 : i32
      %lt3A_328 = arith.cmpi slt, %sub3A_326, %lt3A_327 : i32
      %convert_element_type3A_329 = arith.extui %lt3A_328 : i1 to i32
      %cond3A_330 = arith.constant 0 : i32
      %cond3A_331 = arith.cmpi ne, %convert_element_type3A_329, %cond3A_330 : i32
      scf.if %cond3A_331 {
        %add3A_1217 = arith.constant 8 : i32
        %add3A_1218 = arith.addi %add3A_198, %add3A_1217 : i32
        %sub3A_1219 = arith.constant 1 : i32
        %sub3A_1220 = arith.subi %add3A_1218, %sub3A_1219 : i32
        %jit3A_1221 = arith.constant 4 : i32
        %div3A_1222 = arith.divsi %sub3A_1220, %jit3A_1221 : i32
        %sign3A_1223 = arith.constant 0 : i32
        %sign3A_1224 = arith.cmpi sgt, %sub3A_1220, %sign3A_1223 : i32
        %sign3A_1225 = arith.extui %sign3A_1224 : i1 to i32
        %sign3A_1226 = arith.constant 0 : i32
        %sign3A_1227 = arith.cmpi slt, %sub3A_1220, %sign3A_1226 : i32
        %sign3A_1228 = arith.extui %sign3A_1227 : i1 to i32
        %sign3A_1229 = arith.subi %sign3A_1225, %sign3A_1228 : i32
        %sign3A_1230 = arith.constant 0 : i32
        %sign3A_1231 = arith.cmpi sgt, %jit3A_1221, %sign3A_1230 : i32
        %sign3A_1232 = arith.extui %sign3A_1231 : i1 to i32
        %sign3A_1233 = arith.constant 0 : i32
        %sign3A_1234 = arith.cmpi slt, %jit3A_1221, %sign3A_1233 : i32
        %sign3A_1235 = arith.extui %sign3A_1234 : i1 to i32
        %sign3A_1236 = arith.subi %sign3A_1232, %sign3A_1235 : i32
        %ne3A_1237 = arith.cmpi ne, %sign3A_1229, %sign3A_1236 : i32
        %rem3A_1238 = arith.remsi %sub3A_1220, %jit3A_1221 : i32
        %ne3A_1239 = arith.constant 0 : i32
        %ne3A_1240 = arith.cmpi ne, %rem3A_1238, %ne3A_1239 : i32
        %and3A_1241 = arith.andi %ne3A_1237, %ne3A_1240 : i1
        %sub3A_1242 = arith.constant 1 : i32
        %sub3A_1243 = arith.subi %div3A_1222, %sub3A_1242 : i32
        %select_n3A_1244 = arith.select %and3A_1241, %sub3A_1243, %div3A_1222 : i32
        %jit3A_1245 = arith.constant 4 : i32
        %eq3A_1246 = arith.constant 0 : i32
        %eq3A_1247 = arith.cmpi eq, %jit3A_1245, %eq3A_1246 : i32
        %jit3A_1248 = arith.constant 1 : i32
        %select_n3A_1249 = arith.select %eq3A_1247, %jit3A_1248, %jit3A_1245 : i32
        %rem3A_1250 = arith.remsi %sub3A_1220, %select_n3A_1249 : i32
        %ne3A_1251 = arith.constant 0 : i32
        %ne3A_1252 = arith.cmpi ne, %rem3A_1250, %ne3A_1251 : i32
        %lt3A_1253 = arith.constant 0 : i32
        %lt3A_1254 = arith.cmpi slt, %rem3A_1250, %lt3A_1253 : i32
        %lt3A_1255 = arith.constant 0 : i32
        %lt3A_1256 = arith.cmpi slt, %select_n3A_1249, %lt3A_1255 : i32
        %ne3A_1257 = arith.xori %lt3A_1254, %lt3A_1256 : i1
        %and3A_1258 = arith.andi %ne3A_1257, %ne3A_1252 : i1
        %add3A_1259 = arith.addi %rem3A_1250, %select_n3A_1249 : i32
        %select_n3A_1260 = arith.select %and3A_1258, %add3A_1259, %rem3A_1250 : i32
        %mul3A_1261 = arith.constant 8 : i32
        %mul3A_1262 = arith.muli %select_n3A_1244, %mul3A_1261 : i32
        %add3A_1263 = arith.addi %mul3A_2, %mul3A_1262 : i32
        %dma_start3A_1264 = arith.constant 7 : i32
        %dma_start3A_1265 = arith.constant 0 : i32
        %dma_start3A_1266 = tpu.memref_slice %arg2[%select_n3A_1260, %add3A_1263, %dma_start3A_1265] : memref<4x4096x1024xf32, #tpu.memory_space<hbm>> -> memref<1x8x1024xf32, #tpu.memory_space<hbm>>
        %dma_start3A_1267 = tpu.memref_squeeze %dma_start3A_1266 : memref<1x8x1024xf32, #tpu.memory_space<hbm>> -> memref<8x1024xf32, #tpu.memory_space<hbm>>
        %dma_start3A_1268 = tpu.memref_slice %arg16[%dma_start3A_1264] : memref<8x!tpu.dma_semaphore, #tpu.memory_space<semaphore_mem>> -> memref<1x!tpu.dma_semaphore, #tpu.memory_space<semaphore_mem>>
        %dma_start3A_1269 = tpu.memref_squeeze %dma_start3A_1268 : memref<1x!tpu.dma_semaphore, #tpu.memory_space<semaphore_mem>> -> memref<!tpu.dma_semaphore, #tpu.memory_space<semaphore_mem>>
        %dma_start3A_1270 = arith.constant 0 : i32
        %dma_start3A_1271 = tpu.memref_slice %arg2[%select_n3A_1260, %add3A_1263, %dma_start3A_1270] : memref<4x4096x1024xf32, #tpu.memory_space<hbm>> -> memref<1x8x1024xf32, #tpu.memory_space<hbm>>
        %dma_start3A_1272 = tpu.memref_squeeze %dma_start3A_1271 : memref<1x8x1024xf32, #tpu.memory_space<hbm>> -> memref<8x1024xf32, #tpu.memory_space<hbm>>
        tpu.enqueue_dma source(%dma_start3A_1272 : memref<8x1024xf32, #tpu.memory_space<hbm>>) target(%arg14 : memref<8x1024xf32, #tpu.memory_space<vmem>>) target_semaphore(%dma_start3A_1269 : memref<!tpu.dma_semaphore, #tpu.memory_space<semaphore_mem>>)
      } else {
      }
      %mul3A_332 = arith.constant 8 : i32
      %mul3A_333 = arith.muli %scan3A_194, %mul3A_332 : i32
      %add3A_334 = arith.constant 1 : i32
      %add3A_335 = arith.addi %mul3A_333, %add3A_334 : i32
      %mul3A_336 = arith.constant 2 : i32
      %mul3A_337 = arith.muli %mul3A_336, %scan3A_194 : i32
      %add3A_338 = arith.constant 0 : i32
      %add3A_339 = arith.addi %mul3A_337, %add3A_338 : i32
      %jit3A_340 = arith.constant 4 : i32
      %div3A_341 = arith.divsi %add3A_335, %jit3A_340 : i32
      %sign3A_342 = arith.constant 0 : i32
      %sign3A_343 = arith.cmpi sgt, %add3A_335, %sign3A_342 : i32
      %sign3A_344 = arith.extui %sign3A_343 : i1 to i32
      %sign3A_345 = arith.constant 0 : i32
      %sign3A_346 = arith.cmpi slt, %add3A_335, %sign3A_345 : i32
      %sign3A_347 = arith.extui %sign3A_346 : i1 to i32
      %sign3A_348 = arith.subi %sign3A_344, %sign3A_347 : i32
      %sign3A_349 = arith.constant 0 : i32
      %sign3A_350 = arith.cmpi sgt, %jit3A_340, %sign3A_349 : i32
      %sign3A_351 = arith.extui %sign3A_350 : i1 to i32
      %sign3A_352 = arith.constant 0 : i32
      %sign3A_353 = arith.cmpi slt, %jit3A_340, %sign3A_352 : i32
      %sign3A_354 = arith.extui %sign3A_353 : i1 to i32
      %sign3A_355 = arith.subi %sign3A_351, %sign3A_354 : i32
      %ne3A_356 = arith.cmpi ne, %sign3A_348, %sign3A_355 : i32
      %rem3A_357 = arith.remsi %add3A_335, %jit3A_340 : i32
      %ne3A_358 = arith.constant 0 : i32
      %ne3A_359 = arith.cmpi ne, %rem3A_357, %ne3A_358 : i32
      %and3A_360 = arith.andi %ne3A_356, %ne3A_359 : i1
      %sub3A_361 = arith.constant 1 : i32
      %sub3A_362 = arith.subi %div3A_341, %sub3A_361 : i32
      %select_n3A_363 = arith.select %and3A_360, %sub3A_362, %div3A_341 : i32
      %jit3A_364 = arith.constant 4 : i32
      %eq3A_365 = arith.constant 0 : i32
      %eq3A_366 = arith.cmpi eq, %jit3A_364, %eq3A_365 : i32
      %jit3A_367 = arith.constant 1 : i32
      %select_n3A_368 = arith.select %eq3A_366, %jit3A_367, %jit3A_364 : i32
      %rem3A_369 = arith.remsi %add3A_335, %select_n3A_368 : i32
      %ne3A_370 = arith.constant 0 : i32
      %ne3A_371 = arith.cmpi ne, %rem3A_369, %ne3A_370 : i32
      %lt3A_372 = arith.constant 0 : i32
      %lt3A_373 = arith.cmpi slt, %rem3A_369, %lt3A_372 : i32
      %lt3A_374 = arith.constant 0 : i32
      %lt3A_375 = arith.cmpi slt, %select_n3A_368, %lt3A_374 : i32
      %ne3A_376 = arith.xori %lt3A_373, %lt3A_375 : i1
      %and3A_377 = arith.andi %ne3A_376, %ne3A_371 : i1
      %add3A_378 = arith.addi %rem3A_369, %select_n3A_368 : i32
      %select_n3A_379 = arith.select %and3A_377, %add3A_378, %rem3A_369 : i32
      %mul3A_380 = arith.constant 8 : i32
      %mul3A_381 = arith.muli %select_n3A_363, %mul3A_380 : i32
      %add3A_382 = arith.addi %mul3A_2, %mul3A_381 : i32
      %dma_wait3A_383 = arith.constant 1 : i32
      %dma_wait3A_384 = arith.constant 0 : i32
      %dma_wait3A_385 = tpu.memref_slice %arg2[%select_n3A_379, %add3A_382, %dma_wait3A_384] : memref<4x4096x1024xf32, #tpu.memory_space<hbm>> -> memref<1x8x1024xf32, #tpu.memory_space<hbm>>
      %dma_wait3A_386 = tpu.memref_squeeze %dma_wait3A_385 : memref<1x8x1024xf32, #tpu.memory_space<hbm>> -> memref<8x1024xf32, #tpu.memory_space<hbm>>
      %dma_wait3A_387 = tpu.memref_slice %arg16[%dma_wait3A_383] : memref<8x!tpu.dma_semaphore, #tpu.memory_space<semaphore_mem>> -> memref<1x!tpu.dma_semaphore, #tpu.memory_space<semaphore_mem>>
      %dma_wait3A_388 = tpu.memref_squeeze %dma_wait3A_387 : memref<1x!tpu.dma_semaphore, #tpu.memory_space<semaphore_mem>> -> memref<!tpu.dma_semaphore, #tpu.memory_space<semaphore_mem>>
      %dma_wait3A_389 = arith.constant 0 : i32
      %dma_wait3A_390 = tpu.memref_slice %arg2[%select_n3A_379, %add3A_382, %dma_wait3A_389] : memref<4x4096x1024xf32, #tpu.memory_space<hbm>> -> memref<1x8x1024xf32, #tpu.memory_space<hbm>>
      %dma_wait3A_391 = tpu.memref_squeeze %dma_wait3A_390 : memref<1x8x1024xf32, #tpu.memory_space<hbm>> -> memref<8x1024xf32, #tpu.memory_space<hbm>>
      tpu.wait_dma2 semaphore(%dma_wait3A_388 : memref<!tpu.dma_semaphore, #tpu.memory_space<semaphore_mem>>) src(%dma_wait3A_391 : memref<8x1024xf32, #tpu.memory_space<hbm>>) dst(%arg8 : memref<8x1024xf32, #tpu.memory_space<vmem>>)
      %parallel_loop3A_392 = arith.constant 0 : i32
      %parallel_loop3A_393 = arith.constant 8192 : i32
      %parallel_loop3A_394 = arith.constant 16 : i32
      scf.for %parallel_loop3A_1217 = %parallel_loop3A_392 to %parallel_loop3A_393 step %parallel_loop3A_394  : i32 {
        %parallel_loop3A_1218 = arith.constant 1024 : i32
        %parallel_loop3A_1219 = arith.divsi %parallel_loop3A_1217, %parallel_loop3A_1218 : i32
        %parallel_loop3A_1220 = arith.constant 0 : i32
        %parallel_loop3A_1221 = arith.cmpi sgt, %parallel_loop3A_1217, %parallel_loop3A_1220 : i32
        %parallel_loop3A_1222 = arith.extui %parallel_loop3A_1221 : i1 to i32
        %parallel_loop3A_1223 = arith.constant 0 : i32
        %parallel_loop3A_1224 = arith.cmpi slt, %parallel_loop3A_1217, %parallel_loop3A_1223 : i32
        %parallel_loop3A_1225 = arith.extui %parallel_loop3A_1224 : i1 to i32
        %parallel_loop3A_1226 = arith.subi %parallel_loop3A_1222, %parallel_loop3A_1225 : i32
        %parallel_loop3A_1227 = arith.constant 0 : i32
        %parallel_loop3A_1228 = arith.cmpi sgt, %parallel_loop3A_1218, %parallel_loop3A_1227 : i32
        %parallel_loop3A_1229 = arith.extui %parallel_loop3A_1228 : i1 to i32
        %parallel_loop3A_1230 = arith.constant 0 : i32
        %parallel_loop3A_1231 = arith.cmpi slt, %parallel_loop3A_1218, %parallel_loop3A_1230 : i32
        %parallel_loop3A_1232 = arith.extui %parallel_loop3A_1231 : i1 to i32
        %parallel_loop3A_1233 = arith.subi %parallel_loop3A_1229, %parallel_loop3A_1232 : i32
        %parallel_loop3A_1234 = arith.cmpi ne, %parallel_loop3A_1226, %parallel_loop3A_1233 : i32
        %parallel_loop3A_1235 = arith.remsi %parallel_loop3A_1217, %parallel_loop3A_1218 : i32
        %parallel_loop3A_1236 = arith.constant 0 : i32
        %parallel_loop3A_1237 = arith.cmpi ne, %parallel_loop3A_1235, %parallel_loop3A_1236 : i32
        %parallel_loop3A_1238 = arith.andi %parallel_loop3A_1234, %parallel_loop3A_1237 : i1
        %parallel_loop3A_1239 = arith.constant 1 : i32
        %parallel_loop3A_1240 = arith.subi %parallel_loop3A_1219, %parallel_loop3A_1239 : i32
        %parallel_loop3A_1241 = arith.select %parallel_loop3A_1238, %parallel_loop3A_1240, %parallel_loop3A_1219 : i32
        %parallel_loop3A_1242 = arith.constant 1024 : i32
        %parallel_loop3A_1243 = arith.constant 0 : i32
        %parallel_loop3A_1244 = arith.cmpi eq, %parallel_loop3A_1242, %parallel_loop3A_1243 : i32
        %parallel_loop3A_1245 = arith.constant 1 : i32
        %parallel_loop3A_1246 = arith.select %parallel_loop3A_1244, %parallel_loop3A_1245, %parallel_loop3A_1242 : i32
        %parallel_loop3A_1247 = arith.remsi %parallel_loop3A_1217, %parallel_loop3A_1246 : i32
        %parallel_loop3A_1248 = arith.constant 0 : i32
        %parallel_loop3A_1249 = arith.cmpi ne, %parallel_loop3A_1247, %parallel_loop3A_1248 : i32
        %parallel_loop3A_1250 = arith.constant 0 : i32
        %parallel_loop3A_1251 = arith.cmpi slt, %parallel_loop3A_1247, %parallel_loop3A_1250 : i32
        %parallel_loop3A_1252 = arith.constant 0 : i32
        %parallel_loop3A_1253 = arith.cmpi slt, %parallel_loop3A_1246, %parallel_loop3A_1252 : i32
        %parallel_loop3A_1254 = arith.xori %parallel_loop3A_1251, %parallel_loop3A_1253 : i1
        %parallel_loop3A_1255 = arith.andi %parallel_loop3A_1254, %parallel_loop3A_1249 : i1
        %parallel_loop3A_1256 = arith.addi %parallel_loop3A_1247, %parallel_loop3A_1246 : i32
        %parallel_loop3A_1257 = arith.select %parallel_loop3A_1255, %parallel_loop3A_1256, %parallel_loop3A_1247 : i32
        %parallel_loop3A_1258 = arith.index_cast %parallel_loop3A_1241 : i32 to index
        %parallel_loop3A_1259 = arith.index_cast %parallel_loop3A_1257 : i32 to index
        %parallel_loop3A_1260 = tpu.vector_load %arg5[%parallel_loop3A_1258, %parallel_loop3A_1259] {strides = array<i32>} : memref<8x1024xf32, #tpu.memory_space<vmem>>, vector<1x16xf32>,
        %parallel_loop3A_1261 = vector.shape_cast %parallel_loop3A_1260 : vector<1x16xf32> to vector<16xf32>
        %parallel_loop3A_1262 = arith.index_cast %parallel_loop3A_1241 : i32 to index
        %parallel_loop3A_1263 = arith.index_cast %parallel_loop3A_1257 : i32 to index
        %parallel_loop3A_1264 = tpu.vector_load %arg8[%parallel_loop3A_1262, %parallel_loop3A_1263] {strides = array<i32>} : memref<8x1024xf32, #tpu.memory_space<vmem>>, vector<1x16xf32>,
        %parallel_loop3A_1265 = vector.shape_cast %parallel_loop3A_1264 : vector<1x16xf32> to vector<16xf32>
        %parallel_loop3A_1266 = vector.shape_cast %parallel_loop3A_1261 : vector<16xf32> to vector<1x16xf32>
        tpu.vector_store %arg8[%parallel_loop3A_1262, %parallel_loop3A_1263], %parallel_loop3A_1266 {add = true, strides = array<i32>} : memref<8x1024xf32, #tpu.memory_space<vmem>>, vector<1x16xf32>,
      } {sc.loop_unroll_factor = 8 : i64, sc.parallel_access}
      %jit3A_395 = arith.constant 4 : i32
      %div3A_396 = arith.divsi %add3A_335, %jit3A_395 : i32
      %sign3A_397 = arith.constant 0 : i32
      %sign3A_398 = arith.cmpi sgt, %add3A_335, %sign3A_397 : i32
      %sign3A_399 = arith.extui %sign3A_398 : i1 to i32
      %sign3A_400 = arith.constant 0 : i32
      %sign3A_401 = arith.cmpi slt, %add3A_335, %sign3A_400 : i32
      %sign3A_402 = arith.extui %sign3A_401 : i1 to i32
      %sign3A_403 = arith.subi %sign3A_399, %sign3A_402 : i32
      %sign3A_404 = arith.constant 0 : i32
      %sign3A_405 = arith.cmpi sgt, %jit3A_395, %sign3A_404 : i32
      %sign3A_406 = arith.extui %sign3A_405 : i1 to i32
      %sign3A_407 = arith.constant 0 : i32
      %sign3A_408 = arith.cmpi slt, %jit3A_395, %sign3A_407 : i32
      %sign3A_409 = arith.extui %sign3A_408 : i1 to i32
      %sign3A_410 = arith.subi %sign3A_406, %sign3A_409 : i32
      %ne3A_411 = arith.cmpi ne, %sign3A_403, %sign3A_410 : i32
      %rem3A_412 = arith.remsi %add3A_335, %jit3A_395 : i32
      %ne3A_413 = arith.constant 0 : i32
      %ne3A_414 = arith.cmpi ne, %rem3A_412, %ne3A_413 : i32
      %and3A_415 = arith.andi %ne3A_411, %ne3A_414 : i1
      %sub3A_416 = arith.constant 1 : i32
      %sub3A_417 = arith.subi %div3A_396, %sub3A_416 : i32
      %select_n3A_418 = arith.select %and3A_415, %sub3A_417, %div3A_396 : i32
      %jit3A_419 = arith.constant 4 : i32
      %eq3A_420 = arith.constant 0 : i32
      %eq3A_421 = arith.cmpi eq, %jit3A_419, %eq3A_420 : i32
      %jit3A_422 = arith.constant 1 : i32
      %select_n3A_423 = arith.select %eq3A_421, %jit3A_422, %jit3A_419 : i32
      %rem3A_424 = arith.remsi %add3A_335, %select_n3A_423 : i32
      %ne3A_425 = arith.constant 0 : i32
      %ne3A_426 = arith.cmpi ne, %rem3A_424, %ne3A_425 : i32
      %lt3A_427 = arith.constant 0 : i32
      %lt3A_428 = arith.cmpi slt, %rem3A_424, %lt3A_427 : i32
      %lt3A_429 = arith.constant 0 : i32
      %lt3A_430 = arith.cmpi slt, %select_n3A_423, %lt3A_429 : i32
      %ne3A_431 = arith.xori %lt3A_428, %lt3A_430 : i1
      %and3A_432 = arith.andi %ne3A_431, %ne3A_426 : i1
      %add3A_433 = arith.addi %rem3A_424, %select_n3A_423 : i32
      %select_n3A_434 = arith.select %and3A_432, %add3A_433, %rem3A_424 : i32
      %mul3A_435 = arith.constant 8 : i32
      %mul3A_436 = arith.muli %select_n3A_418, %mul3A_435 : i32
      %add3A_437 = arith.addi %mul3A_2, %mul3A_436 : i32
      %dma_start3A_438 = arith.constant 1 : i32
      %dma_start3A_439 = arith.constant 0 : i32
      %dma_start3A_440 = tpu.memref_slice %arg4[%select_n3A_434, %add3A_437, %dma_start3A_439] : memref<4x4096x1024xf32, #tpu.memory_space<hbm>> -> memref<1x8x1024xf32, #tpu.memory_space<hbm>>
      %dma_start3A_441 = tpu.memref_squeeze %dma_start3A_440 : memref<1x8x1024xf32, #tpu.memory_space<hbm>> -> memref<8x1024xf32, #tpu.memory_space<hbm>>
      %dma_start3A_442 = tpu.memref_slice %arg17[%dma_start3A_438] : memref<8x!tpu.dma_semaphore, #tpu.memory_space<semaphore_mem>> -> memref<1x!tpu.dma_semaphore, #tpu.memory_space<semaphore_mem>>
      %dma_start3A_443 = tpu.memref_squeeze %dma_start3A_442 : memref<1x!tpu.dma_semaphore, #tpu.memory_space<semaphore_mem>> -> memref<!tpu.dma_semaphore, #tpu.memory_space<semaphore_mem>>
      %dma_start3A_444 = arith.constant 0 : i32
      %dma_start3A_445 = tpu.memref_slice %arg4[%select_n3A_434, %add3A_437, %dma_start3A_444] : memref<4x4096x1024xf32, #tpu.memory_space<hbm>> -> memref<1x8x1024xf32, #tpu.memory_space<hbm>>
      %dma_start3A_446 = tpu.memref_squeeze %dma_start3A_445 : memref<1x8x1024xf32, #tpu.memory_space<hbm>> -> memref<8x1024xf32, #tpu.memory_space<hbm>>
      tpu.enqueue_dma source(%arg8 : memref<8x1024xf32, #tpu.memory_space<vmem>>) target(%dma_start3A_446 : memref<8x1024xf32, #tpu.memory_space<hbm>>) target_semaphore(%dma_start3A_443 : memref<!tpu.dma_semaphore, #tpu.memory_space<semaphore_mem>>)
      %add3A_447 = arith.constant 8 : i32
      %add3A_448 = arith.addi %add3A_335, %add3A_447 : i32
      %sub3A_449 = arith.constant 1 : i32
      %sub3A_450 = arith.subi %add3A_448, %sub3A_449 : i32
      %lt3A_451 = arith.constant 64 : i32
      %lt3A_452 = arith.cmpi slt, %sub3A_450, %lt3A_451 : i32
      %convert_element_type3A_453 = arith.extui %lt3A_452 : i1 to i32
      %cond3A_454 = arith.constant 0 : i32
      %cond3A_455 = arith.cmpi ne, %convert_element_type3A_453, %cond3A_454 : i32
      scf.if %cond3A_455 {
        %sub3A_1217 = arith.constant 1 : i32
        %sub3A_1218 = arith.subi %add3A_335, %sub3A_1217 : i32
        %jit3A_1219 = arith.constant 4 : i32
        %div3A_1220 = arith.divsi %sub3A_1218, %jit3A_1219 : i32
        %sign3A_1221 = arith.constant 0 : i32
        %sign3A_1222 = arith.cmpi sgt, %sub3A_1218, %sign3A_1221 : i32
        %sign3A_1223 = arith.extui %sign3A_1222 : i1 to i32
        %sign3A_1224 = arith.constant 0 : i32
        %sign3A_1225 = arith.cmpi slt, %sub3A_1218, %sign3A_1224 : i32
        %sign3A_1226 = arith.extui %sign3A_1225 : i1 to i32
        %sign3A_1227 = arith.subi %sign3A_1223, %sign3A_1226 : i32
        %sign3A_1228 = arith.constant 0 : i32
        %sign3A_1229 = arith.cmpi sgt, %jit3A_1219, %sign3A_1228 : i32
        %sign3A_1230 = arith.extui %sign3A_1229 : i1 to i32
        %sign3A_1231 = arith.constant 0 : i32
        %sign3A_1232 = arith.cmpi slt, %jit3A_1219, %sign3A_1231 : i32
        %sign3A_1233 = arith.extui %sign3A_1232 : i1 to i32
        %sign3A_1234 = arith.subi %sign3A_1230, %sign3A_1233 : i32
        %ne3A_1235 = arith.cmpi ne, %sign3A_1227, %sign3A_1234 : i32
        %rem3A_1236 = arith.remsi %sub3A_1218, %jit3A_1219 : i32
        %ne3A_1237 = arith.constant 0 : i32
        %ne3A_1238 = arith.cmpi ne, %rem3A_1236, %ne3A_1237 : i32
        %and3A_1239 = arith.andi %ne3A_1235, %ne3A_1238 : i1
        %sub3A_1240 = arith.constant 1 : i32
        %sub3A_1241 = arith.subi %div3A_1220, %sub3A_1240 : i32
        %select_n3A_1242 = arith.select %and3A_1239, %sub3A_1241, %div3A_1220 : i32
        %jit3A_1243 = arith.constant 4 : i32
        %eq3A_1244 = arith.constant 0 : i32
        %eq3A_1245 = arith.cmpi eq, %jit3A_1243, %eq3A_1244 : i32
        %jit3A_1246 = arith.constant 1 : i32
        %select_n3A_1247 = arith.select %eq3A_1245, %jit3A_1246, %jit3A_1243 : i32
        %rem3A_1248 = arith.remsi %sub3A_1218, %select_n3A_1247 : i32
        %ne3A_1249 = arith.constant 0 : i32
        %ne3A_1250 = arith.cmpi ne, %rem3A_1248, %ne3A_1249 : i32
        %lt3A_1251 = arith.constant 0 : i32
        %lt3A_1252 = arith.cmpi slt, %rem3A_1248, %lt3A_1251 : i32
        %lt3A_1253 = arith.constant 0 : i32
        %lt3A_1254 = arith.cmpi slt, %select_n3A_1247, %lt3A_1253 : i32
        %ne3A_1255 = arith.xori %lt3A_1252, %lt3A_1254 : i1
        %and3A_1256 = arith.andi %ne3A_1255, %ne3A_1250 : i1
        %add3A_1257 = arith.addi %rem3A_1248, %select_n3A_1247 : i32
        %select_n3A_1258 = arith.select %and3A_1256, %add3A_1257, %rem3A_1248 : i32
        %mul3A_1259 = arith.constant 8 : i32
        %mul3A_1260 = arith.muli %select_n3A_1242, %mul3A_1259 : i32
        %add3A_1261 = arith.addi %mul3A_2, %mul3A_1260 : i32
        %dma_wait3A_1262 = arith.constant 0 : i32
        %dma_wait3A_1263 = arith.constant 0 : i32
        %dma_wait3A_1264 = tpu.memref_slice %arg4[%select_n3A_1258, %add3A_1261, %dma_wait3A_1263] : memref<4x4096x1024xf32, #tpu.memory_space<hbm>> -> memref<1x8x1024xf32, #tpu.memory_space<hbm>>
        %dma_wait3A_1265 = tpu.memref_squeeze %dma_wait3A_1264 : memref<1x8x1024xf32, #tpu.memory_space<hbm>> -> memref<8x1024xf32, #tpu.memory_space<hbm>>
        %dma_wait3A_1266 = tpu.memref_slice %arg17[%dma_wait3A_1262] : memref<8x!tpu.dma_semaphore, #tpu.memory_space<semaphore_mem>> -> memref<1x!tpu.dma_semaphore, #tpu.memory_space<semaphore_mem>>
        %dma_wait3A_1267 = tpu.memref_squeeze %dma_wait3A_1266 : memref<1x!tpu.dma_semaphore, #tpu.memory_space<semaphore_mem>> -> memref<!tpu.dma_semaphore, #tpu.memory_space<semaphore_mem>>
        %dma_wait3A_1268 = arith.constant 0 : i32
        %dma_wait3A_1269 = tpu.memref_slice %arg4[%select_n3A_1258, %add3A_1261, %dma_wait3A_1268] : memref<4x4096x1024xf32, #tpu.memory_space<hbm>> -> memref<1x8x1024xf32, #tpu.memory_space<hbm>>
        %dma_wait3A_1270 = tpu.memref_squeeze %dma_wait3A_1269 : memref<1x8x1024xf32, #tpu.memory_space<hbm>> -> memref<8x1024xf32, #tpu.memory_space<hbm>>
        tpu.wait_dma2 semaphore(%dma_wait3A_1267 : memref<!tpu.dma_semaphore, #tpu.memory_space<semaphore_mem>>) src(%arg7 : memref<8x1024xf32, #tpu.memory_space<vmem>>) dst(%dma_wait3A_1270 : memref<8x1024xf32, #tpu.memory_space<hbm>>)
        %add3A_1271 = arith.constant 8 : i32
        %add3A_1272 = arith.addi %add3A_335, %add3A_1271 : i32
        %sub3A_1273 = arith.constant 1 : i32
        %sub3A_1274 = arith.subi %add3A_1272, %sub3A_1273 : i32
        %jit3A_1275 = arith.constant 4 : i32
        %div3A_1276 = arith.divsi %sub3A_1274, %jit3A_1275 : i32
        %sign3A_1277 = arith.constant 0 : i32
        %sign3A_1278 = arith.cmpi sgt, %sub3A_1274, %sign3A_1277 : i32
        %sign3A_1279 = arith.extui %sign3A_1278 : i1 to i32
        %sign3A_1280 = arith.constant 0 : i32
        %sign3A_1281 = arith.cmpi slt, %sub3A_1274, %sign3A_1280 : i32
        %sign3A_1282 = arith.extui %sign3A_1281 : i1 to i32
        %sign3A_1283 = arith.subi %sign3A_1279, %sign3A_1282 : i32
        %sign3A_1284 = arith.constant 0 : i32
        %sign3A_1285 = arith.cmpi sgt, %jit3A_1275, %sign3A_1284 : i32
        %sign3A_1286 = arith.extui %sign3A_1285 : i1 to i32
        %sign3A_1287 = arith.constant 0 : i32
        %sign3A_1288 = arith.cmpi slt, %jit3A_1275, %sign3A_1287 : i32
        %sign3A_1289 = arith.extui %sign3A_1288 : i1 to i32
        %sign3A_1290 = arith.subi %sign3A_1286, %sign3A_1289 : i32
        %ne3A_1291 = arith.cmpi ne, %sign3A_1283, %sign3A_1290 : i32
        %rem3A_1292 = arith.remsi %sub3A_1274, %jit3A_1275 : i32
        %ne3A_1293 = arith.constant 0 : i32
        %ne3A_1294 = arith.cmpi ne, %rem3A_1292, %ne3A_1293 : i32
        %and3A_1295 = arith.andi %ne3A_1291, %ne3A_1294 : i1
        %sub3A_1296 = arith.constant 1 : i32
        %sub3A_1297 = arith.subi %div3A_1276, %sub3A_1296 : i32
        %select_n3A_1298 = arith.select %and3A_1295, %sub3A_1297, %div3A_1276 : i32
        %jit3A_1299 = arith.constant 4 : i32
        %eq3A_1300 = arith.constant 0 : i32
        %eq3A_1301 = arith.cmpi eq, %jit3A_1299, %eq3A_1300 : i32
        %jit3A_1302 = arith.constant 1 : i32
        %select_n3A_1303 = arith.select %eq3A_1301, %jit3A_1302, %jit3A_1299 : i32
        %rem3A_1304 = arith.remsi %sub3A_1274, %select_n3A_1303 : i32
        %ne3A_1305 = arith.constant 0 : i32
        %ne3A_1306 = arith.cmpi ne, %rem3A_1304, %ne3A_1305 : i32
        %lt3A_1307 = arith.constant 0 : i32
        %lt3A_1308 = arith.cmpi slt, %rem3A_1304, %lt3A_1307 : i32
        %lt3A_1309 = arith.constant 0 : i32
        %lt3A_1310 = arith.cmpi slt, %select_n3A_1303, %lt3A_1309 : i32
        %ne3A_1311 = arith.xori %lt3A_1308, %lt3A_1310 : i1
        %and3A_1312 = arith.andi %ne3A_1311, %ne3A_1306 : i1
        %add3A_1313 = arith.addi %rem3A_1304, %select_n3A_1303 : i32
        %select_n3A_1314 = arith.select %and3A_1312, %add3A_1313, %rem3A_1304 : i32
        %mul3A_1315 = arith.constant 8 : i32
        %mul3A_1316 = arith.muli %select_n3A_1298, %mul3A_1315 : i32
        %add3A_1317 = arith.addi %mul3A_2, %mul3A_1316 : i32
        %dma_start3A_1318 = arith.constant 0 : i32
        %dma_start3A_1319 = arith.constant 0 : i32
        %dma_start3A_1320 = tpu.memref_slice %arg2[%select_n3A_1314, %add3A_1317, %dma_start3A_1319] : memref<4x4096x1024xf32, #tpu.memory_space<hbm>> -> memref<1x8x1024xf32, #tpu.memory_space<hbm>>
        %dma_start3A_1321 = tpu.memref_squeeze %dma_start3A_1320 : memref<1x8x1024xf32, #tpu.memory_space<hbm>> -> memref<8x1024xf32, #tpu.memory_space<hbm>>
        %dma_start3A_1322 = tpu.memref_slice %arg16[%dma_start3A_1318] : memref<8x!tpu.dma_semaphore, #tpu.memory_space<semaphore_mem>> -> memref<1x!tpu.dma_semaphore, #tpu.memory_space<semaphore_mem>>
        %dma_start3A_1323 = tpu.memref_squeeze %dma_start3A_1322 : memref<1x!tpu.dma_semaphore, #tpu.memory_space<semaphore_mem>> -> memref<!tpu.dma_semaphore, #tpu.memory_space<semaphore_mem>>
        %dma_start3A_1324 = arith.constant 0 : i32
        %dma_start3A_1325 = tpu.memref_slice %arg2[%select_n3A_1314, %add3A_1317, %dma_start3A_1324] : memref<4x4096x1024xf32, #tpu.memory_space<hbm>> -> memref<1x8x1024xf32, #tpu.memory_space<hbm>>
        %dma_start3A_1326 = tpu.memref_squeeze %dma_start3A_1325 : memref<1x8x1024xf32, #tpu.memory_space<hbm>> -> memref<8x1024xf32, #tpu.memory_space<hbm>>
        tpu.enqueue_dma source(%dma_start3A_1326 : memref<8x1024xf32, #tpu.memory_space<hbm>>) target(%arg7 : memref<8x1024xf32, #tpu.memory_space<vmem>>) target_semaphore(%dma_start3A_1323 : memref<!tpu.dma_semaphore, #tpu.memory_space<semaphore_mem>>)
      } else {
      }
      %mul3A_456 = arith.constant 8 : i32
      %mul3A_457 = arith.muli %scan3A_194, %mul3A_456 : i32
      %add3A_458 = arith.constant 2 : i32
      %add3A_459 = arith.addi %mul3A_457, %add3A_458 : i32
      %mul3A_460 = arith.constant 2 : i32
      %mul3A_461 = arith.muli %mul3A_460, %scan3A_194 : i32
      %add3A_462 = arith.constant 0 : i32
      %add3A_463 = arith.addi %mul3A_461, %add3A_462 : i32
      %jit3A_464 = arith.constant 4 : i32
      %div3A_465 = arith.divsi %add3A_459, %jit3A_464 : i32
      %sign3A_466 = arith.constant 0 : i32
      %sign3A_467 = arith.cmpi sgt, %add3A_459, %sign3A_466 : i32
      %sign3A_468 = arith.extui %sign3A_467 : i1 to i32
      %sign3A_469 = arith.constant 0 : i32
      %sign3A_470 = arith.cmpi slt, %add3A_459, %sign3A_469 : i32
      %sign3A_471 = arith.extui %sign3A_470 : i1 to i32
      %sign3A_472 = arith.subi %sign3A_468, %sign3A_471 : i32
      %sign3A_473 = arith.constant 0 : i32
      %sign3A_474 = arith.cmpi sgt, %jit3A_464, %sign3A_473 : i32
      %sign3A_475 = arith.extui %sign3A_474 : i1 to i32
      %sign3A_476 = arith.constant 0 : i32
      %sign3A_477 = arith.cmpi slt, %jit3A_464, %sign3A_476 : i32
      %sign3A_478 = arith.extui %sign3A_477 : i1 to i32
      %sign3A_479 = arith.subi %sign3A_475, %sign3A_478 : i32
      %ne3A_480 = arith.cmpi ne, %sign3A_472, %sign3A_479 : i32
      %rem3A_481 = arith.remsi %add3A_459, %jit3A_464 : i32
      %ne3A_482 = arith.constant 0 : i32
      %ne3A_483 = arith.cmpi ne, %rem3A_481, %ne3A_482 : i32
      %and3A_484 = arith.andi %ne3A_480, %ne3A_483 : i1
      %sub3A_485 = arith.constant 1 : i32
      %sub3A_486 = arith.subi %div3A_465, %sub3A_485 : i32
      %select_n3A_487 = arith.select %and3A_484, %sub3A_486, %div3A_465 : i32
      %jit3A_488 = arith.constant 4 : i32
      %eq3A_489 = arith.constant 0 : i32
      %eq3A_490 = arith.cmpi eq, %jit3A_488, %eq3A_489 : i32
      %jit3A_491 = arith.constant 1 : i32
      %select_n3A_492 = arith.select %eq3A_490, %jit3A_491, %jit3A_488 : i32
      %rem3A_493 = arith.remsi %add3A_459, %select_n3A_492 : i32
      %ne3A_494 = arith.constant 0 : i32
      %ne3A_495 = arith.cmpi ne, %rem3A_493, %ne3A_494 : i32
      %lt3A_496 = arith.constant 0 : i32
      %lt3A_497 = arith.cmpi slt, %rem3A_493, %lt3A_496 : i32
      %lt3A_498 = arith.constant 0 : i32
      %lt3A_499 = arith.cmpi slt, %select_n3A_492, %lt3A_498 : i32
      %ne3A_500 = arith.xori %lt3A_497, %lt3A_499 : i1
      %and3A_501 = arith.andi %ne3A_500, %ne3A_495 : i1
      %add3A_502 = arith.addi %rem3A_493, %select_n3A_492 : i32
      %select_n3A_503 = arith.select %and3A_501, %add3A_502, %rem3A_493 : i32
      %mul3A_504 = arith.constant 8 : i32
      %mul3A_505 = arith.muli %select_n3A_487, %mul3A_504 : i32
      %add3A_506 = arith.addi %mul3A_2, %mul3A_505 : i32
      %dma_wait3A_507 = arith.constant 2 : i32
      %dma_wait3A_508 = arith.constant 0 : i32
      %dma_wait3A_509 = tpu.memref_slice %arg2[%select_n3A_503, %add3A_506, %dma_wait3A_508] : memref<4x4096x1024xf32, #tpu.memory_space<hbm>> -> memref<1x8x1024xf32, #tpu.memory_space<hbm>>
      %dma_wait3A_510 = tpu.memref_squeeze %dma_wait3A_509 : memref<1x8x1024xf32, #tpu.memory_space<hbm>> -> memref<8x1024xf32, #tpu.memory_space<hbm>>
      %dma_wait3A_511 = tpu.memref_slice %arg16[%dma_wait3A_507] : memref<8x!tpu.dma_semaphore, #tpu.memory_space<semaphore_mem>> -> memref<1x!tpu.dma_semaphore, #tpu.memory_space<semaphore_mem>>
      %dma_wait3A_512 = tpu.memref_squeeze %dma_wait3A_511 : memref<1x!tpu.dma_semaphore, #tpu.memory_space<semaphore_mem>> -> memref<!tpu.dma_semaphore, #tpu.memory_space<semaphore_mem>>
      %dma_wait3A_513 = arith.constant 0 : i32
      %dma_wait3A_514 = tpu.memref_slice %arg2[%select_n3A_503, %add3A_506, %dma_wait3A_513] : memref<4x4096x1024xf32, #tpu.memory_space<hbm>> -> memref<1x8x1024xf32, #tpu.memory_space<hbm>>
      %dma_wait3A_515 = tpu.memref_squeeze %dma_wait3A_514 : memref<1x8x1024xf32, #tpu.memory_space<hbm>> -> memref<8x1024xf32, #tpu.memory_space<hbm>>
      tpu.wait_dma2 semaphore(%dma_wait3A_512 : memref<!tpu.dma_semaphore, #tpu.memory_space<semaphore_mem>>) src(%dma_wait3A_515 : memref<8x1024xf32, #tpu.memory_space<hbm>>) dst(%arg9 : memref<8x1024xf32, #tpu.memory_space<vmem>>)
      %parallel_loop3A_516 = arith.constant 0 : i32
      %parallel_loop3A_517 = arith.constant 8192 : i32
      %parallel_loop3A_518 = arith.constant 16 : i32
      scf.for %parallel_loop3A_1217 = %parallel_loop3A_516 to %parallel_loop3A_517 step %parallel_loop3A_518  : i32 {
        %parallel_loop3A_1218 = arith.constant 1024 : i32
        %parallel_loop3A_1219 = arith.divsi %parallel_loop3A_1217, %parallel_loop3A_1218 : i32
        %parallel_loop3A_1220 = arith.constant 0 : i32
        %parallel_loop3A_1221 = arith.cmpi sgt, %parallel_loop3A_1217, %parallel_loop3A_1220 : i32
        %parallel_loop3A_1222 = arith.extui %parallel_loop3A_1221 : i1 to i32
        %parallel_loop3A_1223 = arith.constant 0 : i32
        %parallel_loop3A_1224 = arith.cmpi slt, %parallel_loop3A_1217, %parallel_loop3A_1223 : i32
        %parallel_loop3A_1225 = arith.extui %parallel_loop3A_1224 : i1 to i32
        %parallel_loop3A_1226 = arith.subi %parallel_loop3A_1222, %parallel_loop3A_1225 : i32
        %parallel_loop3A_1227 = arith.constant 0 : i32
        %parallel_loop3A_1228 = arith.cmpi sgt, %parallel_loop3A_1218, %parallel_loop3A_1227 : i32
        %parallel_loop3A_1229 = arith.extui %parallel_loop3A_1228 : i1 to i32
        %parallel_loop3A_1230 = arith.constant 0 : i32
        %parallel_loop3A_1231 = arith.cmpi slt, %parallel_loop3A_1218, %parallel_loop3A_1230 : i32
        %parallel_loop3A_1232 = arith.extui %parallel_loop3A_1231 : i1 to i32
        %parallel_loop3A_1233 = arith.subi %parallel_loop3A_1229, %parallel_loop3A_1232 : i32
        %parallel_loop3A_1234 = arith.cmpi ne, %parallel_loop3A_1226, %parallel_loop3A_1233 : i32
        %parallel_loop3A_1235 = arith.remsi %parallel_loop3A_1217, %parallel_loop3A_1218 : i32
        %parallel_loop3A_1236 = arith.constant 0 : i32
        %parallel_loop3A_1237 = arith.cmpi ne, %parallel_loop3A_1235, %parallel_loop3A_1236 : i32
        %parallel_loop3A_1238 = arith.andi %parallel_loop3A_1234, %parallel_loop3A_1237 : i1
        %parallel_loop3A_1239 = arith.constant 1 : i32
        %parallel_loop3A_1240 = arith.subi %parallel_loop3A_1219, %parallel_loop3A_1239 : i32
        %parallel_loop3A_1241 = arith.select %parallel_loop3A_1238, %parallel_loop3A_1240, %parallel_loop3A_1219 : i32
        %parallel_loop3A_1242 = arith.constant 1024 : i32
        %parallel_loop3A_1243 = arith.constant 0 : i32
        %parallel_loop3A_1244 = arith.cmpi eq, %parallel_loop3A_1242, %parallel_loop3A_1243 : i32
        %parallel_loop3A_1245 = arith.constant 1 : i32
        %parallel_loop3A_1246 = arith.select %parallel_loop3A_1244, %parallel_loop3A_1245, %parallel_loop3A_1242 : i32
        %parallel_loop3A_1247 = arith.remsi %parallel_loop3A_1217, %parallel_loop3A_1246 : i32
        %parallel_loop3A_1248 = arith.constant 0 : i32
        %parallel_loop3A_1249 = arith.cmpi ne, %parallel_loop3A_1247, %parallel_loop3A_1248 : i32
        %parallel_loop3A_1250 = arith.constant 0 : i32
        %parallel_loop3A_1251 = arith.cmpi slt, %parallel_loop3A_1247, %parallel_loop3A_1250 : i32
        %parallel_loop3A_1252 = arith.constant 0 : i32
        %parallel_loop3A_1253 = arith.cmpi slt, %parallel_loop3A_1246, %parallel_loop3A_1252 : i32
        %parallel_loop3A_1254 = arith.xori %parallel_loop3A_1251, %parallel_loop3A_1253 : i1
        %parallel_loop3A_1255 = arith.andi %parallel_loop3A_1254, %parallel_loop3A_1249 : i1
        %parallel_loop3A_1256 = arith.addi %parallel_loop3A_1247, %parallel_loop3A_1246 : i32
        %parallel_loop3A_1257 = arith.select %parallel_loop3A_1255, %parallel_loop3A_1256, %parallel_loop3A_1247 : i32
        %parallel_loop3A_1258 = arith.index_cast %parallel_loop3A_1241 : i32 to index
        %parallel_loop3A_1259 = arith.index_cast %parallel_loop3A_1257 : i32 to index
        %parallel_loop3A_1260 = tpu.vector_load %arg5[%parallel_loop3A_1258, %parallel_loop3A_1259] {strides = array<i32>} : memref<8x1024xf32, #tpu.memory_space<vmem>>, vector<1x16xf32>,
        %parallel_loop3A_1261 = vector.shape_cast %parallel_loop3A_1260 : vector<1x16xf32> to vector<16xf32>
        %parallel_loop3A_1262 = arith.index_cast %parallel_loop3A_1241 : i32 to index
        %parallel_loop3A_1263 = arith.index_cast %parallel_loop3A_1257 : i32 to index
        %parallel_loop3A_1264 = tpu.vector_load %arg9[%parallel_loop3A_1262, %parallel_loop3A_1263] {strides = array<i32>} : memref<8x1024xf32, #tpu.memory_space<vmem>>, vector<1x16xf32>,
        %parallel_loop3A_1265 = vector.shape_cast %parallel_loop3A_1264 : vector<1x16xf32> to vector<16xf32>
        %parallel_loop3A_1266 = vector.shape_cast %parallel_loop3A_1261 : vector<16xf32> to vector<1x16xf32>
        tpu.vector_store %arg9[%parallel_loop3A_1262, %parallel_loop3A_1263], %parallel_loop3A_1266 {add = true, strides = array<i32>} : memref<8x1024xf32, #tpu.memory_space<vmem>>, vector<1x16xf32>,
      } {sc.loop_unroll_factor = 8 : i64, sc.parallel_access}
      %jit3A_519 = arith.constant 4 : i32
      %div3A_520 = arith.divsi %add3A_459, %jit3A_519 : i32
      %sign3A_521 = arith.constant 0 : i32
      %sign3A_522 = arith.cmpi sgt, %add3A_459, %sign3A_521 : i32
      %sign3A_523 = arith.extui %sign3A_522 : i1 to i32
      %sign3A_524 = arith.constant 0 : i32
      %sign3A_525 = arith.cmpi slt, %add3A_459, %sign3A_524 : i32
      %sign3A_526 = arith.extui %sign3A_525 : i1 to i32
      %sign3A_527 = arith.subi %sign3A_523, %sign3A_526 : i32
      %sign3A_528 = arith.constant 0 : i32
      %sign3A_529 = arith.cmpi sgt, %jit3A_519, %sign3A_528 : i32
      %sign3A_530 = arith.extui %sign3A_529 : i1 to i32
      %sign3A_531 = arith.constant 0 : i32
      %sign3A_532 = arith.cmpi slt, %jit3A_519, %sign3A_531 : i32
      %sign3A_533 = arith.extui %sign3A_532 : i1 to i32
      %sign3A_534 = arith.subi %sign3A_530, %sign3A_533 : i32
      %ne3A_535 = arith.cmpi ne, %sign3A_527, %sign3A_534 : i32
      %rem3A_536 = arith.remsi %add3A_459, %jit3A_519 : i32
      %ne3A_537 = arith.constant 0 : i32
      %ne3A_538 = arith.cmpi ne, %rem3A_536, %ne3A_537 : i32
      %and3A_539 = arith.andi %ne3A_535, %ne3A_538 : i1
      %sub3A_540 = arith.constant 1 : i32
      %sub3A_541 = arith.subi %div3A_520, %sub3A_540 : i32
      %select_n3A_542 = arith.select %and3A_539, %sub3A_541, %div3A_520 : i32
      %jit3A_543 = arith.constant 4 : i32
      %eq3A_544 = arith.constant 0 : i32
      %eq3A_545 = arith.cmpi eq, %jit3A_543, %eq3A_544 : i32
      %jit3A_546 = arith.constant 1 : i32
      %select_n3A_547 = arith.select %eq3A_545, %jit3A_546, %jit3A_543 : i32
      %rem3A_548 = arith.remsi %add3A_459, %select_n3A_547 : i32
      %ne3A_549 = arith.constant 0 : i32
      %ne3A_550 = arith.cmpi ne, %rem3A_548, %ne3A_549 : i32
      %lt3A_551 = arith.constant 0 : i32
      %lt3A_552 = arith.cmpi slt, %rem3A_548, %lt3A_551 : i32
      %lt3A_553 = arith.constant 0 : i32
      %lt3A_554 = arith.cmpi slt, %select_n3A_547, %lt3A_553 : i32
      %ne3A_555 = arith.xori %lt3A_552, %lt3A_554 : i1
      %and3A_556 = arith.andi %ne3A_555, %ne3A_550 : i1
      %add3A_557 = arith.addi %rem3A_548, %select_n3A_547 : i32
      %select_n3A_558 = arith.select %and3A_556, %add3A_557, %rem3A_548 : i32
      %mul3A_559 = arith.constant 8 : i32
      %mul3A_560 = arith.muli %select_n3A_542, %mul3A_559 : i32
      %add3A_561 = arith.addi %mul3A_2, %mul3A_560 : i32
      %dma_start3A_562 = arith.constant 2 : i32
      %dma_start3A_563 = arith.constant 0 : i32
      %dma_start3A_564 = tpu.memref_slice %arg4[%select_n3A_558, %add3A_561, %dma_start3A_563] : memref<4x4096x1024xf32, #tpu.memory_space<hbm>> -> memref<1x8x1024xf32, #tpu.memory_space<hbm>>
      %dma_start3A_565 = tpu.memref_squeeze %dma_start3A_564 : memref<1x8x1024xf32, #tpu.memory_space<hbm>> -> memref<8x1024xf32, #tpu.memory_space<hbm>>
      %dma_start3A_566 = tpu.memref_slice %arg17[%dma_start3A_562] : memref<8x!tpu.dma_semaphore, #tpu.memory_space<semaphore_mem>> -> memref<1x!tpu.dma_semaphore, #tpu.memory_space<semaphore_mem>>
      %dma_start3A_567 = tpu.memref_squeeze %dma_start3A_566 : memref<1x!tpu.dma_semaphore, #tpu.memory_space<semaphore_mem>> -> memref<!tpu.dma_semaphore, #tpu.memory_space<semaphore_mem>>
      %dma_start3A_568 = arith.constant 0 : i32
      %dma_start3A_569 = tpu.memref_slice %arg4[%select_n3A_558, %add3A_561, %dma_start3A_568] : memref<4x4096x1024xf32, #tpu.memory_space<hbm>> -> memref<1x8x1024xf32, #tpu.memory_space<hbm>>
      %dma_start3A_570 = tpu.memref_squeeze %dma_start3A_569 : memref<1x8x1024xf32, #tpu.memory_space<hbm>> -> memref<8x1024xf32, #tpu.memory_space<hbm>>
      tpu.enqueue_dma source(%arg9 : memref<8x1024xf32, #tpu.memory_space<vmem>>) target(%dma_start3A_570 : memref<8x1024xf32, #tpu.memory_space<hbm>>) target_semaphore(%dma_start3A_567 : memref<!tpu.dma_semaphore, #tpu.memory_space<semaphore_mem>>)
      %add3A_571 = arith.constant 8 : i32
      %add3A_572 = arith.addi %add3A_459, %add3A_571 : i32
      %sub3A_573 = arith.constant 1 : i32
      %sub3A_574 = arith.subi %add3A_572, %sub3A_573 : i32
      %lt3A_575 = arith.constant 64 : i32
      %lt3A_576 = arith.cmpi slt, %sub3A_574, %lt3A_575 : i32
      %convert_element_type3A_577 = arith.extui %lt3A_576 : i1 to i32
      %cond3A_578 = arith.constant 0 : i32
      %cond3A_579 = arith.cmpi ne, %convert_element_type3A_577, %cond3A_578 : i32
      scf.if %cond3A_579 {
        %sub3A_1217 = arith.constant 1 : i32
        %sub3A_1218 = arith.subi %add3A_459, %sub3A_1217 : i32
        %jit3A_1219 = arith.constant 4 : i32
        %div3A_1220 = arith.divsi %sub3A_1218, %jit3A_1219 : i32
        %sign3A_1221 = arith.constant 0 : i32
        %sign3A_1222 = arith.cmpi sgt, %sub3A_1218, %sign3A_1221 : i32
        %sign3A_1223 = arith.extui %sign3A_1222 : i1 to i32
        %sign3A_1224 = arith.constant 0 : i32
        %sign3A_1225 = arith.cmpi slt, %sub3A_1218, %sign3A_1224 : i32
        %sign3A_1226 = arith.extui %sign3A_1225 : i1 to i32
        %sign3A_1227 = arith.subi %sign3A_1223, %sign3A_1226 : i32
        %sign3A_1228 = arith.constant 0 : i32
        %sign3A_1229 = arith.cmpi sgt, %jit3A_1219, %sign3A_1228 : i32
        %sign3A_1230 = arith.extui %sign3A_1229 : i1 to i32
        %sign3A_1231 = arith.constant 0 : i32
        %sign3A_1232 = arith.cmpi slt, %jit3A_1219, %sign3A_1231 : i32
        %sign3A_1233 = arith.extui %sign3A_1232 : i1 to i32
        %sign3A_1234 = arith.subi %sign3A_1230, %sign3A_1233 : i32
        %ne3A_1235 = arith.cmpi ne, %sign3A_1227, %sign3A_1234 : i32
        %rem3A_1236 = arith.remsi %sub3A_1218, %jit3A_1219 : i32
        %ne3A_1237 = arith.constant 0 : i32
        %ne3A_1238 = arith.cmpi ne, %rem3A_1236, %ne3A_1237 : i32
        %and3A_1239 = arith.andi %ne3A_1235, %ne3A_1238 : i1
        %sub3A_1240 = arith.constant 1 : i32
        %sub3A_1241 = arith.subi %div3A_1220, %sub3A_1240 : i32
        %select_n3A_1242 = arith.select %and3A_1239, %sub3A_1241, %div3A_1220 : i32
        %jit3A_1243 = arith.constant 4 : i32
        %eq3A_1244 = arith.constant 0 : i32
        %eq3A_1245 = arith.cmpi eq, %jit3A_1243, %eq3A_1244 : i32
        %jit3A_1246 = arith.constant 1 : i32
        %select_n3A_1247 = arith.select %eq3A_1245, %jit3A_1246, %jit3A_1243 : i32
        %rem3A_1248 = arith.remsi %sub3A_1218, %select_n3A_1247 : i32
        %ne3A_1249 = arith.constant 0 : i32
        %ne3A_1250 = arith.cmpi ne, %rem3A_1248, %ne3A_1249 : i32
        %lt3A_1251 = arith.constant 0 : i32
        %lt3A_1252 = arith.cmpi slt, %rem3A_1248, %lt3A_1251 : i32
        %lt3A_1253 = arith.constant 0 : i32
        %lt3A_1254 = arith.cmpi slt, %select_n3A_1247, %lt3A_1253 : i32
        %ne3A_1255 = arith.xori %lt3A_1252, %lt3A_1254 : i1
        %and3A_1256 = arith.andi %ne3A_1255, %ne3A_1250 : i1
        %add3A_1257 = arith.addi %rem3A_1248, %select_n3A_1247 : i32
        %select_n3A_1258 = arith.select %and3A_1256, %add3A_1257, %rem3A_1248 : i32
        %mul3A_1259 = arith.constant 8 : i32
        %mul3A_1260 = arith.muli %select_n3A_1242, %mul3A_1259 : i32
        %add3A_1261 = arith.addi %mul3A_2, %mul3A_1260 : i32
        %dma_wait3A_1262 = arith.constant 1 : i32
        %dma_wait3A_1263 = arith.constant 0 : i32
        %dma_wait3A_1264 = tpu.memref_slice %arg4[%select_n3A_1258, %add3A_1261, %dma_wait3A_1263] : memref<4x4096x1024xf32, #tpu.memory_space<hbm>> -> memref<1x8x1024xf32, #tpu.memory_space<hbm>>
        %dma_wait3A_1265 = tpu.memref_squeeze %dma_wait3A_1264 : memref<1x8x1024xf32, #tpu.memory_space<hbm>> -> memref<8x1024xf32, #tpu.memory_space<hbm>>
        %dma_wait3A_1266 = tpu.memref_slice %arg17[%dma_wait3A_1262] : memref<8x!tpu.dma_semaphore, #tpu.memory_space<semaphore_mem>> -> memref<1x!tpu.dma_semaphore, #tpu.memory_space<semaphore_mem>>
        %dma_wait3A_1267 = tpu.memref_squeeze %dma_wait3A_1266 : memref<1x!tpu.dma_semaphore, #tpu.memory_space<semaphore_mem>> -> memref<!tpu.dma_semaphore, #tpu.memory_space<semaphore_mem>>
        %dma_wait3A_1268 = arith.constant 0 : i32
        %dma_wait3A_1269 = tpu.memref_slice %arg4[%select_n3A_1258, %add3A_1261, %dma_wait3A_1268] : memref<4x4096x1024xf32, #tpu.memory_space<hbm>> -> memref<1x8x1024xf32, #tpu.memory_space<hbm>>
        %dma_wait3A_1270 = tpu.memref_squeeze %dma_wait3A_1269 : memref<1x8x1024xf32, #tpu.memory_space<hbm>> -> memref<8x1024xf32, #tpu.memory_space<hbm>>
        tpu.wait_dma2 semaphore(%dma_wait3A_1267 : memref<!tpu.dma_semaphore, #tpu.memory_space<semaphore_mem>>) src(%arg8 : memref<8x1024xf32, #tpu.memory_space<vmem>>) dst(%dma_wait3A_1270 : memref<8x1024xf32, #tpu.memory_space<hbm>>)
        %add3A_1271 = arith.constant 8 : i32
        %add3A_1272 = arith.addi %add3A_459, %add3A_1271 : i32
        %sub3A_1273 = arith.constant 1 : i32
        %sub3A_1274 = arith.subi %add3A_1272, %sub3A_1273 : i32
        %jit3A_1275 = arith.constant 4 : i32
        %div3A_1276 = arith.divsi %sub3A_1274, %jit3A_1275 : i32
        %sign3A_1277 = arith.constant 0 : i32
        %sign3A_1278 = arith.cmpi sgt, %sub3A_1274, %sign3A_1277 : i32
        %sign3A_1279 = arith.extui %sign3A_1278 : i1 to i32
        %sign3A_1280 = arith.constant 0 : i32
        %sign3A_1281 = arith.cmpi slt, %sub3A_1274, %sign3A_1280 : i32
        %sign3A_1282 = arith.extui %sign3A_1281 : i1 to i32
        %sign3A_1283 = arith.subi %sign3A_1279, %sign3A_1282 : i32
        %sign3A_1284 = arith.constant 0 : i32
        %sign3A_1285 = arith.cmpi sgt, %jit3A_1275, %sign3A_1284 : i32
        %sign3A_1286 = arith.extui %sign3A_1285 : i1 to i32
        %sign3A_1287 = arith.constant 0 : i32
        %sign3A_1288 = arith.cmpi slt, %jit3A_1275, %sign3A_1287 : i32
        %sign3A_1289 = arith.extui %sign3A_1288 : i1 to i32
        %sign3A_1290 = arith.subi %sign3A_1286, %sign3A_1289 : i32
        %ne3A_1291 = arith.cmpi ne, %sign3A_1283, %sign3A_1290 : i32
        %rem3A_1292 = arith.remsi %sub3A_1274, %jit3A_1275 : i32
        %ne3A_1293 = arith.constant 0 : i32
        %ne3A_1294 = arith.cmpi ne, %rem3A_1292, %ne3A_1293 : i32
        %and3A_1295 = arith.andi %ne3A_1291, %ne3A_1294 : i1
        %sub3A_1296 = arith.constant 1 : i32
        %sub3A_1297 = arith.subi %div3A_1276, %sub3A_1296 : i32
        %select_n3A_1298 = arith.select %and3A_1295, %sub3A_1297, %div3A_1276 : i32
        %jit3A_1299 = arith.constant 4 : i32
        %eq3A_1300 = arith.constant 0 : i32
        %eq3A_1301 = arith.cmpi eq, %jit3A_1299, %eq3A_1300 : i32
        %jit3A_1302 = arith.constant 1 : i32
        %select_n3A_1303 = arith.select %eq3A_1301, %jit3A_1302, %jit3A_1299 : i32
        %rem3A_1304 = arith.remsi %sub3A_1274, %select_n3A_1303 : i32
        %ne3A_1305 = arith.constant 0 : i32
        %ne3A_1306 = arith.cmpi ne, %rem3A_1304, %ne3A_1305 : i32
        %lt3A_1307 = arith.constant 0 : i32
        %lt3A_1308 = arith.cmpi slt, %rem3A_1304, %lt3A_1307 : i32
        %lt3A_1309 = arith.constant 0 : i32
        %lt3A_1310 = arith.cmpi slt, %select_n3A_1303, %lt3A_1309 : i32
        %ne3A_1311 = arith.xori %lt3A_1308, %lt3A_1310 : i1
        %and3A_1312 = arith.andi %ne3A_1311, %ne3A_1306 : i1
        %add3A_1313 = arith.addi %rem3A_1304, %select_n3A_1303 : i32
        %select_n3A_1314 = arith.select %and3A_1312, %add3A_1313, %rem3A_1304 : i32
        %mul3A_1315 = arith.constant 8 : i32
        %mul3A_1316 = arith.muli %select_n3A_1298, %mul3A_1315 : i32
        %add3A_1317 = arith.addi %mul3A_2, %mul3A_1316 : i32
        %dma_start3A_1318 = arith.constant 1 : i32
        %dma_start3A_1319 = arith.constant 0 : i32
        %dma_start3A_1320 = tpu.memref_slice %arg2[%select_n3A_1314, %add3A_1317, %dma_start3A_1319] : memref<4x4096x1024xf32, #tpu.memory_space<hbm>> -> memref<1x8x1024xf32, #tpu.memory_space<hbm>>
        %dma_start3A_1321 = tpu.memref_squeeze %dma_start3A_1320 : memref<1x8x1024xf32, #tpu.memory_space<hbm>> -> memref<8x1024xf32, #tpu.memory_space<hbm>>
        %dma_start3A_1322 = tpu.memref_slice %arg16[%dma_start3A_1318] : memref<8x!tpu.dma_semaphore, #tpu.memory_space<semaphore_mem>> -> memref<1x!tpu.dma_semaphore, #tpu.memory_space<semaphore_mem>>
        %dma_start3A_1323 = tpu.memref_squeeze %dma_start3A_1322 : memref<1x!tpu.dma_semaphore, #tpu.memory_space<semaphore_mem>> -> memref<!tpu.dma_semaphore, #tpu.memory_space<semaphore_mem>>
        %dma_start3A_1324 = arith.constant 0 : i32
        %dma_start3A_1325 = tpu.memref_slice %arg2[%select_n3A_1314, %add3A_1317, %dma_start3A_1324] : memref<4x4096x1024xf32, #tpu.memory_space<hbm>> -> memref<1x8x1024xf32, #tpu.memory_space<hbm>>
        %dma_start3A_1326 = tpu.memref_squeeze %dma_start3A_1325 : memref<1x8x1024xf32, #tpu.memory_space<hbm>> -> memref<8x1024xf32, #tpu.memory_space<hbm>>
        tpu.enqueue_dma source(%dma_start3A_1326 : memref<8x1024xf32, #tpu.memory_space<hbm>>) target(%arg8 : memref<8x1024xf32, #tpu.memory_space<vmem>>) target_semaphore(%dma_start3A_1323 : memref<!tpu.dma_semaphore, #tpu.memory_space<semaphore_mem>>)
      } else {
      }
      %mul3A_580 = arith.constant 8 : i32
      %mul3A_581 = arith.muli %scan3A_194, %mul3A_580 : i32
      %add3A_582 = arith.constant 3 : i32
      %add3A_583 = arith.addi %mul3A_581, %add3A_582 : i32
      %mul3A_584 = arith.constant 2 : i32
      %mul3A_585 = arith.muli %mul3A_584, %scan3A_194 : i32
      %add3A_586 = arith.constant 0 : i32
      %add3A_587 = arith.addi %mul3A_585, %add3A_586 : i32
      %jit3A_588 = arith.constant 4 : i32
      %div3A_589 = arith.divsi %add3A_583, %jit3A_588 : i32
      %sign3A_590 = arith.constant 0 : i32
      %sign3A_591 = arith.cmpi sgt, %add3A_583, %sign3A_590 : i32
      %sign3A_592 = arith.extui %sign3A_591 : i1 to i32
      %sign3A_593 = arith.constant 0 : i32
      %sign3A_594 = arith.cmpi slt, %add3A_583, %sign3A_593 : i32
      %sign3A_595 = arith.extui %sign3A_594 : i1 to i32
      %sign3A_596 = arith.subi %sign3A_592, %sign3A_595 : i32
      %sign3A_597 = arith.constant 0 : i32
      %sign3A_598 = arith.cmpi sgt, %jit3A_588, %sign3A_597 : i32
      %sign3A_599 = arith.extui %sign3A_598 : i1 to i32
      %sign3A_600 = arith.constant 0 : i32
      %sign3A_601 = arith.cmpi slt, %jit3A_588, %sign3A_600 : i32
      %sign3A_602 = arith.extui %sign3A_601 : i1 to i32
      %sign3A_603 = arith.subi %sign3A_599, %sign3A_602 : i32
      %ne3A_604 = arith.cmpi ne, %sign3A_596, %sign3A_603 : i32
      %rem3A_605 = arith.remsi %add3A_583, %jit3A_588 : i32
      %ne3A_606 = arith.constant 0 : i32
      %ne3A_607 = arith.cmpi ne, %rem3A_605, %ne3A_606 : i32
      %and3A_608 = arith.andi %ne3A_604, %ne3A_607 : i1
      %sub3A_609 = arith.constant 1 : i32
      %sub3A_610 = arith.subi %div3A_589, %sub3A_609 : i32
      %select_n3A_611 = arith.select %and3A_608, %sub3A_610, %div3A_589 : i32
      %jit3A_612 = arith.constant 4 : i32
      %eq3A_613 = arith.constant 0 : i32
      %eq3A_614 = arith.cmpi eq, %jit3A_612, %eq3A_613 : i32
      %jit3A_615 = arith.constant 1 : i32
      %select_n3A_616 = arith.select %eq3A_614, %jit3A_615, %jit3A_612 : i32
      %rem3A_617 = arith.remsi %add3A_583, %select_n3A_616 : i32
      %ne3A_618 = arith.constant 0 : i32
      %ne3A_619 = arith.cmpi ne, %rem3A_617, %ne3A_618 : i32
      %lt3A_620 = arith.constant 0 : i32
      %lt3A_621 = arith.cmpi slt, %rem3A_617, %lt3A_620 : i32
      %lt3A_622 = arith.constant 0 : i32
      %lt3A_623 = arith.cmpi slt, %select_n3A_616, %lt3A_622 : i32
      %ne3A_624 = arith.xori %lt3A_621, %lt3A_623 : i1
      %and3A_625 = arith.andi %ne3A_624, %ne3A_619 : i1
      %add3A_626 = arith.addi %rem3A_617, %select_n3A_616 : i32
      %select_n3A_627 = arith.select %and3A_625, %add3A_626, %rem3A_617 : i32
      %mul3A_628 = arith.constant 8 : i32
      %mul3A_629 = arith.muli %select_n3A_611, %mul3A_628 : i32
      %add3A_630 = arith.addi %mul3A_2, %mul3A_629 : i32
      %dma_wait3A_631 = arith.constant 3 : i32
      %dma_wait3A_632 = arith.constant 0 : i32
      %dma_wait3A_633 = tpu.memref_slice %arg2[%select_n3A_627, %add3A_630, %dma_wait3A_632] : memref<4x4096x1024xf32, #tpu.memory_space<hbm>> -> memref<1x8x1024xf32, #tpu.memory_space<hbm>>
      %dma_wait3A_634 = tpu.memref_squeeze %dma_wait3A_633 : memref<1x8x1024xf32, #tpu.memory_space<hbm>> -> memref<8x1024xf32, #tpu.memory_space<hbm>>
      %dma_wait3A_635 = tpu.memref_slice %arg16[%dma_wait3A_631] : memref<8x!tpu.dma_semaphore, #tpu.memory_space<semaphore_mem>> -> memref<1x!tpu.dma_semaphore, #tpu.memory_space<semaphore_mem>>
      %dma_wait3A_636 = tpu.memref_squeeze %dma_wait3A_635 : memref<1x!tpu.dma_semaphore, #tpu.memory_space<semaphore_mem>> -> memref<!tpu.dma_semaphore, #tpu.memory_space<semaphore_mem>>
      %dma_wait3A_637 = arith.constant 0 : i32
      %dma_wait3A_638 = tpu.memref_slice %arg2[%select_n3A_627, %add3A_630, %dma_wait3A_637] : memref<4x4096x1024xf32, #tpu.memory_space<hbm>> -> memref<1x8x1024xf32, #tpu.memory_space<hbm>>
      %dma_wait3A_639 = tpu.memref_squeeze %dma_wait3A_638 : memref<1x8x1024xf32, #tpu.memory_space<hbm>> -> memref<8x1024xf32, #tpu.memory_space<hbm>>
      tpu.wait_dma2 semaphore(%dma_wait3A_636 : memref<!tpu.dma_semaphore, #tpu.memory_space<semaphore_mem>>) src(%dma_wait3A_639 : memref<8x1024xf32, #tpu.memory_space<hbm>>) dst(%arg10 : memref<8x1024xf32, #tpu.memory_space<vmem>>)
      %parallel_loop3A_640 = arith.constant 0 : i32
      %parallel_loop3A_641 = arith.constant 8192 : i32
      %parallel_loop3A_642 = arith.constant 16 : i32
      scf.for %parallel_loop3A_1217 = %parallel_loop3A_640 to %parallel_loop3A_641 step %parallel_loop3A_642  : i32 {
        %parallel_loop3A_1218 = arith.constant 1024 : i32
        %parallel_loop3A_1219 = arith.divsi %parallel_loop3A_1217, %parallel_loop3A_1218 : i32
        %parallel_loop3A_1220 = arith.constant 0 : i32
        %parallel_loop3A_1221 = arith.cmpi sgt, %parallel_loop3A_1217, %parallel_loop3A_1220 : i32
        %parallel_loop3A_1222 = arith.extui %parallel_loop3A_1221 : i1 to i32
        %parallel_loop3A_1223 = arith.constant 0 : i32
        %parallel_loop3A_1224 = arith.cmpi slt, %parallel_loop3A_1217, %parallel_loop3A_1223 : i32
        %parallel_loop3A_1225 = arith.extui %parallel_loop3A_1224 : i1 to i32
        %parallel_loop3A_1226 = arith.subi %parallel_loop3A_1222, %parallel_loop3A_1225 : i32
        %parallel_loop3A_1227 = arith.constant 0 : i32
        %parallel_loop3A_1228 = arith.cmpi sgt, %parallel_loop3A_1218, %parallel_loop3A_1227 : i32
        %parallel_loop3A_1229 = arith.extui %parallel_loop3A_1228 : i1 to i32
        %parallel_loop3A_1230 = arith.constant 0 : i32
        %parallel_loop3A_1231 = arith.cmpi slt, %parallel_loop3A_1218, %parallel_loop3A_1230 : i32
        %parallel_loop3A_1232 = arith.extui %parallel_loop3A_1231 : i1 to i32
        %parallel_loop3A_1233 = arith.subi %parallel_loop3A_1229, %parallel_loop3A_1232 : i32
        %parallel_loop3A_1234 = arith.cmpi ne, %parallel_loop3A_1226, %parallel_loop3A_1233 : i32
        %parallel_loop3A_1235 = arith.remsi %parallel_loop3A_1217, %parallel_loop3A_1218 : i32
        %parallel_loop3A_1236 = arith.constant 0 : i32
        %parallel_loop3A_1237 = arith.cmpi ne, %parallel_loop3A_1235, %parallel_loop3A_1236 : i32
        %parallel_loop3A_1238 = arith.andi %parallel_loop3A_1234, %parallel_loop3A_1237 : i1
        %parallel_loop3A_1239 = arith.constant 1 : i32
        %parallel_loop3A_1240 = arith.subi %parallel_loop3A_1219, %parallel_loop3A_1239 : i32
        %parallel_loop3A_1241 = arith.select %parallel_loop3A_1238, %parallel_loop3A_1240, %parallel_loop3A_1219 : i32
        %parallel_loop3A_1242 = arith.constant 1024 : i32
        %parallel_loop3A_1243 = arith.constant 0 : i32
        %parallel_loop3A_1244 = arith.cmpi eq, %parallel_loop3A_1242, %parallel_loop3A_1243 : i32
        %parallel_loop3A_1245 = arith.constant 1 : i32
        %parallel_loop3A_1246 = arith.select %parallel_loop3A_1244, %parallel_loop3A_1245, %parallel_loop3A_1242 : i32
        %parallel_loop3A_1247 = arith.remsi %parallel_loop3A_1217, %parallel_loop3A_1246 : i32
        %parallel_loop3A_1248 = arith.constant 0 : i32
        %parallel_loop3A_1249 = arith.cmpi ne, %parallel_loop3A_1247, %parallel_loop3A_1248 : i32
        %parallel_loop3A_1250 = arith.constant 0 : i32
        %parallel_loop3A_1251 = arith.cmpi slt, %parallel_loop3A_1247, %parallel_loop3A_1250 : i32
        %parallel_loop3A_1252 = arith.constant 0 : i32
        %parallel_loop3A_1253 = arith.cmpi slt, %parallel_loop3A_1246, %parallel_loop3A_1252 : i32
        %parallel_loop3A_1254 = arith.xori %parallel_loop3A_1251, %parallel_loop3A_1253 : i1
        %parallel_loop3A_1255 = arith.andi %parallel_loop3A_1254, %parallel_loop3A_1249 : i1
        %parallel_loop3A_1256 = arith.addi %parallel_loop3A_1247, %parallel_loop3A_1246 : i32
        %parallel_loop3A_1257 = arith.select %parallel_loop3A_1255, %parallel_loop3A_1256, %parallel_loop3A_1247 : i32
        %parallel_loop3A_1258 = arith.index_cast %parallel_loop3A_1241 : i32 to index
        %parallel_loop3A_1259 = arith.index_cast %parallel_loop3A_1257 : i32 to index
        %parallel_loop3A_1260 = tpu.vector_load %arg5[%parallel_loop3A_1258, %parallel_loop3A_1259] {strides = array<i32>} : memref<8x1024xf32, #tpu.memory_space<vmem>>, vector<1x16xf32>,
        %parallel_loop3A_1261 = vector.shape_cast %parallel_loop3A_1260 : vector<1x16xf32> to vector<16xf32>
        %parallel_loop3A_1262 = arith.index_cast %parallel_loop3A_1241 : i32 to index
        %parallel_loop3A_1263 = arith.index_cast %parallel_loop3A_1257 : i32 to index
        %parallel_loop3A_1264 = tpu.vector_load %arg10[%parallel_loop3A_1262, %parallel_loop3A_1263] {strides = array<i32>} : memref<8x1024xf32, #tpu.memory_space<vmem>>, vector<1x16xf32>,
        %parallel_loop3A_1265 = vector.shape_cast %parallel_loop3A_1264 : vector<1x16xf32> to vector<16xf32>
        %parallel_loop3A_1266 = vector.shape_cast %parallel_loop3A_1261 : vector<16xf32> to vector<1x16xf32>
        tpu.vector_store %arg10[%parallel_loop3A_1262, %parallel_loop3A_1263], %parallel_loop3A_1266 {add = true, strides = array<i32>} : memref<8x1024xf32, #tpu.memory_space<vmem>>, vector<1x16xf32>,
      } {sc.loop_unroll_factor = 8 : i64, sc.parallel_access}
      %jit3A_643 = arith.constant 4 : i32
      %div3A_644 = arith.divsi %add3A_583, %jit3A_643 : i32
      %sign3A_645 = arith.constant 0 : i32
      %sign3A_646 = arith.cmpi sgt, %add3A_583, %sign3A_645 : i32
      %sign3A_647 = arith.extui %sign3A_646 : i1 to i32
      %sign3A_648 = arith.constant 0 : i32
      %sign3A_649 = arith.cmpi slt, %add3A_583, %sign3A_648 : i32
      %sign3A_650 = arith.extui %sign3A_649 : i1 to i32
      %sign3A_651 = arith.subi %sign3A_647, %sign3A_650 : i32
      %sign3A_652 = arith.constant 0 : i32
      %sign3A_653 = arith.cmpi sgt, %jit3A_643, %sign3A_652 : i32
      %sign3A_654 = arith.extui %sign3A_653 : i1 to i32
      %sign3A_655 = arith.constant 0 : i32
      %sign3A_656 = arith.cmpi slt, %jit3A_643, %sign3A_655 : i32
      %sign3A_657 = arith.extui %sign3A_656 : i1 to i32
      %sign3A_658 = arith.subi %sign3A_654, %sign3A_657 : i32
      %ne3A_659 = arith.cmpi ne, %sign3A_651, %sign3A_658 : i32
      %rem3A_660 = arith.remsi %add3A_583, %jit3A_643 : i32
      %ne3A_661 = arith.constant 0 : i32
      %ne3A_662 = arith.cmpi ne, %rem3A_660, %ne3A_661 : i32
      %and3A_663 = arith.andi %ne3A_659, %ne3A_662 : i1
      %sub3A_664 = arith.constant 1 : i32
      %sub3A_665 = arith.subi %div3A_644, %sub3A_664 : i32
      %select_n3A_666 = arith.select %and3A_663, %sub3A_665, %div3A_644 : i32
      %jit3A_667 = arith.constant 4 : i32
      %eq3A_668 = arith.constant 0 : i32
      %eq3A_669 = arith.cmpi eq, %jit3A_667, %eq3A_668 : i32
      %jit3A_670 = arith.constant 1 : i32
      %select_n3A_671 = arith.select %eq3A_669, %jit3A_670, %jit3A_667 : i32
      %rem3A_672 = arith.remsi %add3A_583, %select_n3A_671 : i32
      %ne3A_673 = arith.constant 0 : i32
      %ne3A_674 = arith.cmpi ne, %rem3A_672, %ne3A_673 : i32
      %lt3A_675 = arith.constant 0 : i32
      %lt3A_676 = arith.cmpi slt, %rem3A_672, %lt3A_675 : i32
      %lt3A_677 = arith.constant 0 : i32
      %lt3A_678 = arith.cmpi slt, %select_n3A_671, %lt3A_677 : i32
      %ne3A_679 = arith.xori %lt3A_676, %lt3A_678 : i1
      %and3A_680 = arith.andi %ne3A_679, %ne3A_674 : i1
      %add3A_681 = arith.addi %rem3A_672, %select_n3A_671 : i32
      %select_n3A_682 = arith.select %and3A_680, %add3A_681, %rem3A_672 : i32
      %mul3A_683 = arith.constant 8 : i32
      %mul3A_684 = arith.muli %select_n3A_666, %mul3A_683 : i32
      %add3A_685 = arith.addi %mul3A_2, %mul3A_684 : i32
      %dma_start3A_686 = arith.constant 3 : i32
      %dma_start3A_687 = arith.constant 0 : i32
      %dma_start3A_688 = tpu.memref_slice %arg4[%select_n3A_682, %add3A_685, %dma_start3A_687] : memref<4x4096x1024xf32, #tpu.memory_space<hbm>> -> memref<1x8x1024xf32, #tpu.memory_space<hbm>>
      %dma_start3A_689 = tpu.memref_squeeze %dma_start3A_688 : memref<1x8x1024xf32, #tpu.memory_space<hbm>> -> memref<8x1024xf32, #tpu.memory_space<hbm>>
      %dma_start3A_690 = tpu.memref_slice %arg17[%dma_start3A_686] : memref<8x!tpu.dma_semaphore, #tpu.memory_space<semaphore_mem>> -> memref<1x!tpu.dma_semaphore, #tpu.memory_space<semaphore_mem>>
      %dma_start3A_691 = tpu.memref_squeeze %dma_start3A_690 : memref<1x!tpu.dma_semaphore, #tpu.memory_space<semaphore_mem>> -> memref<!tpu.dma_semaphore, #tpu.memory_space<semaphore_mem>>
      %dma_start3A_692 = arith.constant 0 : i32
      %dma_start3A_693 = tpu.memref_slice %arg4[%select_n3A_682, %add3A_685, %dma_start3A_692] : memref<4x4096x1024xf32, #tpu.memory_space<hbm>> -> memref<1x8x1024xf32, #tpu.memory_space<hbm>>
      %dma_start3A_694 = tpu.memref_squeeze %dma_start3A_693 : memref<1x8x1024xf32, #tpu.memory_space<hbm>> -> memref<8x1024xf32, #tpu.memory_space<hbm>>
      tpu.enqueue_dma source(%arg10 : memref<8x1024xf32, #tpu.memory_space<vmem>>) target(%dma_start3A_694 : memref<8x1024xf32, #tpu.memory_space<hbm>>) target_semaphore(%dma_start3A_691 : memref<!tpu.dma_semaphore, #tpu.memory_space<semaphore_mem>>)
      %add3A_695 = arith.constant 8 : i32
      %add3A_696 = arith.addi %add3A_583, %add3A_695 : i32
      %sub3A_697 = arith.constant 1 : i32
      %sub3A_698 = arith.subi %add3A_696, %sub3A_697 : i32
      %lt3A_699 = arith.constant 64 : i32
      %lt3A_700 = arith.cmpi slt, %sub3A_698, %lt3A_699 : i32
      %convert_element_type3A_701 = arith.extui %lt3A_700 : i1 to i32
      %cond3A_702 = arith.constant 0 : i32
      %cond3A_703 = arith.cmpi ne, %convert_element_type3A_701, %cond3A_702 : i32
      scf.if %cond3A_703 {
        %sub3A_1217 = arith.constant 1 : i32
        %sub3A_1218 = arith.subi %add3A_583, %sub3A_1217 : i32
        %jit3A_1219 = arith.constant 4 : i32
        %div3A_1220 = arith.divsi %sub3A_1218, %jit3A_1219 : i32
        %sign3A_1221 = arith.constant 0 : i32
        %sign3A_1222 = arith.cmpi sgt, %sub3A_1218, %sign3A_1221 : i32
        %sign3A_1223 = arith.extui %sign3A_1222 : i1 to i32
        %sign3A_1224 = arith.constant 0 : i32
        %sign3A_1225 = arith.cmpi slt, %sub3A_1218, %sign3A_1224 : i32
        %sign3A_1226 = arith.extui %sign3A_1225 : i1 to i32
        %sign3A_1227 = arith.subi %sign3A_1223, %sign3A_1226 : i32
        %sign3A_1228 = arith.constant 0 : i32
        %sign3A_1229 = arith.cmpi sgt, %jit3A_1219, %sign3A_1228 : i32
        %sign3A_1230 = arith.extui %sign3A_1229 : i1 to i32
        %sign3A_1231 = arith.constant 0 : i32
        %sign3A_1232 = arith.cmpi slt, %jit3A_1219, %sign3A_1231 : i32
        %sign3A_1233 = arith.extui %sign3A_1232 : i1 to i32
        %sign3A_1234 = arith.subi %sign3A_1230, %sign3A_1233 : i32
        %ne3A_1235 = arith.cmpi ne, %sign3A_1227, %sign3A_1234 : i32
        %rem3A_1236 = arith.remsi %sub3A_1218, %jit3A_1219 : i32
        %ne3A_1237 = arith.constant 0 : i32
        %ne3A_1238 = arith.cmpi ne, %rem3A_1236, %ne3A_1237 : i32
        %and3A_1239 = arith.andi %ne3A_1235, %ne3A_1238 : i1
        %sub3A_1240 = arith.constant 1 : i32
        %sub3A_1241 = arith.subi %div3A_1220, %sub3A_1240 : i32
        %select_n3A_1242 = arith.select %and3A_1239, %sub3A_1241, %div3A_1220 : i32
        %jit3A_1243 = arith.constant 4 : i32
        %eq3A_1244 = arith.constant 0 : i32
        %eq3A_1245 = arith.cmpi eq, %jit3A_1243, %eq3A_1244 : i32
        %jit3A_1246 = arith.constant 1 : i32
        %select_n3A_1247 = arith.select %eq3A_1245, %jit3A_1246, %jit3A_1243 : i32
        %rem3A_1248 = arith.remsi %sub3A_1218, %select_n3A_1247 : i32
        %ne3A_1249 = arith.constant 0 : i32
        %ne3A_1250 = arith.cmpi ne, %rem3A_1248, %ne3A_1249 : i32
        %lt3A_1251 = arith.constant 0 : i32
        %lt3A_1252 = arith.cmpi slt, %rem3A_1248, %lt3A_1251 : i32
        %lt3A_1253 = arith.constant 0 : i32
        %lt3A_1254 = arith.cmpi slt, %select_n3A_1247, %lt3A_1253 : i32
        %ne3A_1255 = arith.xori %lt3A_1252, %lt3A_1254 : i1
        %and3A_1256 = arith.andi %ne3A_1255, %ne3A_1250 : i1
        %add3A_1257 = arith.addi %rem3A_1248, %select_n3A_1247 : i32
        %select_n3A_1258 = arith.select %and3A_1256, %add3A_1257, %rem3A_1248 : i32
        %mul3A_1259 = arith.constant 8 : i32
        %mul3A_1260 = arith.muli %select_n3A_1242, %mul3A_1259 : i32
        %add3A_1261 = arith.addi %mul3A_2, %mul3A_1260 : i32
        %dma_wait3A_1262 = arith.constant 2 : i32
        %dma_wait3A_1263 = arith.constant 0 : i32
        %dma_wait3A_1264 = tpu.memref_slice %arg4[%select_n3A_1258, %add3A_1261, %dma_wait3A_1263] : memref<4x4096x1024xf32, #tpu.memory_space<hbm>> -> memref<1x8x1024xf32, #tpu.memory_space<hbm>>
        %dma_wait3A_1265 = tpu.memref_squeeze %dma_wait3A_1264 : memref<1x8x1024xf32, #tpu.memory_space<hbm>> -> memref<8x1024xf32, #tpu.memory_space<hbm>>
        %dma_wait3A_1266 = tpu.memref_slice %arg17[%dma_wait3A_1262] : memref<8x!tpu.dma_semaphore, #tpu.memory_space<semaphore_mem>> -> memref<1x!tpu.dma_semaphore, #tpu.memory_space<semaphore_mem>>
        %dma_wait3A_1267 = tpu.memref_squeeze %dma_wait3A_1266 : memref<1x!tpu.dma_semaphore, #tpu.memory_space<semaphore_mem>> -> memref<!tpu.dma_semaphore, #tpu.memory_space<semaphore_mem>>
        %dma_wait3A_1268 = arith.constant 0 : i32
        %dma_wait3A_1269 = tpu.memref_slice %arg4[%select_n3A_1258, %add3A_1261, %dma_wait3A_1268] : memref<4x4096x1024xf32, #tpu.memory_space<hbm>> -> memref<1x8x1024xf32, #tpu.memory_space<hbm>>
        %dma_wait3A_1270 = tpu.memref_squeeze %dma_wait3A_1269 : memref<1x8x1024xf32, #tpu.memory_space<hbm>> -> memref<8x1024xf32, #tpu.memory_space<hbm>>
        tpu.wait_dma2 semaphore(%dma_wait3A_1267 : memref<!tpu.dma_semaphore, #tpu.memory_space<semaphore_mem>>) src(%arg9 : memref<8x1024xf32, #tpu.memory_space<vmem>>) dst(%dma_wait3A_1270 : memref<8x1024xf32, #tpu.memory_space<hbm>>)
        %add3A_1271 = arith.constant 8 : i32
        %add3A_1272 = arith.addi %add3A_583, %add3A_1271 : i32
        %sub3A_1273 = arith.constant 1 : i32
        %sub3A_1274 = arith.subi %add3A_1272, %sub3A_1273 : i32
        %jit3A_1275 = arith.constant 4 : i32
        %div3A_1276 = arith.divsi %sub3A_1274, %jit3A_1275 : i32
        %sign3A_1277 = arith.constant 0 : i32
        %sign3A_1278 = arith.cmpi sgt, %sub3A_1274, %sign3A_1277 : i32
        %sign3A_1279 = arith.extui %sign3A_1278 : i1 to i32
        %sign3A_1280 = arith.constant 0 : i32
        %sign3A_1281 = arith.cmpi slt, %sub3A_1274, %sign3A_1280 : i32
        %sign3A_1282 = arith.extui %sign3A_1281 : i1 to i32
        %sign3A_1283 = arith.subi %sign3A_1279, %sign3A_1282 : i32
        %sign3A_1284 = arith.constant 0 : i32
        %sign3A_1285 = arith.cmpi sgt, %jit3A_1275, %sign3A_1284 : i32
        %sign3A_1286 = arith.extui %sign3A_1285 : i1 to i32
        %sign3A_1287 = arith.constant 0 : i32
        %sign3A_1288 = arith.cmpi slt, %jit3A_1275, %sign3A_1287 : i32
        %sign3A_1289 = arith.extui %sign3A_1288 : i1 to i32
        %sign3A_1290 = arith.subi %sign3A_1286, %sign3A_1289 : i32
        %ne3A_1291 = arith.cmpi ne, %sign3A_1283, %sign3A_1290 : i32
        %rem3A_1292 = arith.remsi %sub3A_1274, %jit3A_1275 : i32
        %ne3A_1293 = arith.constant 0 : i32
        %ne3A_1294 = arith.cmpi ne, %rem3A_1292, %ne3A_1293 : i32
        %and3A_1295 = arith.andi %ne3A_1291, %ne3A_1294 : i1
        %sub3A_1296 = arith.constant 1 : i32
        %sub3A_1297 = arith.subi %div3A_1276, %sub3A_1296 : i32
        %select_n3A_1298 = arith.select %and3A_1295, %sub3A_1297, %div3A_1276 : i32
        %jit3A_1299 = arith.constant 4 : i32
        %eq3A_1300 = arith.constant 0 : i32
        %eq3A_1301 = arith.cmpi eq, %jit3A_1299, %eq3A_1300 : i32
        %jit3A_1302 = arith.constant 1 : i32
        %select_n3A_1303 = arith.select %eq3A_1301, %jit3A_1302, %jit3A_1299 : i32
        %rem3A_1304 = arith.remsi %sub3A_1274, %select_n3A_1303 : i32
        %ne3A_1305 = arith.constant 0 : i32
        %ne3A_1306 = arith.cmpi ne, %rem3A_1304, %ne3A_1305 : i32
        %lt3A_1307 = arith.constant 0 : i32
        %lt3A_1308 = arith.cmpi slt, %rem3A_1304, %lt3A_1307 : i32
        %lt3A_1309 = arith.constant 0 : i32
        %lt3A_1310 = arith.cmpi slt, %select_n3A_1303, %lt3A_1309 : i32
        %ne3A_1311 = arith.xori %lt3A_1308, %lt3A_1310 : i1
        %and3A_1312 = arith.andi %ne3A_1311, %ne3A_1306 : i1
        %add3A_1313 = arith.addi %rem3A_1304, %select_n3A_1303 : i32
        %select_n3A_1314 = arith.select %and3A_1312, %add3A_1313, %rem3A_1304 : i32
        %mul3A_1315 = arith.constant 8 : i32
        %mul3A_1316 = arith.muli %select_n3A_1298, %mul3A_1315 : i32
        %add3A_1317 = arith.addi %mul3A_2, %mul3A_1316 : i32
        %dma_start3A_1318 = arith.constant 2 : i32
        %dma_start3A_1319 = arith.constant 0 : i32
        %dma_start3A_1320 = tpu.memref_slice %arg2[%select_n3A_1314, %add3A_1317, %dma_start3A_1319] : memref<4x4096x1024xf32, #tpu.memory_space<hbm>> -> memref<1x8x1024xf32, #tpu.memory_space<hbm>>
        %dma_start3A_1321 = tpu.memref_squeeze %dma_start3A_1320 : memref<1x8x1024xf32, #tpu.memory_space<hbm>> -> memref<8x1024xf32, #tpu.memory_space<hbm>>
        %dma_start3A_1322 = tpu.memref_slice %arg16[%dma_start3A_1318] : memref<8x!tpu.dma_semaphore, #tpu.memory_space<semaphore_mem>> -> memref<1x!tpu.dma_semaphore, #tpu.memory_space<semaphore_mem>>
        %dma_start3A_1323 = tpu.memref_squeeze %dma_start3A_1322 : memref<1x!tpu.dma_semaphore, #tpu.memory_space<semaphore_mem>> -> memref<!tpu.dma_semaphore, #tpu.memory_space<semaphore_mem>>
        %dma_start3A_1324 = arith.constant 0 : i32
        %dma_start3A_1325 = tpu.memref_slice %arg2[%select_n3A_1314, %add3A_1317, %dma_start3A_1324] : memref<4x4096x1024xf32, #tpu.memory_space<hbm>> -> memref<1x8x1024xf32, #tpu.memory_space<hbm>>
        %dma_start3A_1326 = tpu.memref_squeeze %dma_start3A_1325 : memref<1x8x1024xf32, #tpu.memory_space<hbm>> -> memref<8x1024xf32, #tpu.memory_space<hbm>>
        tpu.enqueue_dma source(%dma_start3A_1326 : memref<8x1024xf32, #tpu.memory_space<hbm>>) target(%arg9 : memref<8x1024xf32, #tpu.memory_space<vmem>>) target_semaphore(%dma_start3A_1323 : memref<!tpu.dma_semaphore, #tpu.memory_space<semaphore_mem>>)
      } else {
      }
      %mul3A_704 = arith.constant 8 : i32
      %mul3A_705 = arith.muli %scan3A_194, %mul3A_704 : i32
      %add3A_706 = arith.constant 4 : i32
      %add3A_707 = arith.addi %mul3A_705, %add3A_706 : i32
      %mul3A_708 = arith.constant 2 : i32
      %mul3A_709 = arith.muli %mul3A_708, %scan3A_194 : i32
      %add3A_710 = arith.constant 1 : i32
      %add3A_711 = arith.addi %mul3A_709, %add3A_710 : i32
      %mul3A_712 = arith.constant 8 : i32
      %mul3A_713 = arith.muli %add3A_711, %mul3A_712 : i32
      %add3A_714 = arith.addi %mul3A_2, %mul3A_713 : i32
      %dma_wait3A_715 = arith.constant 1 : i32
      %dma_wait3A_716 = arith.constant 0 : i32
      %dma_wait3A_717 = tpu.memref_slice %arg3[%add3A_714, %dma_wait3A_716] : memref<8192x1024xf32, #tpu.memory_space<hbm>> -> memref<8x1024xf32, #tpu.memory_space<hbm>>
      %dma_wait3A_718 = tpu.memref_slice %arg15[%dma_wait3A_715] : memref<2x!tpu.dma_semaphore, #tpu.memory_space<semaphore_mem>> -> memref<1x!tpu.dma_semaphore, #tpu.memory_space<semaphore_mem>>
      %dma_wait3A_719 = tpu.memref_squeeze %dma_wait3A_718 : memref<1x!tpu.dma_semaphore, #tpu.memory_space<semaphore_mem>> -> memref<!tpu.dma_semaphore, #tpu.memory_space<semaphore_mem>>
      %dma_wait3A_720 = arith.constant 0 : i32
      %dma_wait3A_721 = tpu.memref_slice %arg3[%add3A_714, %dma_wait3A_720] : memref<8192x1024xf32, #tpu.memory_space<hbm>> -> memref<8x1024xf32, #tpu.memory_space<hbm>>
      tpu.wait_dma2 semaphore(%dma_wait3A_719 : memref<!tpu.dma_semaphore, #tpu.memory_space<semaphore_mem>>) src(%dma_wait3A_721 : memref<8x1024xf32, #tpu.memory_space<hbm>>) dst(%arg6 : memref<8x1024xf32, #tpu.memory_space<vmem>>)
      %add3A_722 = arith.constant 1 : i32
      %add3A_723 = arith.addi %add3A_711, %add3A_722 : i32
      %lt3A_724 = arith.constant 16 : i32
      %lt3A_725 = arith.cmpi slt, %add3A_723, %lt3A_724 : i32
      %convert_element_type3A_726 = arith.extui %lt3A_725 : i1 to i32
      %cond3A_727 = arith.constant 0 : i32
      %cond3A_728 = arith.cmpi ne, %convert_element_type3A_726, %cond3A_727 : i32
      scf.if %cond3A_728 {
        %add3A_1217 = arith.constant 1 : i32
        %add3A_1218 = arith.addi %add3A_711, %add3A_1217 : i32
        %mul3A_1219 = arith.constant 8 : i32
        %mul3A_1220 = arith.muli %add3A_1218, %mul3A_1219 : i32
        %add3A_1221 = arith.addi %mul3A_2, %mul3A_1220 : i32
        %dma_start3A_1222 = arith.constant 0 : i32
        %dma_start3A_1223 = arith.constant 0 : i32
        %dma_start3A_1224 = tpu.memref_slice %arg3[%add3A_1221, %dma_start3A_1223] : memref<8192x1024xf32, #tpu.memory_space<hbm>> -> memref<8x1024xf32, #tpu.memory_space<hbm>>
        %dma_start3A_1225 = tpu.memref_slice %arg15[%dma_start3A_1222] : memref<2x!tpu.dma_semaphore, #tpu.memory_space<semaphore_mem>> -> memref<1x!tpu.dma_semaphore, #tpu.memory_space<semaphore_mem>>
        %dma_start3A_1226 = tpu.memref_squeeze %dma_start3A_1225 : memref<1x!tpu.dma_semaphore, #tpu.memory_space<semaphore_mem>> -> memref<!tpu.dma_semaphore, #tpu.memory_space<semaphore_mem>>
        %dma_start3A_1227 = arith.constant 0 : i32
        %dma_start3A_1228 = tpu.memref_slice %arg3[%add3A_1221, %dma_start3A_1227] : memref<8192x1024xf32, #tpu.memory_space<hbm>> -> memref<8x1024xf32, #tpu.memory_space<hbm>>
        tpu.enqueue_dma source(%dma_start3A_1228 : memref<8x1024xf32, #tpu.memory_space<hbm>>) target(%arg5 : memref<8x1024xf32, #tpu.memory_space<vmem>>) target_semaphore(%dma_start3A_1226 : memref<!tpu.dma_semaphore, #tpu.memory_space<semaphore_mem>>)
      } else {
      }
      %jit3A_729 = arith.constant 4 : i32
      %div3A_730 = arith.divsi %add3A_707, %jit3A_729 : i32
      %sign3A_731 = arith.constant 0 : i32
      %sign3A_732 = arith.cmpi sgt, %add3A_707, %sign3A_731 : i32
      %sign3A_733 = arith.extui %sign3A_732 : i1 to i32
      %sign3A_734 = arith.constant 0 : i32
      %sign3A_735 = arith.cmpi slt, %add3A_707, %sign3A_734 : i32
      %sign3A_736 = arith.extui %sign3A_735 : i1 to i32
      %sign3A_737 = arith.subi %sign3A_733, %sign3A_736 : i32
      %sign3A_738 = arith.constant 0 : i32
      %sign3A_739 = arith.cmpi sgt, %jit3A_729, %sign3A_738 : i32
      %sign3A_740 = arith.extui %sign3A_739 : i1 to i32
      %sign3A_741 = arith.constant 0 : i32
      %sign3A_742 = arith.cmpi slt, %jit3A_729, %sign3A_741 : i32
      %sign3A_743 = arith.extui %sign3A_742 : i1 to i32
      %sign3A_744 = arith.subi %sign3A_740, %sign3A_743 : i32
      %ne3A_745 = arith.cmpi ne, %sign3A_737, %sign3A_744 : i32
      %rem3A_746 = arith.remsi %add3A_707, %jit3A_729 : i32
      %ne3A_747 = arith.constant 0 : i32
      %ne3A_748 = arith.cmpi ne, %rem3A_746, %ne3A_747 : i32
      %and3A_749 = arith.andi %ne3A_745, %ne3A_748 : i1
      %sub3A_750 = arith.constant 1 : i32
      %sub3A_751 = arith.subi %div3A_730, %sub3A_750 : i32
      %select_n3A_752 = arith.select %and3A_749, %sub3A_751, %div3A_730 : i32
      %jit3A_753 = arith.constant 4 : i32
      %eq3A_754 = arith.constant 0 : i32
      %eq3A_755 = arith.cmpi eq, %jit3A_753, %eq3A_754 : i32
      %jit3A_756 = arith.constant 1 : i32
      %select_n3A_757 = arith.select %eq3A_755, %jit3A_756, %jit3A_753 : i32
      %rem3A_758 = arith.remsi %add3A_707, %select_n3A_757 : i32
      %ne3A_759 = arith.constant 0 : i32
      %ne3A_760 = arith.cmpi ne, %rem3A_758, %ne3A_759 : i32
      %lt3A_761 = arith.constant 0 : i32
      %lt3A_762 = arith.cmpi slt, %rem3A_758, %lt3A_761 : i32
      %lt3A_763 = arith.constant 0 : i32
      %lt3A_764 = arith.cmpi slt, %select_n3A_757, %lt3A_763 : i32
      %ne3A_765 = arith.xori %lt3A_762, %lt3A_764 : i1
      %and3A_766 = arith.andi %ne3A_765, %ne3A_760 : i1
      %add3A_767 = arith.addi %rem3A_758, %select_n3A_757 : i32
      %select_n3A_768 = arith.select %and3A_766, %add3A_767, %rem3A_758 : i32
      %mul3A_769 = arith.constant 8 : i32
      %mul3A_770 = arith.muli %select_n3A_752, %mul3A_769 : i32
      %add3A_771 = arith.addi %mul3A_2, %mul3A_770 : i32
      %dma_wait3A_772 = arith.constant 4 : i32
      %dma_wait3A_773 = arith.constant 0 : i32
      %dma_wait3A_774 = tpu.memref_slice %arg2[%select_n3A_768, %add3A_771, %dma_wait3A_773] : memref<4x4096x1024xf32, #tpu.memory_space<hbm>> -> memref<1x8x1024xf32, #tpu.memory_space<hbm>>
      %dma_wait3A_775 = tpu.memref_squeeze %dma_wait3A_774 : memref<1x8x1024xf32, #tpu.memory_space<hbm>> -> memref<8x1024xf32, #tpu.memory_space<hbm>>
      %dma_wait3A_776 = tpu.memref_slice %arg16[%dma_wait3A_772] : memref<8x!tpu.dma_semaphore, #tpu.memory_space<semaphore_mem>> -> memref<1x!tpu.dma_semaphore, #tpu.memory_space<semaphore_mem>>
      %dma_wait3A_777 = tpu.memref_squeeze %dma_wait3A_776 : memref<1x!tpu.dma_semaphore, #tpu.memory_space<semaphore_mem>> -> memref<!tpu.dma_semaphore, #tpu.memory_space<semaphore_mem>>
      %dma_wait3A_778 = arith.constant 0 : i32
      %dma_wait3A_779 = tpu.memref_slice %arg2[%select_n3A_768, %add3A_771, %dma_wait3A_778] : memref<4x4096x1024xf32, #tpu.memory_space<hbm>> -> memref<1x8x1024xf32, #tpu.memory_space<hbm>>
      %dma_wait3A_780 = tpu.memref_squeeze %dma_wait3A_779 : memref<1x8x1024xf32, #tpu.memory_space<hbm>> -> memref<8x1024xf32, #tpu.memory_space<hbm>>
      tpu.wait_dma2 semaphore(%dma_wait3A_777 : memref<!tpu.dma_semaphore, #tpu.memory_space<semaphore_mem>>) src(%dma_wait3A_780 : memref<8x1024xf32, #tpu.memory_space<hbm>>) dst(%arg11 : memref<8x1024xf32, #tpu.memory_space<vmem>>)
      %parallel_loop3A_781 = arith.constant 0 : i32
      %parallel_loop3A_782 = arith.constant 8192 : i32
      %parallel_loop3A_783 = arith.constant 16 : i32
      scf.for %parallel_loop3A_1217 = %parallel_loop3A_781 to %parallel_loop3A_782 step %parallel_loop3A_783  : i32 {
        %parallel_loop3A_1218 = arith.constant 1024 : i32
        %parallel_loop3A_1219 = arith.divsi %parallel_loop3A_1217, %parallel_loop3A_1218 : i32
        %parallel_loop3A_1220 = arith.constant 0 : i32
        %parallel_loop3A_1221 = arith.cmpi sgt, %parallel_loop3A_1217, %parallel_loop3A_1220 : i32
        %parallel_loop3A_1222 = arith.extui %parallel_loop3A_1221 : i1 to i32
        %parallel_loop3A_1223 = arith.constant 0 : i32
        %parallel_loop3A_1224 = arith.cmpi slt, %parallel_loop3A_1217, %parallel_loop3A_1223 : i32
        %parallel_loop3A_1225 = arith.extui %parallel_loop3A_1224 : i1 to i32
        %parallel_loop3A_1226 = arith.subi %parallel_loop3A_1222, %parallel_loop3A_1225 : i32
        %parallel_loop3A_1227 = arith.constant 0 : i32
        %parallel_loop3A_1228 = arith.cmpi sgt, %parallel_loop3A_1218, %parallel_loop3A_1227 : i32
        %parallel_loop3A_1229 = arith.extui %parallel_loop3A_1228 : i1 to i32
        %parallel_loop3A_1230 = arith.constant 0 : i32
        %parallel_loop3A_1231 = arith.cmpi slt, %parallel_loop3A_1218, %parallel_loop3A_1230 : i32
        %parallel_loop3A_1232 = arith.extui %parallel_loop3A_1231 : i1 to i32
        %parallel_loop3A_1233 = arith.subi %parallel_loop3A_1229, %parallel_loop3A_1232 : i32
        %parallel_loop3A_1234 = arith.cmpi ne, %parallel_loop3A_1226, %parallel_loop3A_1233 : i32
        %parallel_loop3A_1235 = arith.remsi %parallel_loop3A_1217, %parallel_loop3A_1218 : i32
        %parallel_loop3A_1236 = arith.constant 0 : i32
        %parallel_loop3A_1237 = arith.cmpi ne, %parallel_loop3A_1235, %parallel_loop3A_1236 : i32
        %parallel_loop3A_1238 = arith.andi %parallel_loop3A_1234, %parallel_loop3A_1237 : i1
        %parallel_loop3A_1239 = arith.constant 1 : i32
        %parallel_loop3A_1240 = arith.subi %parallel_loop3A_1219, %parallel_loop3A_1239 : i32
        %parallel_loop3A_1241 = arith.select %parallel_loop3A_1238, %parallel_loop3A_1240, %parallel_loop3A_1219 : i32
        %parallel_loop3A_1242 = arith.constant 1024 : i32
        %parallel_loop3A_1243 = arith.constant 0 : i32
        %parallel_loop3A_1244 = arith.cmpi eq, %parallel_loop3A_1242, %parallel_loop3A_1243 : i32
        %parallel_loop3A_1245 = arith.constant 1 : i32
        %parallel_loop3A_1246 = arith.select %parallel_loop3A_1244, %parallel_loop3A_1245, %parallel_loop3A_1242 : i32
        %parallel_loop3A_1247 = arith.remsi %parallel_loop3A_1217, %parallel_loop3A_1246 : i32
        %parallel_loop3A_1248 = arith.constant 0 : i32
        %parallel_loop3A_1249 = arith.cmpi ne, %parallel_loop3A_1247, %parallel_loop3A_1248 : i32
        %parallel_loop3A_1250 = arith.constant 0 : i32
        %parallel_loop3A_1251 = arith.cmpi slt, %parallel_loop3A_1247, %parallel_loop3A_1250 : i32
        %parallel_loop3A_1252 = arith.constant 0 : i32
        %parallel_loop3A_1253 = arith.cmpi slt, %parallel_loop3A_1246, %parallel_loop3A_1252 : i32
        %parallel_loop3A_1254 = arith.xori %parallel_loop3A_1251, %parallel_loop3A_1253 : i1
        %parallel_loop3A_1255 = arith.andi %parallel_loop3A_1254, %parallel_loop3A_1249 : i1
        %parallel_loop3A_1256 = arith.addi %parallel_loop3A_1247, %parallel_loop3A_1246 : i32
        %parallel_loop3A_1257 = arith.select %parallel_loop3A_1255, %parallel_loop3A_1256, %parallel_loop3A_1247 : i32
        %parallel_loop3A_1258 = arith.index_cast %parallel_loop3A_1241 : i32 to index
        %parallel_loop3A_1259 = arith.index_cast %parallel_loop3A_1257 : i32 to index
        %parallel_loop3A_1260 = tpu.vector_load %arg6[%parallel_loop3A_1258, %parallel_loop3A_1259] {strides = array<i32>} : memref<8x1024xf32, #tpu.memory_space<vmem>>, vector<1x16xf32>,
        %parallel_loop3A_1261 = vector.shape_cast %parallel_loop3A_1260 : vector<1x16xf32> to vector<16xf32>
        %parallel_loop3A_1262 = arith.index_cast %parallel_loop3A_1241 : i32 to index
        %parallel_loop3A_1263 = arith.index_cast %parallel_loop3A_1257 : i32 to index
        %parallel_loop3A_1264 = tpu.vector_load %arg11[%parallel_loop3A_1262, %parallel_loop3A_1263] {strides = array<i32>} : memref<8x1024xf32, #tpu.memory_space<vmem>>, vector<1x16xf32>,
        %parallel_loop3A_1265 = vector.shape_cast %parallel_loop3A_1264 : vector<1x16xf32> to vector<16xf32>
        %parallel_loop3A_1266 = vector.shape_cast %parallel_loop3A_1261 : vector<16xf32> to vector<1x16xf32>
        tpu.vector_store %arg11[%parallel_loop3A_1262, %parallel_loop3A_1263], %parallel_loop3A_1266 {add = true, strides = array<i32>} : memref<8x1024xf32, #tpu.memory_space<vmem>>, vector<1x16xf32>,
      } {sc.loop_unroll_factor = 8 : i64, sc.parallel_access}
      %jit3A_784 = arith.constant 4 : i32
      %div3A_785 = arith.divsi %add3A_707, %jit3A_784 : i32
      %sign3A_786 = arith.constant 0 : i32
      %sign3A_787 = arith.cmpi sgt, %add3A_707, %sign3A_786 : i32
      %sign3A_788 = arith.extui %sign3A_787 : i1 to i32
      %sign3A_789 = arith.constant 0 : i32
      %sign3A_790 = arith.cmpi slt, %add3A_707, %sign3A_789 : i32
      %sign3A_791 = arith.extui %sign3A_790 : i1 to i32
      %sign3A_792 = arith.subi %sign3A_788, %sign3A_791 : i32
      %sign3A_793 = arith.constant 0 : i32
      %sign3A_794 = arith.cmpi sgt, %jit3A_784, %sign3A_793 : i32
      %sign3A_795 = arith.extui %sign3A_794 : i1 to i32
      %sign3A_796 = arith.constant 0 : i32
      %sign3A_797 = arith.cmpi slt, %jit3A_784, %sign3A_796 : i32
      %sign3A_798 = arith.extui %sign3A_797 : i1 to i32
      %sign3A_799 = arith.subi %sign3A_795, %sign3A_798 : i32
      %ne3A_800 = arith.cmpi ne, %sign3A_792, %sign3A_799 : i32
      %rem3A_801 = arith.remsi %add3A_707, %jit3A_784 : i32
      %ne3A_802 = arith.constant 0 : i32
      %ne3A_803 = arith.cmpi ne, %rem3A_801, %ne3A_802 : i32
      %and3A_804 = arith.andi %ne3A_800, %ne3A_803 : i1
      %sub3A_805 = arith.constant 1 : i32
      %sub3A_806 = arith.subi %div3A_785, %sub3A_805 : i32
      %select_n3A_807 = arith.select %and3A_804, %sub3A_806, %div3A_785 : i32
      %jit3A_808 = arith.constant 4 : i32
      %eq3A_809 = arith.constant 0 : i32
      %eq3A_810 = arith.cmpi eq, %jit3A_808, %eq3A_809 : i32
      %jit3A_811 = arith.constant 1 : i32
      %select_n3A_812 = arith.select %eq3A_810, %jit3A_811, %jit3A_808 : i32
      %rem3A_813 = arith.remsi %add3A_707, %select_n3A_812 : i32
      %ne3A_814 = arith.constant 0 : i32
      %ne3A_815 = arith.cmpi ne, %rem3A_813, %ne3A_814 : i32
      %lt3A_816 = arith.constant 0 : i32
      %lt3A_817 = arith.cmpi slt, %rem3A_813, %lt3A_816 : i32
      %lt3A_818 = arith.constant 0 : i32
      %lt3A_819 = arith.cmpi slt, %select_n3A_812, %lt3A_818 : i32
      %ne3A_820 = arith.xori %lt3A_817, %lt3A_819 : i1
      %and3A_821 = arith.andi %ne3A_820, %ne3A_815 : i1
      %add3A_822 = arith.addi %rem3A_813, %select_n3A_812 : i32
      %select_n3A_823 = arith.select %and3A_821, %add3A_822, %rem3A_813 : i32
      %mul3A_824 = arith.constant 8 : i32
      %mul3A_825 = arith.muli %select_n3A_807, %mul3A_824 : i32
      %add3A_826 = arith.addi %mul3A_2, %mul3A_825 : i32
      %dma_start3A_827 = arith.constant 4 : i32
      %dma_start3A_828 = arith.constant 0 : i32
      %dma_start3A_829 = tpu.memref_slice %arg4[%select_n3A_823, %add3A_826, %dma_start3A_828] : memref<4x4096x1024xf32, #tpu.memory_space<hbm>> -> memref<1x8x1024xf32, #tpu.memory_space<hbm>>
      %dma_start3A_830 = tpu.memref_squeeze %dma_start3A_829 : memref<1x8x1024xf32, #tpu.memory_space<hbm>> -> memref<8x1024xf32, #tpu.memory_space<hbm>>
      %dma_start3A_831 = tpu.memref_slice %arg17[%dma_start3A_827] : memref<8x!tpu.dma_semaphore, #tpu.memory_space<semaphore_mem>> -> memref<1x!tpu.dma_semaphore, #tpu.memory_space<semaphore_mem>>
      %dma_start3A_832 = tpu.memref_squeeze %dma_start3A_831 : memref<1x!tpu.dma_semaphore, #tpu.memory_space<semaphore_mem>> -> memref<!tpu.dma_semaphore, #tpu.memory_space<semaphore_mem>>
      %dma_start3A_833 = arith.constant 0 : i32
      %dma_start3A_834 = tpu.memref_slice %arg4[%select_n3A_823, %add3A_826, %dma_start3A_833] : memref<4x4096x1024xf32, #tpu.memory_space<hbm>> -> memref<1x8x1024xf32, #tpu.memory_space<hbm>>
      %dma_start3A_835 = tpu.memref_squeeze %dma_start3A_834 : memref<1x8x1024xf32, #tpu.memory_space<hbm>> -> memref<8x1024xf32, #tpu.memory_space<hbm>>
      tpu.enqueue_dma source(%arg11 : memref<8x1024xf32, #tpu.memory_space<vmem>>) target(%dma_start3A_835 : memref<8x1024xf32, #tpu.memory_space<hbm>>) target_semaphore(%dma_start3A_832 : memref<!tpu.dma_semaphore, #tpu.memory_space<semaphore_mem>>)
      %add3A_836 = arith.constant 8 : i32
      %add3A_837 = arith.addi %add3A_707, %add3A_836 : i32
      %sub3A_838 = arith.constant 1 : i32
      %sub3A_839 = arith.subi %add3A_837, %sub3A_838 : i32
      %lt3A_840 = arith.constant 64 : i32
      %lt3A_841 = arith.cmpi slt, %sub3A_839, %lt3A_840 : i32
      %convert_element_type3A_842 = arith.extui %lt3A_841 : i1 to i32
      %cond3A_843 = arith.constant 0 : i32
      %cond3A_844 = arith.cmpi ne, %convert_element_type3A_842, %cond3A_843 : i32
      scf.if %cond3A_844 {
        %sub3A_1217 = arith.constant 1 : i32
        %sub3A_1218 = arith.subi %add3A_707, %sub3A_1217 : i32
        %jit3A_1219 = arith.constant 4 : i32
        %div3A_1220 = arith.divsi %sub3A_1218, %jit3A_1219 : i32
        %sign3A_1221 = arith.constant 0 : i32
        %sign3A_1222 = arith.cmpi sgt, %sub3A_1218, %sign3A_1221 : i32
        %sign3A_1223 = arith.extui %sign3A_1222 : i1 to i32
        %sign3A_1224 = arith.constant 0 : i32
        %sign3A_1225 = arith.cmpi slt, %sub3A_1218, %sign3A_1224 : i32
        %sign3A_1226 = arith.extui %sign3A_1225 : i1 to i32
        %sign3A_1227 = arith.subi %sign3A_1223, %sign3A_1226 : i32
        %sign3A_1228 = arith.constant 0 : i32
        %sign3A_1229 = arith.cmpi sgt, %jit3A_1219, %sign3A_1228 : i32
        %sign3A_1230 = arith.extui %sign3A_1229 : i1 to i32
        %sign3A_1231 = arith.constant 0 : i32
        %sign3A_1232 = arith.cmpi slt, %jit3A_1219, %sign3A_1231 : i32
        %sign3A_1233 = arith.extui %sign3A_1232 : i1 to i32
        %sign3A_1234 = arith.subi %sign3A_1230, %sign3A_1233 : i32
        %ne3A_1235 = arith.cmpi ne, %sign3A_1227, %sign3A_1234 : i32
        %rem3A_1236 = arith.remsi %sub3A_1218, %jit3A_1219 : i32
        %ne3A_1237 = arith.constant 0 : i32
        %ne3A_1238 = arith.cmpi ne, %rem3A_1236, %ne3A_1237 : i32
        %and3A_1239 = arith.andi %ne3A_1235, %ne3A_1238 : i1
        %sub3A_1240 = arith.constant 1 : i32
        %sub3A_1241 = arith.subi %div3A_1220, %sub3A_1240 : i32
        %select_n3A_1242 = arith.select %and3A_1239, %sub3A_1241, %div3A_1220 : i32
        %jit3A_1243 = arith.constant 4 : i32
        %eq3A_1244 = arith.constant 0 : i32
        %eq3A_1245 = arith.cmpi eq, %jit3A_1243, %eq3A_1244 : i32
        %jit3A_1246 = arith.constant 1 : i32
        %select_n3A_1247 = arith.select %eq3A_1245, %jit3A_1246, %jit3A_1243 : i32
        %rem3A_1248 = arith.remsi %sub3A_1218, %select_n3A_1247 : i32
        %ne3A_1249 = arith.constant 0 : i32
        %ne3A_1250 = arith.cmpi ne, %rem3A_1248, %ne3A_1249 : i32
        %lt3A_1251 = arith.constant 0 : i32
        %lt3A_1252 = arith.cmpi slt, %rem3A_1248, %lt3A_1251 : i32
        %lt3A_1253 = arith.constant 0 : i32
        %lt3A_1254 = arith.cmpi slt, %select_n3A_1247, %lt3A_1253 : i32
        %ne3A_1255 = arith.xori %lt3A_1252, %lt3A_1254 : i1
        %and3A_1256 = arith.andi %ne3A_1255, %ne3A_1250 : i1
        %add3A_1257 = arith.addi %rem3A_1248, %select_n3A_1247 : i32
        %select_n3A_1258 = arith.select %and3A_1256, %add3A_1257, %rem3A_1248 : i32
        %mul3A_1259 = arith.constant 8 : i32
        %mul3A_1260 = arith.muli %select_n3A_1242, %mul3A_1259 : i32
        %add3A_1261 = arith.addi %mul3A_2, %mul3A_1260 : i32
        %dma_wait3A_1262 = arith.constant 3 : i32
        %dma_wait3A_1263 = arith.constant 0 : i32
        %dma_wait3A_1264 = tpu.memref_slice %arg4[%select_n3A_1258, %add3A_1261, %dma_wait3A_1263] : memref<4x4096x1024xf32, #tpu.memory_space<hbm>> -> memref<1x8x1024xf32, #tpu.memory_space<hbm>>
        %dma_wait3A_1265 = tpu.memref_squeeze %dma_wait3A_1264 : memref<1x8x1024xf32, #tpu.memory_space<hbm>> -> memref<8x1024xf32, #tpu.memory_space<hbm>>
        %dma_wait3A_1266 = tpu.memref_slice %arg17[%dma_wait3A_1262] : memref<8x!tpu.dma_semaphore, #tpu.memory_space<semaphore_mem>> -> memref<1x!tpu.dma_semaphore, #tpu.memory_space<semaphore_mem>>
        %dma_wait3A_1267 = tpu.memref_squeeze %dma_wait3A_1266 : memref<1x!tpu.dma_semaphore, #tpu.memory_space<semaphore_mem>> -> memref<!tpu.dma_semaphore, #tpu.memory_space<semaphore_mem>>
        %dma_wait3A_1268 = arith.constant 0 : i32
        %dma_wait3A_1269 = tpu.memref_slice %arg4[%select_n3A_1258, %add3A_1261, %dma_wait3A_1268] : memref<4x4096x1024xf32, #tpu.memory_space<hbm>> -> memref<1x8x1024xf32, #tpu.memory_space<hbm>>
        %dma_wait3A_1270 = tpu.memref_squeeze %dma_wait3A_1269 : memref<1x8x1024xf32, #tpu.memory_space<hbm>> -> memref<8x1024xf32, #tpu.memory_space<hbm>>
        tpu.wait_dma2 semaphore(%dma_wait3A_1267 : memref<!tpu.dma_semaphore, #tpu.memory_space<semaphore_mem>>) src(%arg10 : memref<8x1024xf32, #tpu.memory_space<vmem>>) dst(%dma_wait3A_1270 : memref<8x1024xf32, #tpu.memory_space<hbm>>)
        %add3A_1271 = arith.constant 8 : i32
        %add3A_1272 = arith.addi %add3A_707, %add3A_1271 : i32
        %sub3A_1273 = arith.constant 1 : i32
        %sub3A_1274 = arith.subi %add3A_1272, %sub3A_1273 : i32
        %jit3A_1275 = arith.constant 4 : i32
        %div3A_1276 = arith.divsi %sub3A_1274, %jit3A_1275 : i32
        %sign3A_1277 = arith.constant 0 : i32
        %sign3A_1278 = arith.cmpi sgt, %sub3A_1274, %sign3A_1277 : i32
        %sign3A_1279 = arith.extui %sign3A_1278 : i1 to i32
        %sign3A_1280 = arith.constant 0 : i32
        %sign3A_1281 = arith.cmpi slt, %sub3A_1274, %sign3A_1280 : i32
        %sign3A_1282 = arith.extui %sign3A_1281 : i1 to i32
        %sign3A_1283 = arith.subi %sign3A_1279, %sign3A_1282 : i32
        %sign3A_1284 = arith.constant 0 : i32
        %sign3A_1285 = arith.cmpi sgt, %jit3A_1275, %sign3A_1284 : i32
        %sign3A_1286 = arith.extui %sign3A_1285 : i1 to i32
        %sign3A_1287 = arith.constant 0 : i32
        %sign3A_1288 = arith.cmpi slt, %jit3A_1275, %sign3A_1287 : i32
        %sign3A_1289 = arith.extui %sign3A_1288 : i1 to i32
        %sign3A_1290 = arith.subi %sign3A_1286, %sign3A_1289 : i32
        %ne3A_1291 = arith.cmpi ne, %sign3A_1283, %sign3A_1290 : i32
        %rem3A_1292 = arith.remsi %sub3A_1274, %jit3A_1275 : i32
        %ne3A_1293 = arith.constant 0 : i32
        %ne3A_1294 = arith.cmpi ne, %rem3A_1292, %ne3A_1293 : i32
        %and3A_1295 = arith.andi %ne3A_1291, %ne3A_1294 : i1
        %sub3A_1296 = arith.constant 1 : i32
        %sub3A_1297 = arith.subi %div3A_1276, %sub3A_1296 : i32
        %select_n3A_1298 = arith.select %and3A_1295, %sub3A_1297, %div3A_1276 : i32
        %jit3A_1299 = arith.constant 4 : i32
        %eq3A_1300 = arith.constant 0 : i32
        %eq3A_1301 = arith.cmpi eq, %jit3A_1299, %eq3A_1300 : i32
        %jit3A_1302 = arith.constant 1 : i32
        %select_n3A_1303 = arith.select %eq3A_1301, %jit3A_1302, %jit3A_1299 : i32
        %rem3A_1304 = arith.remsi %sub3A_1274, %select_n3A_1303 : i32
        %ne3A_1305 = arith.constant 0 : i32
        %ne3A_1306 = arith.cmpi ne, %rem3A_1304, %ne3A_1305 : i32
        %lt3A_1307 = arith.constant 0 : i32
        %lt3A_1308 = arith.cmpi slt, %rem3A_1304, %lt3A_1307 : i32
        %lt3A_1309 = arith.constant 0 : i32
        %lt3A_1310 = arith.cmpi slt, %select_n3A_1303, %lt3A_1309 : i32
        %ne3A_1311 = arith.xori %lt3A_1308, %lt3A_1310 : i1
        %and3A_1312 = arith.andi %ne3A_1311, %ne3A_1306 : i1
        %add3A_1313 = arith.addi %rem3A_1304, %select_n3A_1303 : i32
        %select_n3A_1314 = arith.select %and3A_1312, %add3A_1313, %rem3A_1304 : i32
        %mul3A_1315 = arith.constant 8 : i32
        %mul3A_1316 = arith.muli %select_n3A_1298, %mul3A_1315 : i32
        %add3A_1317 = arith.addi %mul3A_2, %mul3A_1316 : i32
        %dma_start3A_1318 = arith.constant 3 : i32
        %dma_start3A_1319 = arith.constant 0 : i32
        %dma_start3A_1320 = tpu.memref_slice %arg2[%select_n3A_1314, %add3A_1317, %dma_start3A_1319] : memref<4x4096x1024xf32, #tpu.memory_space<hbm>> -> memref<1x8x1024xf32, #tpu.memory_space<hbm>>
        %dma_start3A_1321 = tpu.memref_squeeze %dma_start3A_1320 : memref<1x8x1024xf32, #tpu.memory_space<hbm>> -> memref<8x1024xf32, #tpu.memory_space<hbm>>
        %dma_start3A_1322 = tpu.memref_slice %arg16[%dma_start3A_1318] : memref<8x!tpu.dma_semaphore, #tpu.memory_space<semaphore_mem>> -> memref<1x!tpu.dma_semaphore, #tpu.memory_space<semaphore_mem>>
        %dma_start3A_1323 = tpu.memref_squeeze %dma_start3A_1322 : memref<1x!tpu.dma_semaphore, #tpu.memory_space<semaphore_mem>> -> memref<!tpu.dma_semaphore, #tpu.memory_space<semaphore_mem>>
        %dma_start3A_1324 = arith.constant 0 : i32
        %dma_start3A_1325 = tpu.memref_slice %arg2[%select_n3A_1314, %add3A_1317, %dma_start3A_1324] : memref<4x4096x1024xf32, #tpu.memory_space<hbm>> -> memref<1x8x1024xf32, #tpu.memory_space<hbm>>
        %dma_start3A_1326 = tpu.memref_squeeze %dma_start3A_1325 : memref<1x8x1024xf32, #tpu.memory_space<hbm>> -> memref<8x1024xf32, #tpu.memory_space<hbm>>
        tpu.enqueue_dma source(%dma_start3A_1326 : memref<8x1024xf32, #tpu.memory_space<hbm>>) target(%arg10 : memref<8x1024xf32, #tpu.memory_space<vmem>>) target_semaphore(%dma_start3A_1323 : memref<!tpu.dma_semaphore, #tpu.memory_space<semaphore_mem>>)
      } else {
      }
      %mul3A_845 = arith.constant 8 : i32
      %mul3A_846 = arith.muli %scan3A_194, %mul3A_845 : i32
      %add3A_847 = arith.constant 5 : i32
      %add3A_848 = arith.addi %mul3A_846, %add3A_847 : i32
      %mul3A_849 = arith.constant 2 : i32
      %mul3A_850 = arith.muli %mul3A_849, %scan3A_194 : i32
      %add3A_851 = arith.constant 1 : i32
      %add3A_852 = arith.addi %mul3A_850, %add3A_851 : i32
      %jit3A_853 = arith.constant 4 : i32
      %div3A_854 = arith.divsi %add3A_848, %jit3A_853 : i32
      %sign3A_855 = arith.constant 0 : i32
      %sign3A_856 = arith.cmpi sgt, %add3A_848, %sign3A_855 : i32
      %sign3A_857 = arith.extui %sign3A_856 : i1 to i32
      %sign3A_858 = arith.constant 0 : i32
      %sign3A_859 = arith.cmpi slt, %add3A_848, %sign3A_858 : i32
      %sign3A_860 = arith.extui %sign3A_859 : i1 to i32
      %sign3A_861 = arith.subi %sign3A_857, %sign3A_860 : i32
      %sign3A_862 = arith.constant 0 : i32
      %sign3A_863 = arith.cmpi sgt, %jit3A_853, %sign3A_862 : i32
      %sign3A_864 = arith.extui %sign3A_863 : i1 to i32
      %sign3A_865 = arith.constant 0 : i32
      %sign3A_866 = arith.cmpi slt, %jit3A_853, %sign3A_865 : i32
      %sign3A_867 = arith.extui %sign3A_866 : i1 to i32
      %sign3A_868 = arith.subi %sign3A_864, %sign3A_867 : i32
      %ne3A_869 = arith.cmpi ne, %sign3A_861, %sign3A_868 : i32
      %rem3A_870 = arith.remsi %add3A_848, %jit3A_853 : i32
      %ne3A_871 = arith.constant 0 : i32
      %ne3A_872 = arith.cmpi ne, %rem3A_870, %ne3A_871 : i32
      %and3A_873 = arith.andi %ne3A_869, %ne3A_872 : i1
      %sub3A_874 = arith.constant 1 : i32
      %sub3A_875 = arith.subi %div3A_854, %sub3A_874 : i32
      %select_n3A_876 = arith.select %and3A_873, %sub3A_875, %div3A_854 : i32
      %jit3A_877 = arith.constant 4 : i32
      %eq3A_878 = arith.constant 0 : i32
      %eq3A_879 = arith.cmpi eq, %jit3A_877, %eq3A_878 : i32
      %jit3A_880 = arith.constant 1 : i32
      %select_n3A_881 = arith.select %eq3A_879, %jit3A_880, %jit3A_877 : i32
      %rem3A_882 = arith.remsi %add3A_848, %select_n3A_881 : i32
      %ne3A_883 = arith.constant 0 : i32
      %ne3A_884 = arith.cmpi ne, %rem3A_882, %ne3A_883 : i32
      %lt3A_885 = arith.constant 0 : i32
      %lt3A_886 = arith.cmpi slt, %rem3A_882, %lt3A_885 : i32
      %lt3A_887 = arith.constant 0 : i32
      %lt3A_888 = arith.cmpi slt, %select_n3A_881, %lt3A_887 : i32
      %ne3A_889 = arith.xori %lt3A_886, %lt3A_888 : i1
      %and3A_890 = arith.andi %ne3A_889, %ne3A_884 : i1
      %add3A_891 = arith.addi %rem3A_882, %select_n3A_881 : i32
      %select_n3A_892 = arith.select %and3A_890, %add3A_891, %rem3A_882 : i32
      %mul3A_893 = arith.constant 8 : i32
      %mul3A_894 = arith.muli %select_n3A_876, %mul3A_893 : i32
      %add3A_895 = arith.addi %mul3A_2, %mul3A_894 : i32
      %dma_wait3A_896 = arith.constant 5 : i32
      %dma_wait3A_897 = arith.constant 0 : i32
      %dma_wait3A_898 = tpu.memref_slice %arg2[%select_n3A_892, %add3A_895, %dma_wait3A_897] : memref<4x4096x1024xf32, #tpu.memory_space<hbm>> -> memref<1x8x1024xf32, #tpu.memory_space<hbm>>
      %dma_wait3A_899 = tpu.memref_squeeze %dma_wait3A_898 : memref<1x8x1024xf32, #tpu.memory_space<hbm>> -> memref<8x1024xf32, #tpu.memory_space<hbm>>
      %dma_wait3A_900 = tpu.memref_slice %arg16[%dma_wait3A_896] : memref<8x!tpu.dma_semaphore, #tpu.memory_space<semaphore_mem>> -> memref<1x!tpu.dma_semaphore, #tpu.memory_space<semaphore_mem>>
      %dma_wait3A_901 = tpu.memref_squeeze %dma_wait3A_900 : memref<1x!tpu.dma_semaphore, #tpu.memory_space<semaphore_mem>> -> memref<!tpu.dma_semaphore, #tpu.memory_space<semaphore_mem>>
      %dma_wait3A_902 = arith.constant 0 : i32
      %dma_wait3A_903 = tpu.memref_slice %arg2[%select_n3A_892, %add3A_895, %dma_wait3A_902] : memref<4x4096x1024xf32, #tpu.memory_space<hbm>> -> memref<1x8x1024xf32, #tpu.memory_space<hbm>>
      %dma_wait3A_904 = tpu.memref_squeeze %dma_wait3A_903 : memref<1x8x1024xf32, #tpu.memory_space<hbm>> -> memref<8x1024xf32, #tpu.memory_space<hbm>>
      tpu.wait_dma2 semaphore(%dma_wait3A_901 : memref<!tpu.dma_semaphore, #tpu.memory_space<semaphore_mem>>) src(%dma_wait3A_904 : memref<8x1024xf32, #tpu.memory_space<hbm>>) dst(%arg12 : memref<8x1024xf32, #tpu.memory_space<vmem>>)
      %parallel_loop3A_905 = arith.constant 0 : i32
      %parallel_loop3A_906 = arith.constant 8192 : i32
      %parallel_loop3A_907 = arith.constant 16 : i32
      scf.for %parallel_loop3A_1217 = %parallel_loop3A_905 to %parallel_loop3A_906 step %parallel_loop3A_907  : i32 {
        %parallel_loop3A_1218 = arith.constant 1024 : i32
        %parallel_loop3A_1219 = arith.divsi %parallel_loop3A_1217, %parallel_loop3A_1218 : i32
        %parallel_loop3A_1220 = arith.constant 0 : i32
        %parallel_loop3A_1221 = arith.cmpi sgt, %parallel_loop3A_1217, %parallel_loop3A_1220 : i32
        %parallel_loop3A_1222 = arith.extui %parallel_loop3A_1221 : i1 to i32
        %parallel_loop3A_1223 = arith.constant 0 : i32
        %parallel_loop3A_1224 = arith.cmpi slt, %parallel_loop3A_1217, %parallel_loop3A_1223 : i32
        %parallel_loop3A_1225 = arith.extui %parallel_loop3A_1224 : i1 to i32
        %parallel_loop3A_1226 = arith.subi %parallel_loop3A_1222, %parallel_loop3A_1225 : i32
        %parallel_loop3A_1227 = arith.constant 0 : i32
        %parallel_loop3A_1228 = arith.cmpi sgt, %parallel_loop3A_1218, %parallel_loop3A_1227 : i32
        %parallel_loop3A_1229 = arith.extui %parallel_loop3A_1228 : i1 to i32
        %parallel_loop3A_1230 = arith.constant 0 : i32
        %parallel_loop3A_1231 = arith.cmpi slt, %parallel_loop3A_1218, %parallel_loop3A_1230 : i32
        %parallel_loop3A_1232 = arith.extui %parallel_loop3A_1231 : i1 to i32
        %parallel_loop3A_1233 = arith.subi %parallel_loop3A_1229, %parallel_loop3A_1232 : i32
        %parallel_loop3A_1234 = arith.cmpi ne, %parallel_loop3A_1226, %parallel_loop3A_1233 : i32
        %parallel_loop3A_1235 = arith.remsi %parallel_loop3A_1217, %parallel_loop3A_1218 : i32
        %parallel_loop3A_1236 = arith.constant 0 : i32
        %parallel_loop3A_1237 = arith.cmpi ne, %parallel_loop3A_1235, %parallel_loop3A_1236 : i32
        %parallel_loop3A_1238 = arith.andi %parallel_loop3A_1234, %parallel_loop3A_1237 : i1
        %parallel_loop3A_1239 = arith.constant 1 : i32
        %parallel_loop3A_1240 = arith.subi %parallel_loop3A_1219, %parallel_loop3A_1239 : i32
        %parallel_loop3A_1241 = arith.select %parallel_loop3A_1238, %parallel_loop3A_1240, %parallel_loop3A_1219 : i32
        %parallel_loop3A_1242 = arith.constant 1024 : i32
        %parallel_loop3A_1243 = arith.constant 0 : i32
        %parallel_loop3A_1244 = arith.cmpi eq, %parallel_loop3A_1242, %parallel_loop3A_1243 : i32
        %parallel_loop3A_1245 = arith.constant 1 : i32
        %parallel_loop3A_1246 = arith.select %parallel_loop3A_1244, %parallel_loop3A_1245, %parallel_loop3A_1242 : i32
        %parallel_loop3A_1247 = arith.remsi %parallel_loop3A_1217, %parallel_loop3A_1246 : i32
        %parallel_loop3A_1248 = arith.constant 0 : i32
        %parallel_loop3A_1249 = arith.cmpi ne, %parallel_loop3A_1247, %parallel_loop3A_1248 : i32
        %parallel_loop3A_1250 = arith.constant 0 : i32
        %parallel_loop3A_1251 = arith.cmpi slt, %parallel_loop3A_1247, %parallel_loop3A_1250 : i32
        %parallel_loop3A_1252 = arith.constant 0 : i32
        %parallel_loop3A_1253 = arith.cmpi slt, %parallel_loop3A_1246, %parallel_loop3A_1252 : i32
        %parallel_loop3A_1254 = arith.xori %parallel_loop3A_1251, %parallel_loop3A_1253 : i1
        %parallel_loop3A_1255 = arith.andi %parallel_loop3A_1254, %parallel_loop3A_1249 : i1
        %parallel_loop3A_1256 = arith.addi %parallel_loop3A_1247, %parallel_loop3A_1246 : i32
        %parallel_loop3A_1257 = arith.select %parallel_loop3A_1255, %parallel_loop3A_1256, %parallel_loop3A_1247 : i32
        %parallel_loop3A_1258 = arith.index_cast %parallel_loop3A_1241 : i32 to index
        %parallel_loop3A_1259 = arith.index_cast %parallel_loop3A_1257 : i32 to index
        %parallel_loop3A_1260 = tpu.vector_load %arg6[%parallel_loop3A_1258, %parallel_loop3A_1259] {strides = array<i32>} : memref<8x1024xf32, #tpu.memory_space<vmem>>, vector<1x16xf32>,
        %parallel_loop3A_1261 = vector.shape_cast %parallel_loop3A_1260 : vector<1x16xf32> to vector<16xf32>
        %parallel_loop3A_1262 = arith.index_cast %parallel_loop3A_1241 : i32 to index
        %parallel_loop3A_1263 = arith.index_cast %parallel_loop3A_1257 : i32 to index
        %parallel_loop3A_1264 = tpu.vector_load %arg12[%parallel_loop3A_1262, %parallel_loop3A_1263] {strides = array<i32>} : memref<8x1024xf32, #tpu.memory_space<vmem>>, vector<1x16xf32>,
        %parallel_loop3A_1265 = vector.shape_cast %parallel_loop3A_1264 : vector<1x16xf32> to vector<16xf32>
        %parallel_loop3A_1266 = vector.shape_cast %parallel_loop3A_1261 : vector<16xf32> to vector<1x16xf32>
        tpu.vector_store %arg12[%parallel_loop3A_1262, %parallel_loop3A_1263], %parallel_loop3A_1266 {add = true, strides = array<i32>} : memref<8x1024xf32, #tpu.memory_space<vmem>>, vector<1x16xf32>,
      } {sc.loop_unroll_factor = 8 : i64, sc.parallel_access}
      %jit3A_908 = arith.constant 4 : i32
      %div3A_909 = arith.divsi %add3A_848, %jit3A_908 : i32
      %sign3A_910 = arith.constant 0 : i32
      %sign3A_911 = arith.cmpi sgt, %add3A_848, %sign3A_910 : i32
      %sign3A_912 = arith.extui %sign3A_911 : i1 to i32
      %sign3A_913 = arith.constant 0 : i32
      %sign3A_914 = arith.cmpi slt, %add3A_848, %sign3A_913 : i32
      %sign3A_915 = arith.extui %sign3A_914 : i1 to i32
      %sign3A_916 = arith.subi %sign3A_912, %sign3A_915 : i32
      %sign3A_917 = arith.constant 0 : i32
      %sign3A_918 = arith.cmpi sgt, %jit3A_908, %sign3A_917 : i32
      %sign3A_919 = arith.extui %sign3A_918 : i1 to i32
      %sign3A_920 = arith.constant 0 : i32
      %sign3A_921 = arith.cmpi slt, %jit3A_908, %sign3A_920 : i32
      %sign3A_922 = arith.extui %sign3A_921 : i1 to i32
      %sign3A_923 = arith.subi %sign3A_919, %sign3A_922 : i32
      %ne3A_924 = arith.cmpi ne, %sign3A_916, %sign3A_923 : i32
      %rem3A_925 = arith.remsi %add3A_848, %jit3A_908 : i32
      %ne3A_926 = arith.constant 0 : i32
      %ne3A_927 = arith.cmpi ne, %rem3A_925, %ne3A_926 : i32
      %and3A_928 = arith.andi %ne3A_924, %ne3A_927 : i1
      %sub3A_929 = arith.constant 1 : i32
      %sub3A_930 = arith.subi %div3A_909, %sub3A_929 : i32
      %select_n3A_931 = arith.select %and3A_928, %sub3A_930, %div3A_909 : i32
      %jit3A_932 = arith.constant 4 : i32
      %eq3A_933 = arith.constant 0 : i32
      %eq3A_934 = arith.cmpi eq, %jit3A_932, %eq3A_933 : i32
      %jit3A_935 = arith.constant 1 : i32
      %select_n3A_936 = arith.select %eq3A_934, %jit3A_935, %jit3A_932 : i32
      %rem3A_937 = arith.remsi %add3A_848, %select_n3A_936 : i32
      %ne3A_938 = arith.constant 0 : i32
      %ne3A_939 = arith.cmpi ne, %rem3A_937, %ne3A_938 : i32
      %lt3A_940 = arith.constant 0 : i32
      %lt3A_941 = arith.cmpi slt, %rem3A_937, %lt3A_940 : i32
      %lt3A_942 = arith.constant 0 : i32
      %lt3A_943 = arith.cmpi slt, %select_n3A_936, %lt3A_942 : i32
      %ne3A_944 = arith.xori %lt3A_941, %lt3A_943 : i1
      %and3A_945 = arith.andi %ne3A_944, %ne3A_939 : i1
      %add3A_946 = arith.addi %rem3A_937, %select_n3A_936 : i32
      %select_n3A_947 = arith.select %and3A_945, %add3A_946, %rem3A_937 : i32
      %mul3A_948 = arith.constant 8 : i32
      %mul3A_949 = arith.muli %select_n3A_931, %mul3A_948 : i32
      %add3A_950 = arith.addi %mul3A_2, %mul3A_949 : i32
      %dma_start3A_951 = arith.constant 5 : i32
      %dma_start3A_952 = arith.constant 0 : i32
      %dma_start3A_953 = tpu.memref_slice %arg4[%select_n3A_947, %add3A_950, %dma_start3A_952] : memref<4x4096x1024xf32, #tpu.memory_space<hbm>> -> memref<1x8x1024xf32, #tpu.memory_space<hbm>>
      %dma_start3A_954 = tpu.memref_squeeze %dma_start3A_953 : memref<1x8x1024xf32, #tpu.memory_space<hbm>> -> memref<8x1024xf32, #tpu.memory_space<hbm>>
      %dma_start3A_955 = tpu.memref_slice %arg17[%dma_start3A_951] : memref<8x!tpu.dma_semaphore, #tpu.memory_space<semaphore_mem>> -> memref<1x!tpu.dma_semaphore, #tpu.memory_space<semaphore_mem>>
      %dma_start3A_956 = tpu.memref_squeeze %dma_start3A_955 : memref<1x!tpu.dma_semaphore, #tpu.memory_space<semaphore_mem>> -> memref<!tpu.dma_semaphore, #tpu.memory_space<semaphore_mem>>
      %dma_start3A_957 = arith.constant 0 : i32
      %dma_start3A_958 = tpu.memref_slice %arg4[%select_n3A_947, %add3A_950, %dma_start3A_957] : memref<4x4096x1024xf32, #tpu.memory_space<hbm>> -> memref<1x8x1024xf32, #tpu.memory_space<hbm>>
      %dma_start3A_959 = tpu.memref_squeeze %dma_start3A_958 : memref<1x8x1024xf32, #tpu.memory_space<hbm>> -> memref<8x1024xf32, #tpu.memory_space<hbm>>
      tpu.enqueue_dma source(%arg12 : memref<8x1024xf32, #tpu.memory_space<vmem>>) target(%dma_start3A_959 : memref<8x1024xf32, #tpu.memory_space<hbm>>) target_semaphore(%dma_start3A_956 : memref<!tpu.dma_semaphore, #tpu.memory_space<semaphore_mem>>)
      %add3A_960 = arith.constant 8 : i32
      %add3A_961 = arith.addi %add3A_848, %add3A_960 : i32
      %sub3A_962 = arith.constant 1 : i32
      %sub3A_963 = arith.subi %add3A_961, %sub3A_962 : i32
      %lt3A_964 = arith.constant 64 : i32
      %lt3A_965 = arith.cmpi slt, %sub3A_963, %lt3A_964 : i32
      %convert_element_type3A_966 = arith.extui %lt3A_965 : i1 to i32
      %cond3A_967 = arith.constant 0 : i32
      %cond3A_968 = arith.cmpi ne, %convert_element_type3A_966, %cond3A_967 : i32
      scf.if %cond3A_968 {
        %sub3A_1217 = arith.constant 1 : i32
        %sub3A_1218 = arith.subi %add3A_848, %sub3A_1217 : i32
        %jit3A_1219 = arith.constant 4 : i32
        %div3A_1220 = arith.divsi %sub3A_1218, %jit3A_1219 : i32
        %sign3A_1221 = arith.constant 0 : i32
        %sign3A_1222 = arith.cmpi sgt, %sub3A_1218, %sign3A_1221 : i32
        %sign3A_1223 = arith.extui %sign3A_1222 : i1 to i32
        %sign3A_1224 = arith.constant 0 : i32
        %sign3A_1225 = arith.cmpi slt, %sub3A_1218, %sign3A_1224 : i32
        %sign3A_1226 = arith.extui %sign3A_1225 : i1 to i32
        %sign3A_1227 = arith.subi %sign3A_1223, %sign3A_1226 : i32
        %sign3A_1228 = arith.constant 0 : i32
        %sign3A_1229 = arith.cmpi sgt, %jit3A_1219, %sign3A_1228 : i32
        %sign3A_1230 = arith.extui %sign3A_1229 : i1 to i32
        %sign3A_1231 = arith.constant 0 : i32
        %sign3A_1232 = arith.cmpi slt, %jit3A_1219, %sign3A_1231 : i32
        %sign3A_1233 = arith.extui %sign3A_1232 : i1 to i32
        %sign3A_1234 = arith.subi %sign3A_1230, %sign3A_1233 : i32
        %ne3A_1235 = arith.cmpi ne, %sign3A_1227, %sign3A_1234 : i32
        %rem3A_1236 = arith.remsi %sub3A_1218, %jit3A_1219 : i32
        %ne3A_1237 = arith.constant 0 : i32
        %ne3A_1238 = arith.cmpi ne, %rem3A_1236, %ne3A_1237 : i32
        %and3A_1239 = arith.andi %ne3A_1235, %ne3A_1238 : i1
        %sub3A_1240 = arith.constant 1 : i32
        %sub3A_1241 = arith.subi %div3A_1220, %sub3A_1240 : i32
        %select_n3A_1242 = arith.select %and3A_1239, %sub3A_1241, %div3A_1220 : i32
        %jit3A_1243 = arith.constant 4 : i32
        %eq3A_1244 = arith.constant 0 : i32
        %eq3A_1245 = arith.cmpi eq, %jit3A_1243, %eq3A_1244 : i32
        %jit3A_1246 = arith.constant 1 : i32
        %select_n3A_1247 = arith.select %eq3A_1245, %jit3A_1246, %jit3A_1243 : i32
        %rem3A_1248 = arith.remsi %sub3A_1218, %select_n3A_1247 : i32
        %ne3A_1249 = arith.constant 0 : i32
        %ne3A_1250 = arith.cmpi ne, %rem3A_1248, %ne3A_1249 : i32
        %lt3A_1251 = arith.constant 0 : i32
        %lt3A_1252 = arith.cmpi slt, %rem3A_1248, %lt3A_1251 : i32
        %lt3A_1253 = arith.constant 0 : i32
        %lt3A_1254 = arith.cmpi slt, %select_n3A_1247, %lt3A_1253 : i32
        %ne3A_1255 = arith.xori %lt3A_1252, %lt3A_1254 : i1
        %and3A_1256 = arith.andi %ne3A_1255, %ne3A_1250 : i1
        %add3A_1257 = arith.addi %rem3A_1248, %select_n3A_1247 : i32
        %select_n3A_1258 = arith.select %and3A_1256, %add3A_1257, %rem3A_1248 : i32
        %mul3A_1259 = arith.constant 8 : i32
        %mul3A_1260 = arith.muli %select_n3A_1242, %mul3A_1259 : i32
        %add3A_1261 = arith.addi %mul3A_2, %mul3A_1260 : i32
        %dma_wait3A_1262 = arith.constant 4 : i32
        %dma_wait3A_1263 = arith.constant 0 : i32
        %dma_wait3A_1264 = tpu.memref_slice %arg4[%select_n3A_1258, %add3A_1261, %dma_wait3A_1263] : memref<4x4096x1024xf32, #tpu.memory_space<hbm>> -> memref<1x8x1024xf32, #tpu.memory_space<hbm>>
        %dma_wait3A_1265 = tpu.memref_squeeze %dma_wait3A_1264 : memref<1x8x1024xf32, #tpu.memory_space<hbm>> -> memref<8x1024xf32, #tpu.memory_space<hbm>>
        %dma_wait3A_1266 = tpu.memref_slice %arg17[%dma_wait3A_1262] : memref<8x!tpu.dma_semaphore, #tpu.memory_space<semaphore_mem>> -> memref<1x!tpu.dma_semaphore, #tpu.memory_space<semaphore_mem>>
        %dma_wait3A_1267 = tpu.memref_squeeze %dma_wait3A_1266 : memref<1x!tpu.dma_semaphore, #tpu.memory_space<semaphore_mem>> -> memref<!tpu.dma_semaphore, #tpu.memory_space<semaphore_mem>>
        %dma_wait3A_1268 = arith.constant 0 : i32
        %dma_wait3A_1269 = tpu.memref_slice %arg4[%select_n3A_1258, %add3A_1261, %dma_wait3A_1268] : memref<4x4096x1024xf32, #tpu.memory_space<hbm>> -> memref<1x8x1024xf32, #tpu.memory_space<hbm>>
        %dma_wait3A_1270 = tpu.memref_squeeze %dma_wait3A_1269 : memref<1x8x1024xf32, #tpu.memory_space<hbm>> -> memref<8x1024xf32, #tpu.memory_space<hbm>>
        tpu.wait_dma2 semaphore(%dma_wait3A_1267 : memref<!tpu.dma_semaphore, #tpu.memory_space<semaphore_mem>>) src(%arg11 : memref<8x1024xf32, #tpu.memory_space<vmem>>) dst(%dma_wait3A_1270 : memref<8x1024xf32, #tpu.memory_space<hbm>>)
        %add3A_1271 = arith.constant 8 : i32
        %add3A_1272 = arith.addi %add3A_848, %add3A_1271 : i32
        %sub3A_1273 = arith.constant 1 : i32
        %sub3A_1274 = arith.subi %add3A_1272, %sub3A_1273 : i32
        %jit3A_1275 = arith.constant 4 : i32
        %div3A_1276 = arith.divsi %sub3A_1274, %jit3A_1275 : i32
        %sign3A_1277 = arith.constant 0 : i32
        %sign3A_1278 = arith.cmpi sgt, %sub3A_1274, %sign3A_1277 : i32
        %sign3A_1279 = arith.extui %sign3A_1278 : i1 to i32
        %sign3A_1280 = arith.constant 0 : i32
        %sign3A_1281 = arith.cmpi slt, %sub3A_1274, %sign3A_1280 : i32
        %sign3A_1282 = arith.extui %sign3A_1281 : i1 to i32
        %sign3A_1283 = arith.subi %sign3A_1279, %sign3A_1282 : i32
        %sign3A_1284 = arith.constant 0 : i32
        %sign3A_1285 = arith.cmpi sgt, %jit3A_1275, %sign3A_1284 : i32
        %sign3A_1286 = arith.extui %sign3A_1285 : i1 to i32
        %sign3A_1287 = arith.constant 0 : i32
        %sign3A_1288 = arith.cmpi slt, %jit3A_1275, %sign3A_1287 : i32
        %sign3A_1289 = arith.extui %sign3A_1288 : i1 to i32
        %sign3A_1290 = arith.subi %sign3A_1286, %sign3A_1289 : i32
        %ne3A_1291 = arith.cmpi ne, %sign3A_1283, %sign3A_1290 : i32
        %rem3A_1292 = arith.remsi %sub3A_1274, %jit3A_1275 : i32
        %ne3A_1293 = arith.constant 0 : i32
        %ne3A_1294 = arith.cmpi ne, %rem3A_1292, %ne3A_1293 : i32
        %and3A_1295 = arith.andi %ne3A_1291, %ne3A_1294 : i1
        %sub3A_1296 = arith.constant 1 : i32
        %sub3A_1297 = arith.subi %div3A_1276, %sub3A_1296 : i32
        %select_n3A_1298 = arith.select %and3A_1295, %sub3A_1297, %div3A_1276 : i32
        %jit3A_1299 = arith.constant 4 : i32
        %eq3A_1300 = arith.constant 0 : i32
        %eq3A_1301 = arith.cmpi eq, %jit3A_1299, %eq3A_1300 : i32
        %jit3A_1302 = arith.constant 1 : i32
        %select_n3A_1303 = arith.select %eq3A_1301, %jit3A_1302, %jit3A_1299 : i32
        %rem3A_1304 = arith.remsi %sub3A_1274, %select_n3A_1303 : i32
        %ne3A_1305 = arith.constant 0 : i32
        %ne3A_1306 = arith.cmpi ne, %rem3A_1304, %ne3A_1305 : i32
        %lt3A_1307 = arith.constant 0 : i32
        %lt3A_1308 = arith.cmpi slt, %rem3A_1304, %lt3A_1307 : i32
        %lt3A_1309 = arith.constant 0 : i32
        %lt3A_1310 = arith.cmpi slt, %select_n3A_1303, %lt3A_1309 : i32
        %ne3A_1311 = arith.xori %lt3A_1308, %lt3A_1310 : i1
        %and3A_1312 = arith.andi %ne3A_1311, %ne3A_1306 : i1
        %add3A_1313 = arith.addi %rem3A_1304, %select_n3A_1303 : i32
        %select_n3A_1314 = arith.select %and3A_1312, %add3A_1313, %rem3A_1304 : i32
        %mul3A_1315 = arith.constant 8 : i32
        %mul3A_1316 = arith.muli %select_n3A_1298, %mul3A_1315 : i32
        %add3A_1317 = arith.addi %mul3A_2, %mul3A_1316 : i32
        %dma_start3A_1318 = arith.constant 4 : i32
        %dma_start3A_1319 = arith.constant 0 : i32
        %dma_start3A_1320 = tpu.memref_slice %arg2[%select_n3A_1314, %add3A_1317, %dma_start3A_1319] : memref<4x4096x1024xf32, #tpu.memory_space<hbm>> -> memref<1x8x1024xf32, #tpu.memory_space<hbm>>
        %dma_start3A_1321 = tpu.memref_squeeze %dma_start3A_1320 : memref<1x8x1024xf32, #tpu.memory_space<hbm>> -> memref<8x1024xf32, #tpu.memory_space<hbm>>
        %dma_start3A_1322 = tpu.memref_slice %arg16[%dma_start3A_1318] : memref<8x!tpu.dma_semaphore, #tpu.memory_space<semaphore_mem>> -> memref<1x!tpu.dma_semaphore, #tpu.memory_space<semaphore_mem>>
        %dma_start3A_1323 = tpu.memref_squeeze %dma_start3A_1322 : memref<1x!tpu.dma_semaphore, #tpu.memory_space<semaphore_mem>> -> memref<!tpu.dma_semaphore, #tpu.memory_space<semaphore_mem>>
        %dma_start3A_1324 = arith.constant 0 : i32
        %dma_start3A_1325 = tpu.memref_slice %arg2[%select_n3A_1314, %add3A_1317, %dma_start3A_1324] : memref<4x4096x1024xf32, #tpu.memory_space<hbm>> -> memref<1x8x1024xf32, #tpu.memory_space<hbm>>
        %dma_start3A_1326 = tpu.memref_squeeze %dma_start3A_1325 : memref<1x8x1024xf32, #tpu.memory_space<hbm>> -> memref<8x1024xf32, #tpu.memory_space<hbm>>
        tpu.enqueue_dma source(%dma_start3A_1326 : memref<8x1024xf32, #tpu.memory_space<hbm>>) target(%arg11 : memref<8x1024xf32, #tpu.memory_space<vmem>>) target_semaphore(%dma_start3A_1323 : memref<!tpu.dma_semaphore, #tpu.memory_space<semaphore_mem>>)
      } else {
      }
      %mul3A_969 = arith.constant 8 : i32
      %mul3A_970 = arith.muli %scan3A_194, %mul3A_969 : i32
      %add3A_971 = arith.constant 6 : i32
      %add3A_972 = arith.addi %mul3A_970, %add3A_971 : i32
      %mul3A_973 = arith.constant 2 : i32
      %mul3A_974 = arith.muli %mul3A_973, %scan3A_194 : i32
      %add3A_975 = arith.constant 1 : i32
      %add3A_976 = arith.addi %mul3A_974, %add3A_975 : i32
      %jit3A_977 = arith.constant 4 : i32
      %div3A_978 = arith.divsi %add3A_972, %jit3A_977 : i32
      %sign3A_979 = arith.constant 0 : i32
      %sign3A_980 = arith.cmpi sgt, %add3A_972, %sign3A_979 : i32
      %sign3A_981 = arith.extui %sign3A_980 : i1 to i32
      %sign3A_982 = arith.constant 0 : i32
      %sign3A_983 = arith.cmpi slt, %add3A_972, %sign3A_982 : i32
      %sign3A_984 = arith.extui %sign3A_983 : i1 to i32
      %sign3A_985 = arith.subi %sign3A_981, %sign3A_984 : i32
      %sign3A_986 = arith.constant 0 : i32
      %sign3A_987 = arith.cmpi sgt, %jit3A_977, %sign3A_986 : i32
      %sign3A_988 = arith.extui %sign3A_987 : i1 to i32
      %sign3A_989 = arith.constant 0 : i32
      %sign3A_990 = arith.cmpi slt, %jit3A_977, %sign3A_989 : i32
      %sign3A_991 = arith.extui %sign3A_990 : i1 to i32
      %sign3A_992 = arith.subi %sign3A_988, %sign3A_991 : i32
      %ne3A_993 = arith.cmpi ne, %sign3A_985, %sign3A_992 : i32
      %rem3A_994 = arith.remsi %add3A_972, %jit3A_977 : i32
      %ne3A_995 = arith.constant 0 : i32
      %ne3A_996 = arith.cmpi ne, %rem3A_994, %ne3A_995 : i32
      %and3A_997 = arith.andi %ne3A_993, %ne3A_996 : i1
      %sub3A_998 = arith.constant 1 : i32
      %sub3A_999 = arith.subi %div3A_978, %sub3A_998 : i32
      %select_n3A_1000 = arith.select %and3A_997, %sub3A_999, %div3A_978 : i32
      %jit3A_1001 = arith.constant 4 : i32
      %eq3A_1002 = arith.constant 0 : i32
      %eq3A_1003 = arith.cmpi eq, %jit3A_1001, %eq3A_1002 : i32
      %jit3A_1004 = arith.constant 1 : i32
      %select_n3A_1005 = arith.select %eq3A_1003, %jit3A_1004, %jit3A_1001 : i32
      %rem3A_1006 = arith.remsi %add3A_972, %select_n3A_1005 : i32
      %ne3A_1007 = arith.constant 0 : i32
      %ne3A_1008 = arith.cmpi ne, %rem3A_1006, %ne3A_1007 : i32
      %lt3A_1009 = arith.constant 0 : i32
      %lt3A_1010 = arith.cmpi slt, %rem3A_1006, %lt3A_1009 : i32
      %lt3A_1011 = arith.constant 0 : i32
      %lt3A_1012 = arith.cmpi slt, %select_n3A_1005, %lt3A_1011 : i32
      %ne3A_1013 = arith.xori %lt3A_1010, %lt3A_1012 : i1
      %and3A_1014 = arith.andi %ne3A_1013, %ne3A_1008 : i1
      %add3A_1015 = arith.addi %rem3A_1006, %select_n3A_1005 : i32
      %select_n3A_1016 = arith.select %and3A_1014, %add3A_1015, %rem3A_1006 : i32
      %mul3A_1017 = arith.constant 8 : i32
      %mul3A_1018 = arith.muli %select_n3A_1000, %mul3A_1017 : i32
      %add3A_1019 = arith.addi %mul3A_2, %mul3A_1018 : i32
      %dma_wait3A_1020 = arith.constant 6 : i32
      %dma_wait3A_1021 = arith.constant 0 : i32
      %dma_wait3A_1022 = tpu.memref_slice %arg2[%select_n3A_1016, %add3A_1019, %dma_wait3A_1021] : memref<4x4096x1024xf32, #tpu.memory_space<hbm>> -> memref<1x8x1024xf32, #tpu.memory_space<hbm>>
      %dma_wait3A_1023 = tpu.memref_squeeze %dma_wait3A_1022 : memref<1x8x1024xf32, #tpu.memory_space<hbm>> -> memref<8x1024xf32, #tpu.memory_space<hbm>>
      %dma_wait3A_1024 = tpu.memref_slice %arg16[%dma_wait3A_1020] : memref<8x!tpu.dma_semaphore, #tpu.memory_space<semaphore_mem>> -> memref<1x!tpu.dma_semaphore, #tpu.memory_space<semaphore_mem>>
      %dma_wait3A_1025 = tpu.memref_squeeze %dma_wait3A_1024 : memref<1x!tpu.dma_semaphore, #tpu.memory_space<semaphore_mem>> -> memref<!tpu.dma_semaphore, #tpu.memory_space<semaphore_mem>>
      %dma_wait3A_1026 = arith.constant 0 : i32
      %dma_wait3A_1027 = tpu.memref_slice %arg2[%select_n3A_1016, %add3A_1019, %dma_wait3A_1026] : memref<4x4096x1024xf32, #tpu.memory_space<hbm>> -> memref<1x8x1024xf32, #tpu.memory_space<hbm>>
      %dma_wait3A_1028 = tpu.memref_squeeze %dma_wait3A_1027 : memref<1x8x1024xf32, #tpu.memory_space<hbm>> -> memref<8x1024xf32, #tpu.memory_space<hbm>>
      tpu.wait_dma2 semaphore(%dma_wait3A_1025 : memref<!tpu.dma_semaphore, #tpu.memory_space<semaphore_mem>>) src(%dma_wait3A_1028 : memref<8x1024xf32, #tpu.memory_space<hbm>>) dst(%arg13 : memref<8x1024xf32, #tpu.memory_space<vmem>>)
      %parallel_loop3A_1029 = arith.constant 0 : i32
      %parallel_loop3A_1030 = arith.constant 8192 : i32
      %parallel_loop3A_1031 = arith.constant 16 : i32
      scf.for %parallel_loop3A_1217 = %parallel_loop3A_1029 to %parallel_loop3A_1030 step %parallel_loop3A_1031  : i32 {
        %parallel_loop3A_1218 = arith.constant 1024 : i32
        %parallel_loop3A_1219 = arith.divsi %parallel_loop3A_1217, %parallel_loop3A_1218 : i32
        %parallel_loop3A_1220 = arith.constant 0 : i32
        %parallel_loop3A_1221 = arith.cmpi sgt, %parallel_loop3A_1217, %parallel_loop3A_1220 : i32
        %parallel_loop3A_1222 = arith.extui %parallel_loop3A_1221 : i1 to i32
        %parallel_loop3A_1223 = arith.constant 0 : i32
        %parallel_loop3A_1224 = arith.cmpi slt, %parallel_loop3A_1217, %parallel_loop3A_1223 : i32
        %parallel_loop3A_1225 = arith.extui %parallel_loop3A_1224 : i1 to i32
        %parallel_loop3A_1226 = arith.subi %parallel_loop3A_1222, %parallel_loop3A_1225 : i32
        %parallel_loop3A_1227 = arith.constant 0 : i32
        %parallel_loop3A_1228 = arith.cmpi sgt, %parallel_loop3A_1218, %parallel_loop3A_1227 : i32
        %parallel_loop3A_1229 = arith.extui %parallel_loop3A_1228 : i1 to i32
        %parallel_loop3A_1230 = arith.constant 0 : i32
        %parallel_loop3A_1231 = arith.cmpi slt, %parallel_loop3A_1218, %parallel_loop3A_1230 : i32
        %parallel_loop3A_1232 = arith.extui %parallel_loop3A_1231 : i1 to i32
        %parallel_loop3A_1233 = arith.subi %parallel_loop3A_1229, %parallel_loop3A_1232 : i32
        %parallel_loop3A_1234 = arith.cmpi ne, %parallel_loop3A_1226, %parallel_loop3A_1233 : i32
        %parallel_loop3A_1235 = arith.remsi %parallel_loop3A_1217, %parallel_loop3A_1218 : i32
        %parallel_loop3A_1236 = arith.constant 0 : i32
        %parallel_loop3A_1237 = arith.cmpi ne, %parallel_loop3A_1235, %parallel_loop3A_1236 : i32
        %parallel_loop3A_1238 = arith.andi %parallel_loop3A_1234, %parallel_loop3A_1237 : i1
        %parallel_loop3A_1239 = arith.constant 1 : i32
        %parallel_loop3A_1240 = arith.subi %parallel_loop3A_1219, %parallel_loop3A_1239 : i32
        %parallel_loop3A_1241 = arith.select %parallel_loop3A_1238, %parallel_loop3A_1240, %parallel_loop3A_1219 : i32
        %parallel_loop3A_1242 = arith.constant 1024 : i32
        %parallel_loop3A_1243 = arith.constant 0 : i32
        %parallel_loop3A_1244 = arith.cmpi eq, %parallel_loop3A_1242, %parallel_loop3A_1243 : i32
        %parallel_loop3A_1245 = arith.constant 1 : i32
        %parallel_loop3A_1246 = arith.select %parallel_loop3A_1244, %parallel_loop3A_1245, %parallel_loop3A_1242 : i32
        %parallel_loop3A_1247 = arith.remsi %parallel_loop3A_1217, %parallel_loop3A_1246 : i32
        %parallel_loop3A_1248 = arith.constant 0 : i32
        %parallel_loop3A_1249 = arith.cmpi ne, %parallel_loop3A_1247, %parallel_loop3A_1248 : i32
        %parallel_loop3A_1250 = arith.constant 0 : i32
        %parallel_loop3A_1251 = arith.cmpi slt, %parallel_loop3A_1247, %parallel_loop3A_1250 : i32
        %parallel_loop3A_1252 = arith.constant 0 : i32
        %parallel_loop3A_1253 = arith.cmpi slt, %parallel_loop3A_1246, %parallel_loop3A_1252 : i32
        %parallel_loop3A_1254 = arith.xori %parallel_loop3A_1251, %parallel_loop3A_1253 : i1
        %parallel_loop3A_1255 = arith.andi %parallel_loop3A_1254, %parallel_loop3A_1249 : i1
        %parallel_loop3A_1256 = arith.addi %parallel_loop3A_1247, %parallel_loop3A_1246 : i32
        %parallel_loop3A_1257 = arith.select %parallel_loop3A_1255, %parallel_loop3A_1256, %parallel_loop3A_1247 : i32
        %parallel_loop3A_1258 = arith.index_cast %parallel_loop3A_1241 : i32 to index
        %parallel_loop3A_1259 = arith.index_cast %parallel_loop3A_1257 : i32 to index
        %parallel_loop3A_1260 = tpu.vector_load %arg6[%parallel_loop3A_1258, %parallel_loop3A_1259] {strides = array<i32>} : memref<8x1024xf32, #tpu.memory_space<vmem>>, vector<1x16xf32>,
        %parallel_loop3A_1261 = vector.shape_cast %parallel_loop3A_1260 : vector<1x16xf32> to vector<16xf32>
        %parallel_loop3A_1262 = arith.index_cast %parallel_loop3A_1241 : i32 to index
        %parallel_loop3A_1263 = arith.index_cast %parallel_loop3A_1257 : i32 to index
        %parallel_loop3A_1264 = tpu.vector_load %arg13[%parallel_loop3A_1262, %parallel_loop3A_1263] {strides = array<i32>} : memref<8x1024xf32, #tpu.memory_space<vmem>>, vector<1x16xf32>,
        %parallel_loop3A_1265 = vector.shape_cast %parallel_loop3A_1264 : vector<1x16xf32> to vector<16xf32>
        %parallel_loop3A_1266 = vector.shape_cast %parallel_loop3A_1261 : vector<16xf32> to vector<1x16xf32>
        tpu.vector_store %arg13[%parallel_loop3A_1262, %parallel_loop3A_1263], %parallel_loop3A_1266 {add = true, strides = array<i32>} : memref<8x1024xf32, #tpu.memory_space<vmem>>, vector<1x16xf32>,
      } {sc.loop_unroll_factor = 8 : i64, sc.parallel_access}
      %jit3A_1032 = arith.constant 4 : i32
      %div3A_1033 = arith.divsi %add3A_972, %jit3A_1032 : i32
      %sign3A_1034 = arith.constant 0 : i32
      %sign3A_1035 = arith.cmpi sgt, %add3A_972, %sign3A_1034 : i32
      %sign3A_1036 = arith.extui %sign3A_1035 : i1 to i32
      %sign3A_1037 = arith.constant 0 : i32
      %sign3A_1038 = arith.cmpi slt, %add3A_972, %sign3A_1037 : i32
      %sign3A_1039 = arith.extui %sign3A_1038 : i1 to i32
      %sign3A_1040 = arith.subi %sign3A_1036, %sign3A_1039 : i32
      %sign3A_1041 = arith.constant 0 : i32
      %sign3A_1042 = arith.cmpi sgt, %jit3A_1032, %sign3A_1041 : i32
      %sign3A_1043 = arith.extui %sign3A_1042 : i1 to i32
      %sign3A_1044 = arith.constant 0 : i32
      %sign3A_1045 = arith.cmpi slt, %jit3A_1032, %sign3A_1044 : i32
      %sign3A_1046 = arith.extui %sign3A_1045 : i1 to i32
      %sign3A_1047 = arith.subi %sign3A_1043, %sign3A_1046 : i32
      %ne3A_1048 = arith.cmpi ne, %sign3A_1040, %sign3A_1047 : i32
      %rem3A_1049 = arith.remsi %add3A_972, %jit3A_1032 : i32
      %ne3A_1050 = arith.constant 0 : i32
      %ne3A_1051 = arith.cmpi ne, %rem3A_1049, %ne3A_1050 : i32
      %and3A_1052 = arith.andi %ne3A_1048, %ne3A_1051 : i1
      %sub3A_1053 = arith.constant 1 : i32
      %sub3A_1054 = arith.subi %div3A_1033, %sub3A_1053 : i32
      %select_n3A_1055 = arith.select %and3A_1052, %sub3A_1054, %div3A_1033 : i32
      %jit3A_1056 = arith.constant 4 : i32
      %eq3A_1057 = arith.constant 0 : i32
      %eq3A_1058 = arith.cmpi eq, %jit3A_1056, %eq3A_1057 : i32
      %jit3A_1059 = arith.constant 1 : i32
      %select_n3A_1060 = arith.select %eq3A_1058, %jit3A_1059, %jit3A_1056 : i32
      %rem3A_1061 = arith.remsi %add3A_972, %select_n3A_1060 : i32
      %ne3A_1062 = arith.constant 0 : i32
      %ne3A_1063 = arith.cmpi ne, %rem3A_1061, %ne3A_1062 : i32
      %lt3A_1064 = arith.constant 0 : i32
      %lt3A_1065 = arith.cmpi slt, %rem3A_1061, %lt3A_1064 : i32
      %lt3A_1066 = arith.constant 0 : i32
      %lt3A_1067 = arith.cmpi slt, %select_n3A_1060, %lt3A_1066 : i32
      %ne3A_1068 = arith.xori %lt3A_1065, %lt3A_1067 : i1
      %and3A_1069 = arith.andi %ne3A_1068, %ne3A_1063 : i1
      %add3A_1070 = arith.addi %rem3A_1061, %select_n3A_1060 : i32
      %select_n3A_1071 = arith.select %and3A_1069, %add3A_1070, %rem3A_1061 : i32
      %mul3A_1072 = arith.constant 8 : i32
      %mul3A_1073 = arith.muli %select_n3A_1055, %mul3A_1072 : i32
      %add3A_1074 = arith.addi %mul3A_2, %mul3A_1073 : i32
      %dma_start3A_1075 = arith.constant 6 : i32
      %dma_start3A_1076 = arith.constant 0 : i32
      %dma_start3A_1077 = tpu.memref_slice %arg4[%select_n3A_1071, %add3A_1074, %dma_start3A_1076] : memref<4x4096x1024xf32, #tpu.memory_space<hbm>> -> memref<1x8x1024xf32, #tpu.memory_space<hbm>>
      %dma_start3A_1078 = tpu.memref_squeeze %dma_start3A_1077 : memref<1x8x1024xf32, #tpu.memory_space<hbm>> -> memref<8x1024xf32, #tpu.memory_space<hbm>>
      %dma_start3A_1079 = tpu.memref_slice %arg17[%dma_start3A_1075] : memref<8x!tpu.dma_semaphore, #tpu.memory_space<semaphore_mem>> -> memref<1x!tpu.dma_semaphore, #tpu.memory_space<semaphore_mem>>
      %dma_start3A_1080 = tpu.memref_squeeze %dma_start3A_1079 : memref<1x!tpu.dma_semaphore, #tpu.memory_space<semaphore_mem>> -> memref<!tpu.dma_semaphore, #tpu.memory_space<semaphore_mem>>
      %dma_start3A_1081 = arith.constant 0 : i32
      %dma_start3A_1082 = tpu.memref_slice %arg4[%select_n3A_1071, %add3A_1074, %dma_start3A_1081] : memref<4x4096x1024xf32, #tpu.memory_space<hbm>> -> memref<1x8x1024xf32, #tpu.memory_space<hbm>>
      %dma_start3A_1083 = tpu.memref_squeeze %dma_start3A_1082 : memref<1x8x1024xf32, #tpu.memory_space<hbm>> -> memref<8x1024xf32, #tpu.memory_space<hbm>>
      tpu.enqueue_dma source(%arg13 : memref<8x1024xf32, #tpu.memory_space<vmem>>) target(%dma_start3A_1083 : memref<8x1024xf32, #tpu.memory_space<hbm>>) target_semaphore(%dma_start3A_1080 : memref<!tpu.dma_semaphore, #tpu.memory_space<semaphore_mem>>)
      %add3A_1084 = arith.constant 8 : i32
      %add3A_1085 = arith.addi %add3A_972, %add3A_1084 : i32
      %sub3A_1086 = arith.constant 1 : i32
      %sub3A_1087 = arith.subi %add3A_1085, %sub3A_1086 : i32
      %lt3A_1088 = arith.constant 64 : i32
      %lt3A_1089 = arith.cmpi slt, %sub3A_1087, %lt3A_1088 : i32
      %convert_element_type3A_1090 = arith.extui %lt3A_1089 : i1 to i32
      %cond3A_1091 = arith.constant 0 : i32
      %cond3A_1092 = arith.cmpi ne, %convert_element_type3A_1090, %cond3A_1091 : i32
      scf.if %cond3A_1092 {
        %sub3A_1217 = arith.constant 1 : i32
        %sub3A_1218 = arith.subi %add3A_972, %sub3A_1217 : i32
        %jit3A_1219 = arith.constant 4 : i32
        %div3A_1220 = arith.divsi %sub3A_1218, %jit3A_1219 : i32
        %sign3A_1221 = arith.constant 0 : i32
        %sign3A_1222 = arith.cmpi sgt, %sub3A_1218, %sign3A_1221 : i32
        %sign3A_1223 = arith.extui %sign3A_1222 : i1 to i32
        %sign3A_1224 = arith.constant 0 : i32
        %sign3A_1225 = arith.cmpi slt, %sub3A_1218, %sign3A_1224 : i32
        %sign3A_1226 = arith.extui %sign3A_1225 : i1 to i32
        %sign3A_1227 = arith.subi %sign3A_1223, %sign3A_1226 : i32
        %sign3A_1228 = arith.constant 0 : i32
        %sign3A_1229 = arith.cmpi sgt, %jit3A_1219, %sign3A_1228 : i32
        %sign3A_1230 = arith.extui %sign3A_1229 : i1 to i32
        %sign3A_1231 = arith.constant 0 : i32
        %sign3A_1232 = arith.cmpi slt, %jit3A_1219, %sign3A_1231 : i32
        %sign3A_1233 = arith.extui %sign3A_1232 : i1 to i32
        %sign3A_1234 = arith.subi %sign3A_1230, %sign3A_1233 : i32
        %ne3A_1235 = arith.cmpi ne, %sign3A_1227, %sign3A_1234 : i32
        %rem3A_1236 = arith.remsi %sub3A_1218, %jit3A_1219 : i32
        %ne3A_1237 = arith.constant 0 : i32
        %ne3A_1238 = arith.cmpi ne, %rem3A_1236, %ne3A_1237 : i32
        %and3A_1239 = arith.andi %ne3A_1235, %ne3A_1238 : i1
        %sub3A_1240 = arith.constant 1 : i32
        %sub3A_1241 = arith.subi %div3A_1220, %sub3A_1240 : i32
        %select_n3A_1242 = arith.select %and3A_1239, %sub3A_1241, %div3A_1220 : i32
        %jit3A_1243 = arith.constant 4 : i32
        %eq3A_1244 = arith.constant 0 : i32
        %eq3A_1245 = arith.cmpi eq, %jit3A_1243, %eq3A_1244 : i32
        %jit3A_1246 = arith.constant 1 : i32
        %select_n3A_1247 = arith.select %eq3A_1245, %jit3A_1246, %jit3A_1243 : i32
        %rem3A_1248 = arith.remsi %sub3A_1218, %select_n3A_1247 : i32
        %ne3A_1249 = arith.constant 0 : i32
        %ne3A_1250 = arith.cmpi ne, %rem3A_1248, %ne3A_1249 : i32
        %lt3A_1251 = arith.constant 0 : i32
        %lt3A_1252 = arith.cmpi slt, %rem3A_1248, %lt3A_1251 : i32
        %lt3A_1253 = arith.constant 0 : i32
        %lt3A_1254 = arith.cmpi slt, %select_n3A_1247, %lt3A_1253 : i32
        %ne3A_1255 = arith.xori %lt3A_1252, %lt3A_1254 : i1
        %and3A_1256 = arith.andi %ne3A_1255, %ne3A_1250 : i1
        %add3A_1257 = arith.addi %rem3A_1248, %select_n3A_1247 : i32
        %select_n3A_1258 = arith.select %and3A_1256, %add3A_1257, %rem3A_1248 : i32
        %mul3A_1259 = arith.constant 8 : i32
        %mul3A_1260 = arith.muli %select_n3A_1242, %mul3A_1259 : i32
        %add3A_1261 = arith.addi %mul3A_2, %mul3A_1260 : i32
        %dma_wait3A_1262 = arith.constant 5 : i32
        %dma_wait3A_1263 = arith.constant 0 : i32
        %dma_wait3A_1264 = tpu.memref_slice %arg4[%select_n3A_1258, %add3A_1261, %dma_wait3A_1263] : memref<4x4096x1024xf32, #tpu.memory_space<hbm>> -> memref<1x8x1024xf32, #tpu.memory_space<hbm>>
        %dma_wait3A_1265 = tpu.memref_squeeze %dma_wait3A_1264 : memref<1x8x1024xf32, #tpu.memory_space<hbm>> -> memref<8x1024xf32, #tpu.memory_space<hbm>>
        %dma_wait3A_1266 = tpu.memref_slice %arg17[%dma_wait3A_1262] : memref<8x!tpu.dma_semaphore, #tpu.memory_space<semaphore_mem>> -> memref<1x!tpu.dma_semaphore, #tpu.memory_space<semaphore_mem>>
        %dma_wait3A_1267 = tpu.memref_squeeze %dma_wait3A_1266 : memref<1x!tpu.dma_semaphore, #tpu.memory_space<semaphore_mem>> -> memref<!tpu.dma_semaphore, #tpu.memory_space<semaphore_mem>>
        %dma_wait3A_1268 = arith.constant 0 : i32
        %dma_wait3A_1269 = tpu.memref_slice %arg4[%select_n3A_1258, %add3A_1261, %dma_wait3A_1268] : memref<4x4096x1024xf32, #tpu.memory_space<hbm>> -> memref<1x8x1024xf32, #tpu.memory_space<hbm>>
        %dma_wait3A_1270 = tpu.memref_squeeze %dma_wait3A_1269 : memref<1x8x1024xf32, #tpu.memory_space<hbm>> -> memref<8x1024xf32, #tpu.memory_space<hbm>>
        tpu.wait_dma2 semaphore(%dma_wait3A_1267 : memref<!tpu.dma_semaphore, #tpu.memory_space<semaphore_mem>>) src(%arg12 : memref<8x1024xf32, #tpu.memory_space<vmem>>) dst(%dma_wait3A_1270 : memref<8x1024xf32, #tpu.memory_space<hbm>>)
        %add3A_1271 = arith.constant 8 : i32
        %add3A_1272 = arith.addi %add3A_972, %add3A_1271 : i32
        %sub3A_1273 = arith.constant 1 : i32
        %sub3A_1274 = arith.subi %add3A_1272, %sub3A_1273 : i32
        %jit3A_1275 = arith.constant 4 : i32
        %div3A_1276 = arith.divsi %sub3A_1274, %jit3A_1275 : i32
        %sign3A_1277 = arith.constant 0 : i32
        %sign3A_1278 = arith.cmpi sgt, %sub3A_1274, %sign3A_1277 : i32
        %sign3A_1279 = arith.extui %sign3A_1278 : i1 to i32
        %sign3A_1280 = arith.constant 0 : i32
        %sign3A_1281 = arith.cmpi slt, %sub3A_1274, %sign3A_1280 : i32
        %sign3A_1282 = arith.extui %sign3A_1281 : i1 to i32
        %sign3A_1283 = arith.subi %sign3A_1279, %sign3A_1282 : i32
        %sign3A_1284 = arith.constant 0 : i32
        %sign3A_1285 = arith.cmpi sgt, %jit3A_1275, %sign3A_1284 : i32
        %sign3A_1286 = arith.extui %sign3A_1285 : i1 to i32
        %sign3A_1287 = arith.constant 0 : i32
        %sign3A_1288 = arith.cmpi slt, %jit3A_1275, %sign3A_1287 : i32
        %sign3A_1289 = arith.extui %sign3A_1288 : i1 to i32
        %sign3A_1290 = arith.subi %sign3A_1286, %sign3A_1289 : i32
        %ne3A_1291 = arith.cmpi ne, %sign3A_1283, %sign3A_1290 : i32
        %rem3A_1292 = arith.remsi %sub3A_1274, %jit3A_1275 : i32
        %ne3A_1293 = arith.constant 0 : i32
        %ne3A_1294 = arith.cmpi ne, %rem3A_1292, %ne3A_1293 : i32
        %and3A_1295 = arith.andi %ne3A_1291, %ne3A_1294 : i1
        %sub3A_1296 = arith.constant 1 : i32
        %sub3A_1297 = arith.subi %div3A_1276, %sub3A_1296 : i32
        %select_n3A_1298 = arith.select %and3A_1295, %sub3A_1297, %div3A_1276 : i32
        %jit3A_1299 = arith.constant 4 : i32
        %eq3A_1300 = arith.constant 0 : i32
        %eq3A_1301 = arith.cmpi eq, %jit3A_1299, %eq3A_1300 : i32
        %jit3A_1302 = arith.constant 1 : i32
        %select_n3A_1303 = arith.select %eq3A_1301, %jit3A_1302, %jit3A_1299 : i32
        %rem3A_1304 = arith.remsi %sub3A_1274, %select_n3A_1303 : i32
        %ne3A_1305 = arith.constant 0 : i32
        %ne3A_1306 = arith.cmpi ne, %rem3A_1304, %ne3A_1305 : i32
        %lt3A_1307 = arith.constant 0 : i32
        %lt3A_1308 = arith.cmpi slt, %rem3A_1304, %lt3A_1307 : i32
        %lt3A_1309 = arith.constant 0 : i32
        %lt3A_1310 = arith.cmpi slt, %select_n3A_1303, %lt3A_1309 : i32
        %ne3A_1311 = arith.xori %lt3A_1308, %lt3A_1310 : i1
        %and3A_1312 = arith.andi %ne3A_1311, %ne3A_1306 : i1
        %add3A_1313 = arith.addi %rem3A_1304, %select_n3A_1303 : i32
        %select_n3A_1314 = arith.select %and3A_1312, %add3A_1313, %rem3A_1304 : i32
        %mul3A_1315 = arith.constant 8 : i32
        %mul3A_1316 = arith.muli %select_n3A_1298, %mul3A_1315 : i32
        %add3A_1317 = arith.addi %mul3A_2, %mul3A_1316 : i32
        %dma_start3A_1318 = arith.constant 5 : i32
        %dma_start3A_1319 = arith.constant 0 : i32
        %dma_start3A_1320 = tpu.memref_slice %arg2[%select_n3A_1314, %add3A_1317, %dma_start3A_1319] : memref<4x4096x1024xf32, #tpu.memory_space<hbm>> -> memref<1x8x1024xf32, #tpu.memory_space<hbm>>
        %dma_start3A_1321 = tpu.memref_squeeze %dma_start3A_1320 : memref<1x8x1024xf32, #tpu.memory_space<hbm>> -> memref<8x1024xf32, #tpu.memory_space<hbm>>
        %dma_start3A_1322 = tpu.memref_slice %arg16[%dma_start3A_1318] : memref<8x!tpu.dma_semaphore, #tpu.memory_space<semaphore_mem>> -> memref<1x!tpu.dma_semaphore, #tpu.memory_space<semaphore_mem>>
        %dma_start3A_1323 = tpu.memref_squeeze %dma_start3A_1322 : memref<1x!tpu.dma_semaphore, #tpu.memory_space<semaphore_mem>> -> memref<!tpu.dma_semaphore, #tpu.memory_space<semaphore_mem>>
        %dma_start3A_1324 = arith.constant 0 : i32
        %dma_start3A_1325 = tpu.memref_slice %arg2[%select_n3A_1314, %add3A_1317, %dma_start3A_1324] : memref<4x4096x1024xf32, #tpu.memory_space<hbm>> -> memref<1x8x1024xf32, #tpu.memory_space<hbm>>
        %dma_start3A_1326 = tpu.memref_squeeze %dma_start3A_1325 : memref<1x8x1024xf32, #tpu.memory_space<hbm>> -> memref<8x1024xf32, #tpu.memory_space<hbm>>
        tpu.enqueue_dma source(%dma_start3A_1326 : memref<8x1024xf32, #tpu.memory_space<hbm>>) target(%arg12 : memref<8x1024xf32, #tpu.memory_space<vmem>>) target_semaphore(%dma_start3A_1323 : memref<!tpu.dma_semaphore, #tpu.memory_space<semaphore_mem>>)
      } else {
      }
      %mul3A_1093 = arith.constant 8 : i32
      %mul3A_1094 = arith.muli %scan3A_194, %mul3A_1093 : i32
      %add3A_1095 = arith.constant 7 : i32
      %add3A_1096 = arith.addi %mul3A_1094, %add3A_1095 : i32
      %mul3A_1097 = arith.constant 2 : i32
      %mul3A_1098 = arith.muli %mul3A_1097, %scan3A_194 : i32
      %add3A_1099 = arith.constant 1 : i32
      %add3A_1100 = arith.addi %mul3A_1098, %add3A_1099 : i32
      %jit3A_1101 = arith.constant 4 : i32
      %div3A_1102 = arith.divsi %add3A_1096, %jit3A_1101 : i32
      %sign3A_1103 = arith.constant 0 : i32
      %sign3A_1104 = arith.cmpi sgt, %add3A_1096, %sign3A_1103 : i32
      %sign3A_1105 = arith.extui %sign3A_1104 : i1 to i32
      %sign3A_1106 = arith.constant 0 : i32
      %sign3A_1107 = arith.cmpi slt, %add3A_1096, %sign3A_1106 : i32
      %sign3A_1108 = arith.extui %sign3A_1107 : i1 to i32
      %sign3A_1109 = arith.subi %sign3A_1105, %sign3A_1108 : i32
      %sign3A_1110 = arith.constant 0 : i32
      %sign3A_1111 = arith.cmpi sgt, %jit3A_1101, %sign3A_1110 : i32
      %sign3A_1112 = arith.extui %sign3A_1111 : i1 to i32
      %sign3A_1113 = arith.constant 0 : i32
      %sign3A_1114 = arith.cmpi slt, %jit3A_1101, %sign3A_1113 : i32
      %sign3A_1115 = arith.extui %sign3A_1114 : i1 to i32
      %sign3A_1116 = arith.subi %sign3A_1112, %sign3A_1115 : i32
      %ne3A_1117 = arith.cmpi ne, %sign3A_1109, %sign3A_1116 : i32
      %rem3A_1118 = arith.remsi %add3A_1096, %jit3A_1101 : i32
      %ne3A_1119 = arith.constant 0 : i32
      %ne3A_1120 = arith.cmpi ne, %rem3A_1118, %ne3A_1119 : i32
      %and3A_1121 = arith.andi %ne3A_1117, %ne3A_1120 : i1
      %sub3A_1122 = arith.constant 1 : i32
      %sub3A_1123 = arith.subi %div3A_1102, %sub3A_1122 : i32
      %select_n3A_1124 = arith.select %and3A_1121, %sub3A_1123, %div3A_1102 : i32
      %jit3A_1125 = arith.constant 4 : i32
      %eq3A_1126 = arith.constant 0 : i32
      %eq3A_1127 = arith.cmpi eq, %jit3A_1125, %eq3A_1126 : i32
      %jit3A_1128 = arith.constant 1 : i32
      %select_n3A_1129 = arith.select %eq3A_1127, %jit3A_1128, %jit3A_1125 : i32
      %rem3A_1130 = arith.remsi %add3A_1096, %select_n3A_1129 : i32
      %ne3A_1131 = arith.constant 0 : i32
      %ne3A_1132 = arith.cmpi ne, %rem3A_1130, %ne3A_1131 : i32
      %lt3A_1133 = arith.constant 0 : i32
      %lt3A_1134 = arith.cmpi slt, %rem3A_1130, %lt3A_1133 : i32
      %lt3A_1135 = arith.constant 0 : i32
      %lt3A_1136 = arith.cmpi slt, %select_n3A_1129, %lt3A_1135 : i32
      %ne3A_1137 = arith.xori %lt3A_1134, %lt3A_1136 : i1
      %and3A_1138 = arith.andi %ne3A_1137, %ne3A_1132 : i1
      %add3A_1139 = arith.addi %rem3A_1130, %select_n3A_1129 : i32
      %select_n3A_1140 = arith.select %and3A_1138, %add3A_1139, %rem3A_1130 : i32
      %mul3A_1141 = arith.constant 8 : i32
      %mul3A_1142 = arith.muli %select_n3A_1124, %mul3A_1141 : i32
      %add3A_1143 = arith.addi %mul3A_2, %mul3A_1142 : i32
      %dma_wait3A_1144 = arith.constant 7 : i32
      %dma_wait3A_1145 = arith.constant 0 : i32
      %dma_wait3A_1146 = tpu.memref_slice %arg2[%select_n3A_1140, %add3A_1143, %dma_wait3A_1145] : memref<4x4096x1024xf32, #tpu.memory_space<hbm>> -> memref<1x8x1024xf32, #tpu.memory_space<hbm>>
      %dma_wait3A_1147 = tpu.memref_squeeze %dma_wait3A_1146 : memref<1x8x1024xf32, #tpu.memory_space<hbm>> -> memref<8x1024xf32, #tpu.memory_space<hbm>>
      %dma_wait3A_1148 = tpu.memref_slice %arg16[%dma_wait3A_1144] : memref<8x!tpu.dma_semaphore, #tpu.memory_space<semaphore_mem>> -> memref<1x!tpu.dma_semaphore, #tpu.memory_space<semaphore_mem>>
      %dma_wait3A_1149 = tpu.memref_squeeze %dma_wait3A_1148 : memref<1x!tpu.dma_semaphore, #tpu.memory_space<semaphore_mem>> -> memref<!tpu.dma_semaphore, #tpu.memory_space<semaphore_mem>>
      %dma_wait3A_1150 = arith.constant 0 : i32
      %dma_wait3A_1151 = tpu.memref_slice %arg2[%select_n3A_1140, %add3A_1143, %dma_wait3A_1150] : memref<4x4096x1024xf32, #tpu.memory_space<hbm>> -> memref<1x8x1024xf32, #tpu.memory_space<hbm>>
      %dma_wait3A_1152 = tpu.memref_squeeze %dma_wait3A_1151 : memref<1x8x1024xf32, #tpu.memory_space<hbm>> -> memref<8x1024xf32, #tpu.memory_space<hbm>>
      tpu.wait_dma2 semaphore(%dma_wait3A_1149 : memref<!tpu.dma_semaphore, #tpu.memory_space<semaphore_mem>>) src(%dma_wait3A_1152 : memref<8x1024xf32, #tpu.memory_space<hbm>>) dst(%arg14 : memref<8x1024xf32, #tpu.memory_space<vmem>>)
      %parallel_loop3A_1153 = arith.constant 0 : i32
      %parallel_loop3A_1154 = arith.constant 8192 : i32
      %parallel_loop3A_1155 = arith.constant 16 : i32
      scf.for %parallel_loop3A_1217 = %parallel_loop3A_1153 to %parallel_loop3A_1154 step %parallel_loop3A_1155  : i32 {
        %parallel_loop3A_1218 = arith.constant 1024 : i32
        %parallel_loop3A_1219 = arith.divsi %parallel_loop3A_1217, %parallel_loop3A_1218 : i32
        %parallel_loop3A_1220 = arith.constant 0 : i32
        %parallel_loop3A_1221 = arith.cmpi sgt, %parallel_loop3A_1217, %parallel_loop3A_1220 : i32
        %parallel_loop3A_1222 = arith.extui %parallel_loop3A_1221 : i1 to i32
        %parallel_loop3A_1223 = arith.constant 0 : i32
        %parallel_loop3A_1224 = arith.cmpi slt, %parallel_loop3A_1217, %parallel_loop3A_1223 : i32
        %parallel_loop3A_1225 = arith.extui %parallel_loop3A_1224 : i1 to i32
        %parallel_loop3A_1226 = arith.subi %parallel_loop3A_1222, %parallel_loop3A_1225 : i32
        %parallel_loop3A_1227 = arith.constant 0 : i32
        %parallel_loop3A_1228 = arith.cmpi sgt, %parallel_loop3A_1218, %parallel_loop3A_1227 : i32
        %parallel_loop3A_1229 = arith.extui %parallel_loop3A_1228 : i1 to i32
        %parallel_loop3A_1230 = arith.constant 0 : i32
        %parallel_loop3A_1231 = arith.cmpi slt, %parallel_loop3A_1218, %parallel_loop3A_1230 : i32
        %parallel_loop3A_1232 = arith.extui %parallel_loop3A_1231 : i1 to i32
        %parallel_loop3A_1233 = arith.subi %parallel_loop3A_1229, %parallel_loop3A_1232 : i32
        %parallel_loop3A_1234 = arith.cmpi ne, %parallel_loop3A_1226, %parallel_loop3A_1233 : i32
        %parallel_loop3A_1235 = arith.remsi %parallel_loop3A_1217, %parallel_loop3A_1218 : i32
        %parallel_loop3A_1236 = arith.constant 0 : i32
        %parallel_loop3A_1237 = arith.cmpi ne, %parallel_loop3A_1235, %parallel_loop3A_1236 : i32
        %parallel_loop3A_1238 = arith.andi %parallel_loop3A_1234, %parallel_loop3A_1237 : i1
        %parallel_loop3A_1239 = arith.constant 1 : i32
        %parallel_loop3A_1240 = arith.subi %parallel_loop3A_1219, %parallel_loop3A_1239 : i32
        %parallel_loop3A_1241 = arith.select %parallel_loop3A_1238, %parallel_loop3A_1240, %parallel_loop3A_1219 : i32
        %parallel_loop3A_1242 = arith.constant 1024 : i32
        %parallel_loop3A_1243 = arith.constant 0 : i32
        %parallel_loop3A_1244 = arith.cmpi eq, %parallel_loop3A_1242, %parallel_loop3A_1243 : i32
        %parallel_loop3A_1245 = arith.constant 1 : i32
        %parallel_loop3A_1246 = arith.select %parallel_loop3A_1244, %parallel_loop3A_1245, %parallel_loop3A_1242 : i32
        %parallel_loop3A_1247 = arith.remsi %parallel_loop3A_1217, %parallel_loop3A_1246 : i32
        %parallel_loop3A_1248 = arith.constant 0 : i32
        %parallel_loop3A_1249 = arith.cmpi ne, %parallel_loop3A_1247, %parallel_loop3A_1248 : i32
        %parallel_loop3A_1250 = arith.constant 0 : i32
        %parallel_loop3A_1251 = arith.cmpi slt, %parallel_loop3A_1247, %parallel_loop3A_1250 : i32
        %parallel_loop3A_1252 = arith.constant 0 : i32
        %parallel_loop3A_1253 = arith.cmpi slt, %parallel_loop3A_1246, %parallel_loop3A_1252 : i32
        %parallel_loop3A_1254 = arith.xori %parallel_loop3A_1251, %parallel_loop3A_1253 : i1
        %parallel_loop3A_1255 = arith.andi %parallel_loop3A_1254, %parallel_loop3A_1249 : i1
        %parallel_loop3A_1256 = arith.addi %parallel_loop3A_1247, %parallel_loop3A_1246 : i32
        %parallel_loop3A_1257 = arith.select %parallel_loop3A_1255, %parallel_loop3A_1256, %parallel_loop3A_1247 : i32
        %parallel_loop3A_1258 = arith.index_cast %parallel_loop3A_1241 : i32 to index
        %parallel_loop3A_1259 = arith.index_cast %parallel_loop3A_1257 : i32 to index
        %parallel_loop3A_1260 = tpu.vector_load %arg6[%parallel_loop3A_1258, %parallel_loop3A_1259] {strides = array<i32>} : memref<8x1024xf32, #tpu.memory_space<vmem>>, vector<1x16xf32>,
        %parallel_loop3A_1261 = vector.shape_cast %parallel_loop3A_1260 : vector<1x16xf32> to vector<16xf32>
        %parallel_loop3A_1262 = arith.index_cast %parallel_loop3A_1241 : i32 to index
        %parallel_loop3A_1263 = arith.index_cast %parallel_loop3A_1257 : i32 to index
        %parallel_loop3A_1264 = tpu.vector_load %arg14[%parallel_loop3A_1262, %parallel_loop3A_1263] {strides = array<i32>} : memref<8x1024xf32, #tpu.memory_space<vmem>>, vector<1x16xf32>,
        %parallel_loop3A_1265 = vector.shape_cast %parallel_loop3A_1264 : vector<1x16xf32> to vector<16xf32>
        %parallel_loop3A_1266 = vector.shape_cast %parallel_loop3A_1261 : vector<16xf32> to vector<1x16xf32>
        tpu.vector_store %arg14[%parallel_loop3A_1262, %parallel_loop3A_1263], %parallel_loop3A_1266 {add = true, strides = array<i32>} : memref<8x1024xf32, #tpu.memory_space<vmem>>, vector<1x16xf32>,
      } {sc.loop_unroll_factor = 8 : i64, sc.parallel_access}
      %jit3A_1156 = arith.constant 4 : i32
      %div3A_1157 = arith.divsi %add3A_1096, %jit3A_1156 : i32
      %sign3A_1158 = arith.constant 0 : i32
      %sign3A_1159 = arith.cmpi sgt, %add3A_1096, %sign3A_1158 : i32
      %sign3A_1160 = arith.extui %sign3A_1159 : i1 to i32
      %sign3A_1161 = arith.constant 0 : i32
      %sign3A_1162 = arith.cmpi slt, %add3A_1096, %sign3A_1161 : i32
      %sign3A_1163 = arith.extui %sign3A_1162 : i1 to i32
      %sign3A_1164 = arith.subi %sign3A_1160, %sign3A_1163 : i32
      %sign3A_1165 = arith.constant 0 : i32
      %sign3A_1166 = arith.cmpi sgt, %jit3A_1156, %sign3A_1165 : i32
      %sign3A_1167 = arith.extui %sign3A_1166 : i1 to i32
      %sign3A_1168 = arith.constant 0 : i32
      %sign3A_1169 = arith.cmpi slt, %jit3A_1156, %sign3A_1168 : i32
      %sign3A_1170 = arith.extui %sign3A_1169 : i1 to i32
      %sign3A_1171 = arith.subi %sign3A_1167, %sign3A_1170 : i32
      %ne3A_1172 = arith.cmpi ne, %sign3A_1164, %sign3A_1171 : i32
      %rem3A_1173 = arith.remsi %add3A_1096, %jit3A_1156 : i32
      %ne3A_1174 = arith.constant 0 : i32
      %ne3A_1175 = arith.cmpi ne, %rem3A_1173, %ne3A_1174 : i32
      %and3A_1176 = arith.andi %ne3A_1172, %ne3A_1175 : i1
      %sub3A_1177 = arith.constant 1 : i32
      %sub3A_1178 = arith.subi %div3A_1157, %sub3A_1177 : i32
      %select_n3A_1179 = arith.select %and3A_1176, %sub3A_1178, %div3A_1157 : i32
      %jit3A_1180 = arith.constant 4 : i32
      %eq3A_1181 = arith.constant 0 : i32
      %eq3A_1182 = arith.cmpi eq, %jit3A_1180, %eq3A_1181 : i32
      %jit3A_1183 = arith.constant 1 : i32
      %select_n3A_1184 = arith.select %eq3A_1182, %jit3A_1183, %jit3A_1180 : i32
      %rem3A_1185 = arith.remsi %add3A_1096, %select_n3A_1184 : i32
      %ne3A_1186 = arith.constant 0 : i32
      %ne3A_1187 = arith.cmpi ne, %rem3A_1185, %ne3A_1186 : i32
      %lt3A_1188 = arith.constant 0 : i32
      %lt3A_1189 = arith.cmpi slt, %rem3A_1185, %lt3A_1188 : i32
      %lt3A_1190 = arith.constant 0 : i32
      %lt3A_1191 = arith.cmpi slt, %select_n3A_1184, %lt3A_1190 : i32
      %ne3A_1192 = arith.xori %lt3A_1189, %lt3A_1191 : i1
      %and3A_1193 = arith.andi %ne3A_1192, %ne3A_1187 : i1
      %add3A_1194 = arith.addi %rem3A_1185, %select_n3A_1184 : i32
      %select_n3A_1195 = arith.select %and3A_1193, %add3A_1194, %rem3A_1185 : i32
      %mul3A_1196 = arith.constant 8 : i32
      %mul3A_1197 = arith.muli %select_n3A_1179, %mul3A_1196 : i32
      %add3A_1198 = arith.addi %mul3A_2, %mul3A_1197 : i32
      %dma_start3A_1199 = arith.constant 7 : i32
      %dma_start3A_1200 = arith.constant 0 : i32
      %dma_start3A_1201 = tpu.memref_slice %arg4[%select_n3A_1195, %add3A_1198, %dma_start3A_1200] : memref<4x4096x1024xf32, #tpu.memory_space<hbm>> -> memref<1x8x1024xf32, #tpu.memory_space<hbm>>
      %dma_start3A_1202 = tpu.memref_squeeze %dma_start3A_1201 : memref<1x8x1024xf32, #tpu.memory_space<hbm>> -> memref<8x1024xf32, #tpu.memory_space<hbm>>
      %dma_start3A_1203 = tpu.memref_slice %arg17[%dma_start3A_1199] : memref<8x!tpu.dma_semaphore, #tpu.memory_space<semaphore_mem>> -> memref<1x!tpu.dma_semaphore, #tpu.memory_space<semaphore_mem>>
      %dma_start3A_1204 = tpu.memref_squeeze %dma_start3A_1203 : memref<1x!tpu.dma_semaphore, #tpu.memory_space<semaphore_mem>> -> memref<!tpu.dma_semaphore, #tpu.memory_space<semaphore_mem>>
      %dma_start3A_1205 = arith.constant 0 : i32
      %dma_start3A_1206 = tpu.memref_slice %arg4[%select_n3A_1195, %add3A_1198, %dma_start3A_1205] : memref<4x4096x1024xf32, #tpu.memory_space<hbm>> -> memref<1x8x1024xf32, #tpu.memory_space<hbm>>
      %dma_start3A_1207 = tpu.memref_squeeze %dma_start3A_1206 : memref<1x8x1024xf32, #tpu.memory_space<hbm>> -> memref<8x1024xf32, #tpu.memory_space<hbm>>
      tpu.enqueue_dma source(%arg14 : memref<8x1024xf32, #tpu.memory_space<vmem>>) target(%dma_start3A_1207 : memref<8x1024xf32, #tpu.memory_space<hbm>>) target_semaphore(%dma_start3A_1204 : memref<!tpu.dma_semaphore, #tpu.memory_space<semaphore_mem>>)
      %add3A_1208 = arith.constant 8 : i32
      %add3A_1209 = arith.addi %add3A_1096, %add3A_1208 : i32
      %sub3A_1210 = arith.constant 1 : i32
      %sub3A_1211 = arith.subi %add3A_1209, %sub3A_1210 : i32
      %lt3A_1212 = arith.constant 64 : i32
      %lt3A_1213 = arith.cmpi slt, %sub3A_1211, %lt3A_1212 : i32
      %convert_element_type3A_1214 = arith.extui %lt3A_1213 : i1 to i32
      %cond3A_1215 = arith.constant 0 : i32
      %cond3A_1216 = arith.cmpi ne, %convert_element_type3A_1214, %cond3A_1215 : i32
      scf.if %cond3A_1216 {
        %sub3A_1217 = arith.constant 1 : i32
        %sub3A_1218 = arith.subi %add3A_1096, %sub3A_1217 : i32
        %jit3A_1219 = arith.constant 4 : i32
        %div3A_1220 = arith.divsi %sub3A_1218, %jit3A_1219 : i32
        %sign3A_1221 = arith.constant 0 : i32
        %sign3A_1222 = arith.cmpi sgt, %sub3A_1218, %sign3A_1221 : i32
        %sign3A_1223 = arith.extui %sign3A_1222 : i1 to i32
        %sign3A_1224 = arith.constant 0 : i32
        %sign3A_1225 = arith.cmpi slt, %sub3A_1218, %sign3A_1224 : i32
        %sign3A_1226 = arith.extui %sign3A_1225 : i1 to i32
        %sign3A_1227 = arith.subi %sign3A_1223, %sign3A_1226 : i32
        %sign3A_1228 = arith.constant 0 : i32
        %sign3A_1229 = arith.cmpi sgt, %jit3A_1219, %sign3A_1228 : i32
        %sign3A_1230 = arith.extui %sign3A_1229 : i1 to i32
        %sign3A_1231 = arith.constant 0 : i32
        %sign3A_1232 = arith.cmpi slt, %jit3A_1219, %sign3A_1231 : i32
        %sign3A_1233 = arith.extui %sign3A_1232 : i1 to i32
        %sign3A_1234 = arith.subi %sign3A_1230, %sign3A_1233 : i32
        %ne3A_1235 = arith.cmpi ne, %sign3A_1227, %sign3A_1234 : i32
        %rem3A_1236 = arith.remsi %sub3A_1218, %jit3A_1219 : i32
        %ne3A_1237 = arith.constant 0 : i32
        %ne3A_1238 = arith.cmpi ne, %rem3A_1236, %ne3A_1237 : i32
        %and3A_1239 = arith.andi %ne3A_1235, %ne3A_1238 : i1
        %sub3A_1240 = arith.constant 1 : i32
        %sub3A_1241 = arith.subi %div3A_1220, %sub3A_1240 : i32
        %select_n3A_1242 = arith.select %and3A_1239, %sub3A_1241, %div3A_1220 : i32
        %jit3A_1243 = arith.constant 4 : i32
        %eq3A_1244 = arith.constant 0 : i32
        %eq3A_1245 = arith.cmpi eq, %jit3A_1243, %eq3A_1244 : i32
        %jit3A_1246 = arith.constant 1 : i32
        %select_n3A_1247 = arith.select %eq3A_1245, %jit3A_1246, %jit3A_1243 : i32
        %rem3A_1248 = arith.remsi %sub3A_1218, %select_n3A_1247 : i32
        %ne3A_1249 = arith.constant 0 : i32
        %ne3A_1250 = arith.cmpi ne, %rem3A_1248, %ne3A_1249 : i32
        %lt3A_1251 = arith.constant 0 : i32
        %lt3A_1252 = arith.cmpi slt, %rem3A_1248, %lt3A_1251 : i32
        %lt3A_1253 = arith.constant 0 : i32
        %lt3A_1254 = arith.cmpi slt, %select_n3A_1247, %lt3A_1253 : i32
        %ne3A_1255 = arith.xori %lt3A_1252, %lt3A_1254 : i1
        %and3A_1256 = arith.andi %ne3A_1255, %ne3A_1250 : i1
        %add3A_1257 = arith.addi %rem3A_1248, %select_n3A_1247 : i32
        %select_n3A_1258 = arith.select %and3A_1256, %add3A_1257, %rem3A_1248 : i32
        %mul3A_1259 = arith.constant 8 : i32
        %mul3A_1260 = arith.muli %select_n3A_1242, %mul3A_1259 : i32
        %add3A_1261 = arith.addi %mul3A_2, %mul3A_1260 : i32
        %dma_wait3A_1262 = arith.constant 6 : i32
        %dma_wait3A_1263 = arith.constant 0 : i32
        %dma_wait3A_1264 = tpu.memref_slice %arg4[%select_n3A_1258, %add3A_1261, %dma_wait3A_1263] : memref<4x4096x1024xf32, #tpu.memory_space<hbm>> -> memref<1x8x1024xf32, #tpu.memory_space<hbm>>
        %dma_wait3A_1265 = tpu.memref_squeeze %dma_wait3A_1264 : memref<1x8x1024xf32, #tpu.memory_space<hbm>> -> memref<8x1024xf32, #tpu.memory_space<hbm>>
        %dma_wait3A_1266 = tpu.memref_slice %arg17[%dma_wait3A_1262] : memref<8x!tpu.dma_semaphore, #tpu.memory_space<semaphore_mem>> -> memref<1x!tpu.dma_semaphore, #tpu.memory_space<semaphore_mem>>
        %dma_wait3A_1267 = tpu.memref_squeeze %dma_wait3A_1266 : memref<1x!tpu.dma_semaphore, #tpu.memory_space<semaphore_mem>> -> memref<!tpu.dma_semaphore, #tpu.memory_space<semaphore_mem>>
        %dma_wait3A_1268 = arith.constant 0 : i32
        %dma_wait3A_1269 = tpu.memref_slice %arg4[%select_n3A_1258, %add3A_1261, %dma_wait3A_1268] : memref<4x4096x1024xf32, #tpu.memory_space<hbm>> -> memref<1x8x1024xf32, #tpu.memory_space<hbm>>
        %dma_wait3A_1270 = tpu.memref_squeeze %dma_wait3A_1269 : memref<1x8x1024xf32, #tpu.memory_space<hbm>> -> memref<8x1024xf32, #tpu.memory_space<hbm>>
        tpu.wait_dma2 semaphore(%dma_wait3A_1267 : memref<!tpu.dma_semaphore, #tpu.memory_space<semaphore_mem>>) src(%arg13 : memref<8x1024xf32, #tpu.memory_space<vmem>>) dst(%dma_wait3A_1270 : memref<8x1024xf32, #tpu.memory_space<hbm>>)
        %add3A_1271 = arith.constant 8 : i32
        %add3A_1272 = arith.addi %add3A_1096, %add3A_1271 : i32
        %sub3A_1273 = arith.constant 1 : i32
        %sub3A_1274 = arith.subi %add3A_1272, %sub3A_1273 : i32
        %jit3A_1275 = arith.constant 4 : i32
        %div3A_1276 = arith.divsi %sub3A_1274, %jit3A_1275 : i32
        %sign3A_1277 = arith.constant 0 : i32
        %sign3A_1278 = arith.cmpi sgt, %sub3A_1274, %sign3A_1277 : i32
        %sign3A_1279 = arith.extui %sign3A_1278 : i1 to i32
        %sign3A_1280 = arith.constant 0 : i32
        %sign3A_1281 = arith.cmpi slt, %sub3A_1274, %sign3A_1280 : i32
        %sign3A_1282 = arith.extui %sign3A_1281 : i1 to i32
        %sign3A_1283 = arith.subi %sign3A_1279, %sign3A_1282 : i32
        %sign3A_1284 = arith.constant 0 : i32
        %sign3A_1285 = arith.cmpi sgt, %jit3A_1275, %sign3A_1284 : i32
        %sign3A_1286 = arith.extui %sign3A_1285 : i1 to i32
        %sign3A_1287 = arith.constant 0 : i32
        %sign3A_1288 = arith.cmpi slt, %jit3A_1275, %sign3A_1287 : i32
        %sign3A_1289 = arith.extui %sign3A_1288 : i1 to i32
        %sign3A_1290 = arith.subi %sign3A_1286, %sign3A_1289 : i32
        %ne3A_1291 = arith.cmpi ne, %sign3A_1283, %sign3A_1290 : i32
        %rem3A_1292 = arith.remsi %sub3A_1274, %jit3A_1275 : i32
        %ne3A_1293 = arith.constant 0 : i32
        %ne3A_1294 = arith.cmpi ne, %rem3A_1292, %ne3A_1293 : i32
        %and3A_1295 = arith.andi %ne3A_1291, %ne3A_1294 : i1
        %sub3A_1296 = arith.constant 1 : i32
        %sub3A_1297 = arith.subi %div3A_1276, %sub3A_1296 : i32
        %select_n3A_1298 = arith.select %and3A_1295, %sub3A_1297, %div3A_1276 : i32
        %jit3A_1299 = arith.constant 4 : i32
        %eq3A_1300 = arith.constant 0 : i32
        %eq3A_1301 = arith.cmpi eq, %jit3A_1299, %eq3A_1300 : i32
        %jit3A_1302 = arith.constant 1 : i32
        %select_n3A_1303 = arith.select %eq3A_1301, %jit3A_1302, %jit3A_1299 : i32
        %rem3A_1304 = arith.remsi %sub3A_1274, %select_n3A_1303 : i32
        %ne3A_1305 = arith.constant 0 : i32
        %ne3A_1306 = arith.cmpi ne, %rem3A_1304, %ne3A_1305 : i32
        %lt3A_1307 = arith.constant 0 : i32
        %lt3A_1308 = arith.cmpi slt, %rem3A_1304, %lt3A_1307 : i32
        %lt3A_1309 = arith.constant 0 : i32
        %lt3A_1310 = arith.cmpi slt, %select_n3A_1303, %lt3A_1309 : i32
        %ne3A_1311 = arith.xori %lt3A_1308, %lt3A_1310 : i1
        %and3A_1312 = arith.andi %ne3A_1311, %ne3A_1306 : i1
        %add3A_1313 = arith.addi %rem3A_1304, %select_n3A_1303 : i32
        %select_n3A_1314 = arith.select %and3A_1312, %add3A_1313, %rem3A_1304 : i32
        %mul3A_1315 = arith.constant 8 : i32
        %mul3A_1316 = arith.muli %select_n3A_1298, %mul3A_1315 : i32
        %add3A_1317 = arith.addi %mul3A_2, %mul3A_1316 : i32
        %dma_start3A_1318 = arith.constant 6 : i32
        %dma_start3A_1319 = arith.constant 0 : i32
        %dma_start3A_1320 = tpu.memref_slice %arg2[%select_n3A_1314, %add3A_1317, %dma_start3A_1319] : memref<4x4096x1024xf32, #tpu.memory_space<hbm>> -> memref<1x8x1024xf32, #tpu.memory_space<hbm>>
        %dma_start3A_1321 = tpu.memref_squeeze %dma_start3A_1320 : memref<1x8x1024xf32, #tpu.memory_space<hbm>> -> memref<8x1024xf32, #tpu.memory_space<hbm>>
        %dma_start3A_1322 = tpu.memref_slice %arg16[%dma_start3A_1318] : memref<8x!tpu.dma_semaphore, #tpu.memory_space<semaphore_mem>> -> memref<1x!tpu.dma_semaphore, #tpu.memory_space<semaphore_mem>>
        %dma_start3A_1323 = tpu.memref_squeeze %dma_start3A_1322 : memref<1x!tpu.dma_semaphore, #tpu.memory_space<semaphore_mem>> -> memref<!tpu.dma_semaphore, #tpu.memory_space<semaphore_mem>>
        %dma_start3A_1324 = arith.constant 0 : i32
        %dma_start3A_1325 = tpu.memref_slice %arg2[%select_n3A_1314, %add3A_1317, %dma_start3A_1324] : memref<4x4096x1024xf32, #tpu.memory_space<hbm>> -> memref<1x8x1024xf32, #tpu.memory_space<hbm>>
        %dma_start3A_1326 = tpu.memref_squeeze %dma_start3A_1325 : memref<1x8x1024xf32, #tpu.memory_space<hbm>> -> memref<8x1024xf32, #tpu.memory_space<hbm>>
        tpu.enqueue_dma source(%dma_start3A_1326 : memref<8x1024xf32, #tpu.memory_space<hbm>>) target(%arg13 : memref<8x1024xf32, #tpu.memory_space<vmem>>) target_semaphore(%dma_start3A_1323 : memref<!tpu.dma_semaphore, #tpu.memory_space<semaphore_mem>>)
      } else {
      }
    }
    %scan3A_98 = arith.constant 8 : i32
    %add3A_99 = arith.constant 112 : i32
    %add3A_100 = arith.addi %mul3A_2, %add3A_99 : i32
    %dma_wait3A = arith.constant 0 : i32
    %dma_wait3A_101 = arith.constant 0 : i32
    %dma_wait3A_102 = arith.constant 0 : i32
    %dma_wait3A_103 = tpu.memref_slice %arg4[%dma_wait3A, %add3A_100, %dma_wait3A_102] : memref<4x4096x1024xf32, #tpu.memory_space<hbm>> -> memref<1x8x1024xf32, #tpu.memory_space<hbm>>
    %dma_wait3A_104 = tpu.memref_squeeze %dma_wait3A_103 : memref<1x8x1024xf32, #tpu.memory_space<hbm>> -> memref<8x1024xf32, #tpu.memory_space<hbm>>
    %dma_wait3A_105 = tpu.memref_slice %arg17[%dma_wait3A_101] : memref<8x!tpu.dma_semaphore, #tpu.memory_space<semaphore_mem>> -> memref<1x!tpu.dma_semaphore, #tpu.memory_space<semaphore_mem>>
    %dma_wait3A_106 = tpu.memref_squeeze %dma_wait3A_105 : memref<1x!tpu.dma_semaphore, #tpu.memory_space<semaphore_mem>> -> memref<!tpu.dma_semaphore, #tpu.memory_space<semaphore_mem>>
    %dma_wait3A_107 = arith.constant 0 : i32
    %dma_wait3A_108 = tpu.memref_slice %arg4[%dma_wait3A, %add3A_100, %dma_wait3A_107] : memref<4x4096x1024xf32, #tpu.memory_space<hbm>> -> memref<1x8x1024xf32, #tpu.memory_space<hbm>>
    %dma_wait3A_109 = tpu.memref_squeeze %dma_wait3A_108 : memref<1x8x1024xf32, #tpu.memory_space<hbm>> -> memref<8x1024xf32, #tpu.memory_space<hbm>>
    tpu.wait_dma2 semaphore(%dma_wait3A_106 : memref<!tpu.dma_semaphore, #tpu.memory_space<semaphore_mem>>) src(%arg7 : memref<8x1024xf32, #tpu.memory_space<vmem>>) dst(%dma_wait3A_109 : memref<8x1024xf32, #tpu.memory_space<hbm>>)
    %add3A_110 = arith.constant 112 : i32
    %add3A_111 = arith.addi %mul3A_2, %add3A_110 : i32
    %dma_wait3A_112 = arith.constant 1 : i32
    %dma_wait3A_113 = arith.constant 1 : i32
    %dma_wait3A_114 = arith.constant 0 : i32
    %dma_wait3A_115 = tpu.memref_slice %arg4[%dma_wait3A_112, %add3A_111, %dma_wait3A_114] : memref<4x4096x1024xf32, #tpu.memory_space<hbm>> -> memref<1x8x1024xf32, #tpu.memory_space<hbm>>
    %dma_wait3A_116 = tpu.memref_squeeze %dma_wait3A_115 : memref<1x8x1024xf32, #tpu.memory_space<hbm>> -> memref<8x1024xf32, #tpu.memory_space<hbm>>
    %dma_wait3A_117 = tpu.memref_slice %arg17[%dma_wait3A_113] : memref<8x!tpu.dma_semaphore, #tpu.memory_space<semaphore_mem>> -> memref<1x!tpu.dma_semaphore, #tpu.memory_space<semaphore_mem>>
    %dma_wait3A_118 = tpu.memref_squeeze %dma_wait3A_117 : memref<1x!tpu.dma_semaphore, #tpu.memory_space<semaphore_mem>> -> memref<!tpu.dma_semaphore, #tpu.memory_space<semaphore_mem>>
    %dma_wait3A_119 = arith.constant 0 : i32
    %dma_wait3A_120 = tpu.memref_slice %arg4[%dma_wait3A_112, %add3A_111, %dma_wait3A_119] : memref<4x4096x1024xf32, #tpu.memory_space<hbm>> -> memref<1x8x1024xf32, #tpu.memory_space<hbm>>
    %dma_wait3A_121 = tpu.memref_squeeze %dma_wait3A_120 : memref<1x8x1024xf32, #tpu.memory_space<hbm>> -> memref<8x1024xf32, #tpu.memory_space<hbm>>
    tpu.wait_dma2 semaphore(%dma_wait3A_118 : memref<!tpu.dma_semaphore, #tpu.memory_space<semaphore_mem>>) src(%arg8 : memref<8x1024xf32, #tpu.memory_space<vmem>>) dst(%dma_wait3A_121 : memref<8x1024xf32, #tpu.memory_space<hbm>>)
    %add3A_122 = arith.constant 112 : i32
    %add3A_123 = arith.addi %mul3A_2, %add3A_122 : i32
    %dma_wait3A_124 = arith.constant 2 : i32
    %dma_wait3A_125 = arith.constant 2 : i32
    %dma_wait3A_126 = arith.constant 0 : i32
    %dma_wait3A_127 = tpu.memref_slice %arg4[%dma_wait3A_124, %add3A_123, %dma_wait3A_126] : memref<4x4096x1024xf32, #tpu.memory_space<hbm>> -> memref<1x8x1024xf32, #tpu.memory_space<hbm>>
    %dma_wait3A_128 = tpu.memref_squeeze %dma_wait3A_127 : memref<1x8x1024xf32, #tpu.memory_space<hbm>> -> memref<8x1024xf32, #tpu.memory_space<hbm>>
    %dma_wait3A_129 = tpu.memref_slice %arg17[%dma_wait3A_125] : memref<8x!tpu.dma_semaphore, #tpu.memory_space<semaphore_mem>> -> memref<1x!tpu.dma_semaphore, #tpu.memory_space<semaphore_mem>>
    %dma_wait3A_130 = tpu.memref_squeeze %dma_wait3A_129 : memref<1x!tpu.dma_semaphore, #tpu.memory_space<semaphore_mem>> -> memref<!tpu.dma_semaphore, #tpu.memory_space<semaphore_mem>>
    %dma_wait3A_131 = arith.constant 0 : i32
    %dma_wait3A_132 = tpu.memref_slice %arg4[%dma_wait3A_124, %add3A_123, %dma_wait3A_131] : memref<4x4096x1024xf32, #tpu.memory_space<hbm>> -> memref<1x8x1024xf32, #tpu.memory_space<hbm>>
    %dma_wait3A_133 = tpu.memref_squeeze %dma_wait3A_132 : memref<1x8x1024xf32, #tpu.memory_space<hbm>> -> memref<8x1024xf32, #tpu.memory_space<hbm>>
    tpu.wait_dma2 semaphore(%dma_wait3A_130 : memref<!tpu.dma_semaphore, #tpu.memory_space<semaphore_mem>>) src(%arg9 : memref<8x1024xf32, #tpu.memory_space<vmem>>) dst(%dma_wait3A_133 : memref<8x1024xf32, #tpu.memory_space<hbm>>)
    %add3A_134 = arith.constant 112 : i32
    %add3A_135 = arith.addi %mul3A_2, %add3A_134 : i32
    %dma_wait3A_136 = arith.constant 3 : i32
    %dma_wait3A_137 = arith.constant 3 : i32
    %dma_wait3A_138 = arith.constant 0 : i32
    %dma_wait3A_139 = tpu.memref_slice %arg4[%dma_wait3A_136, %add3A_135, %dma_wait3A_138] : memref<4x4096x1024xf32, #tpu.memory_space<hbm>> -> memref<1x8x1024xf32, #tpu.memory_space<hbm>>
    %dma_wait3A_140 = tpu.memref_squeeze %dma_wait3A_139 : memref<1x8x1024xf32, #tpu.memory_space<hbm>> -> memref<8x1024xf32, #tpu.memory_space<hbm>>
    %dma_wait3A_141 = tpu.memref_slice %arg17[%dma_wait3A_137] : memref<8x!tpu.dma_semaphore, #tpu.memory_space<semaphore_mem>> -> memref<1x!tpu.dma_semaphore, #tpu.memory_space<semaphore_mem>>
    %dma_wait3A_142 = tpu.memref_squeeze %dma_wait3A_141 : memref<1x!tpu.dma_semaphore, #tpu.memory_space<semaphore_mem>> -> memref<!tpu.dma_semaphore, #tpu.memory_space<semaphore_mem>>
    %dma_wait3A_143 = arith.constant 0 : i32
    %dma_wait3A_144 = tpu.memref_slice %arg4[%dma_wait3A_136, %add3A_135, %dma_wait3A_143] : memref<4x4096x1024xf32, #tpu.memory_space<hbm>> -> memref<1x8x1024xf32, #tpu.memory_space<hbm>>
    %dma_wait3A_145 = tpu.memref_squeeze %dma_wait3A_144 : memref<1x8x1024xf32, #tpu.memory_space<hbm>> -> memref<8x1024xf32, #tpu.memory_space<hbm>>
    tpu.wait_dma2 semaphore(%dma_wait3A_142 : memref<!tpu.dma_semaphore, #tpu.memory_space<semaphore_mem>>) src(%arg10 : memref<8x1024xf32, #tpu.memory_space<vmem>>) dst(%dma_wait3A_145 : memref<8x1024xf32, #tpu.memory_space<hbm>>)
    %add3A_146 = arith.constant 120 : i32
    %add3A_147 = arith.addi %mul3A_2, %add3A_146 : i32
    %dma_wait3A_148 = arith.constant 0 : i32
    %dma_wait3A_149 = arith.constant 4 : i32
    %dma_wait3A_150 = arith.constant 0 : i32
    %dma_wait3A_151 = tpu.memref_slice %arg4[%dma_wait3A_148, %add3A_147, %dma_wait3A_150] : memref<4x4096x1024xf32, #tpu.memory_space<hbm>> -> memref<1x8x1024xf32, #tpu.memory_space<hbm>>
    %dma_wait3A_152 = tpu.memref_squeeze %dma_wait3A_151 : memref<1x8x1024xf32, #tpu.memory_space<hbm>> -> memref<8x1024xf32, #tpu.memory_space<hbm>>
    %dma_wait3A_153 = tpu.memref_slice %arg17[%dma_wait3A_149] : memref<8x!tpu.dma_semaphore, #tpu.memory_space<semaphore_mem>> -> memref<1x!tpu.dma_semaphore, #tpu.memory_space<semaphore_mem>>
    %dma_wait3A_154 = tpu.memref_squeeze %dma_wait3A_153 : memref<1x!tpu.dma_semaphore, #tpu.memory_space<semaphore_mem>> -> memref<!tpu.dma_semaphore, #tpu.memory_space<semaphore_mem>>
    %dma_wait3A_155 = arith.constant 0 : i32
    %dma_wait3A_156 = tpu.memref_slice %arg4[%dma_wait3A_148, %add3A_147, %dma_wait3A_155] : memref<4x4096x1024xf32, #tpu.memory_space<hbm>> -> memref<1x8x1024xf32, #tpu.memory_space<hbm>>
    %dma_wait3A_157 = tpu.memref_squeeze %dma_wait3A_156 : memref<1x8x1024xf32, #tpu.memory_space<hbm>> -> memref<8x1024xf32, #tpu.memory_space<hbm>>
    tpu.wait_dma2 semaphore(%dma_wait3A_154 : memref<!tpu.dma_semaphore, #tpu.memory_space<semaphore_mem>>) src(%arg11 : memref<8x1024xf32, #tpu.memory_space<vmem>>) dst(%dma_wait3A_157 : memref<8x1024xf32, #tpu.memory_space<hbm>>)
    %add3A_158 = arith.constant 120 : i32
    %add3A_159 = arith.addi %mul3A_2, %add3A_158 : i32
    %dma_wait3A_160 = arith.constant 1 : i32
    %dma_wait3A_161 = arith.constant 5 : i32
    %dma_wait3A_162 = arith.constant 0 : i32
    %dma_wait3A_163 = tpu.memref_slice %arg4[%dma_wait3A_160, %add3A_159, %dma_wait3A_162] : memref<4x4096x1024xf32, #tpu.memory_space<hbm>> -> memref<1x8x1024xf32, #tpu.memory_space<hbm>>
    %dma_wait3A_164 = tpu.memref_squeeze %dma_wait3A_163 : memref<1x8x1024xf32, #tpu.memory_space<hbm>> -> memref<8x1024xf32, #tpu.memory_space<hbm>>
    %dma_wait3A_165 = tpu.memref_slice %arg17[%dma_wait3A_161] : memref<8x!tpu.dma_semaphore, #tpu.memory_space<semaphore_mem>> -> memref<1x!tpu.dma_semaphore, #tpu.memory_space<semaphore_mem>>
    %dma_wait3A_166 = tpu.memref_squeeze %dma_wait3A_165 : memref<1x!tpu.dma_semaphore, #tpu.memory_space<semaphore_mem>> -> memref<!tpu.dma_semaphore, #tpu.memory_space<semaphore_mem>>
    %dma_wait3A_167 = arith.constant 0 : i32
    %dma_wait3A_168 = tpu.memref_slice %arg4[%dma_wait3A_160, %add3A_159, %dma_wait3A_167] : memref<4x4096x1024xf32, #tpu.memory_space<hbm>> -> memref<1x8x1024xf32, #tpu.memory_space<hbm>>
    %dma_wait3A_169 = tpu.memref_squeeze %dma_wait3A_168 : memref<1x8x1024xf32, #tpu.memory_space<hbm>> -> memref<8x1024xf32, #tpu.memory_space<hbm>>
    tpu.wait_dma2 semaphore(%dma_wait3A_166 : memref<!tpu.dma_semaphore, #tpu.memory_space<semaphore_mem>>) src(%arg12 : memref<8x1024xf32, #tpu.memory_space<vmem>>) dst(%dma_wait3A_169 : memref<8x1024xf32, #tpu.memory_space<hbm>>)
    %add3A_170 = arith.constant 120 : i32
    %add3A_171 = arith.addi %mul3A_2, %add3A_170 : i32
    %dma_wait3A_172 = arith.constant 2 : i32
    %dma_wait3A_173 = arith.constant 6 : i32
    %dma_wait3A_174 = arith.constant 0 : i32
    %dma_wait3A_175 = tpu.memref_slice %arg4[%dma_wait3A_172, %add3A_171, %dma_wait3A_174] : memref<4x4096x1024xf32, #tpu.memory_space<hbm>> -> memref<1x8x1024xf32, #tpu.memory_space<hbm>>
    %dma_wait3A_176 = tpu.memref_squeeze %dma_wait3A_175 : memref<1x8x1024xf32, #tpu.memory_space<hbm>> -> memref<8x1024xf32, #tpu.memory_space<hbm>>
    %dma_wait3A_177 = tpu.memref_slice %arg17[%dma_wait3A_173] : memref<8x!tpu.dma_semaphore, #tpu.memory_space<semaphore_mem>> -> memref<1x!tpu.dma_semaphore, #tpu.memory_space<semaphore_mem>>
    %dma_wait3A_178 = tpu.memref_squeeze %dma_wait3A_177 : memref<1x!tpu.dma_semaphore, #tpu.memory_space<semaphore_mem>> -> memref<!tpu.dma_semaphore, #tpu.memory_space<semaphore_mem>>
    %dma_wait3A_179 = arith.constant 0 : i32
    %dma_wait3A_180 = tpu.memref_slice %arg4[%dma_wait3A_172, %add3A_171, %dma_wait3A_179] : memref<4x4096x1024xf32, #tpu.memory_space<hbm>> -> memref<1x8x1024xf32, #tpu.memory_space<hbm>>
    %dma_wait3A_181 = tpu.memref_squeeze %dma_wait3A_180 : memref<1x8x1024xf32, #tpu.memory_space<hbm>> -> memref<8x1024xf32, #tpu.memory_space<hbm>>
    tpu.wait_dma2 semaphore(%dma_wait3A_178 : memref<!tpu.dma_semaphore, #tpu.memory_space<semaphore_mem>>) src(%arg13 : memref<8x1024xf32, #tpu.memory_space<vmem>>) dst(%dma_wait3A_181 : memref<8x1024xf32, #tpu.memory_space<hbm>>)
    %add3A_182 = arith.constant 120 : i32
    %add3A_183 = arith.addi %mul3A_2, %add3A_182 : i32
    %dma_wait3A_184 = arith.constant 3 : i32
    %dma_wait3A_185 = arith.constant 7 : i32
    %dma_wait3A_186 = arith.constant 0 : i32
    %dma_wait3A_187 = tpu.memref_slice %arg4[%dma_wait3A_184, %add3A_183, %dma_wait3A_186] : memref<4x4096x1024xf32, #tpu.memory_space<hbm>> -> memref<1x8x1024xf32, #tpu.memory_space<hbm>>
    %dma_wait3A_188 = tpu.memref_squeeze %dma_wait3A_187 : memref<1x8x1024xf32, #tpu.memory_space<hbm>> -> memref<8x1024xf32, #tpu.memory_space<hbm>>
    %dma_wait3A_189 = tpu.memref_slice %arg17[%dma_wait3A_185] : memref<8x!tpu.dma_semaphore, #tpu.memory_space<semaphore_mem>> -> memref<1x!tpu.dma_semaphore, #tpu.memory_space<semaphore_mem>>
    %dma_wait3A_190 = tpu.memref_squeeze %dma_wait3A_189 : memref<1x!tpu.dma_semaphore, #tpu.memory_space<semaphore_mem>> -> memref<!tpu.dma_semaphore, #tpu.memory_space<semaphore_mem>>
    %dma_wait3A_191 = arith.constant 0 : i32
    %dma_wait3A_192 = tpu.memref_slice %arg4[%dma_wait3A_184, %add3A_183, %dma_wait3A_191] : memref<4x4096x1024xf32, #tpu.memory_space<hbm>> -> memref<1x8x1024xf32, #tpu.memory_space<hbm>>
    %dma_wait3A_193 = tpu.memref_squeeze %dma_wait3A_192 : memref<1x8x1024xf32, #tpu.memory_space<hbm>> -> memref<8x1024xf32, #tpu.memory_space<hbm>>
    tpu.wait_dma2 semaphore(%dma_wait3A_190 : memref<!tpu.dma_semaphore, #tpu.memory_space<semaphore_mem>>) src(%arg14 : memref<8x1024xf32, #tpu.memory_space<vmem>>) dst(%dma_wait3A_193 : memref<8x1024xf32, #tpu.memory_space<hbm>>)
    return
  }
}

</mosaic_0001>

<sc_bundles>
// kernel: _run.3.cloned.1.call-start
scs
__scs_entry_jumppad:
0x0: {  	(pc) =	sbr.rel $0x88, $3  }
0x1: {  	(tag) =	ssettag $0x0;
	lr =	simm.s32 $0x1  }
0x2: {  	[smem:$0x3F9F] =	sst lr;
	_ =	strace $0xD0000000  }
0x3: {  	_ = 	snop  }
0x4: {  	_ = 	snop  }
0x5: {  	_ = 	snop  }
0x6: {  	_ = 	snop  }
0x7: {  	_ = 	snop  }
__scs_overlays_trampoline_lowered:
0x8: {  	[smem:$0x3FAE] =	sst s0  }
0x9: {  	[smem:$0x3FAF] =	sst s1  }
0xa: {  	[smem:$0x3FB0] =	sst s2  }
0xb: {  	[smem:$0x3FB1] =	sst s3  }
0xc: {  	[smem:$0x3FB2] =	sst s4  }
0xd: {  	[smem:$0x3FB3] =	sst s5  }
0xe: {  	[smem:$0x3FB4] =	sst s6  }
0xf: {  	[smem:$0x3FB5] =	sst s7  }
0x10: {  	[smem:$0x3FB6] =	sst s8  }
0x11: {  	[smem:$0x3FB7] =	sst s9;
	s0 =	simm.s32 @!p0 $0x0  }
0x12: {  	s1 =	sld [smem:$0x3F9D];
	s0 =	simm.s32 @p0 $0x1  }
0x13: {  	[smem:$0x3FB8] =	sst s0;
	s0 =	simm.s32 @!p1 $0x0  }
0x14: {  	s2 =	sld [smem:$0x3F9C];
	s0 =	simm.s32 @p1 $0x1  }
0x15: {  	[smem:$0x3FB9] =	sst s0;
	s0 =	simm.s32 @!p2 $0x0  }
0x16: {  	s3 =	sld [smem:$0x3FDB];
	s0 =	simm.s32 @p2 $0x1  }
0x17: {  	s4 =	simm.s32 $0x1BF5;
	[smem:$0x3FBB] =	sst s0  }
0x18: {  	s0 =	sld [smem:$0x3F9E];
	_ =	swait.ge [sflag:s4], $0x0  }
0x19: {  	s7 =	sld [smem:$0x3F9F]  }
0x1a: {  	s8 =	sadd.s32 $0xFFFFE003, lr  }
0x1b: {  	s9 =	sadd.s32 $0xFFFFFEF7, lr;
	s5 =	simm.s32 $0xFFFFFFFF;
	p2 =	slt.u32 s8, $0xFFFFF086  }
0x1c: {  	p1 =	slt.u32 s9, $0xF7A;
	s5 =	simm.s32 @!p2 $0x0  }
0x1d: {  	s5 =	simm.s32 @p1 $0x1;
	p0 =	seq.s32 s7, s2  }
0x1e: {  	s7 =	smul.u32 @!p0 $0xF7A, s2;
	p2 =	seq.s32 @!p0 s5, $0x0  }
0x1f: {  	s9 =	smul.u32 $0xF7A, s1;
	s8 =	simm.s32 @!p0 $0x1BF5;
	p2 =	por !p2, p0  }
0x20: {  	[sflag:s8] =	ssyncset.s32 @!p0 $0xFFFFF086;
	s6 =	sadd.s32 @!p0 s3, s7;
	s7 =	simm.s32 @!p0 $0x108  }
0x21: {  	s3 =	sadd.s32 s3, s9;
	s6 =	sadd.s32 @!p0 $0x88, s6;
	s7 =	simm.s32 @p2 $0x1082  }
0x22: {  	[simem:s7], [sflag:s8] =	dma.local @!p0 [hbm:s6], $0xF7A  }
0x23: {  	s9 =	sor.u32 $0xD0000000, s2;
	s6 =	simm.s32 $0x108;
	_ =	swait.ge @!p0 [sflag:s8], $0x0  }
0x24: {  	s3 =	sadd.s32 $0x88, s3;
	s6 =	simm.s32 @!p1 $0x1082;
	[sflag:s4] =	ssyncset.s32 $0xFFFFF086  }
0x25: {  	[simem:s6], [sflag:s4] =	dma.local [hbm:s3], $0xF7A  }
0x26: {  	[smem:$0x3F9F] =	sst s1;
	(tag) =	ssettag s2;
	_ =	strace s9  }
0x27: {  	s1 =	sld [smem:$0x3FAF]  }
0x28: {  	s2 =	sld [smem:$0x3FB0]  }
0x29: {  	s4 =	sld [smem:$0x3FB2]  }
0x2a: {  	p0 =	seq.s32 s5, $0x0;
	s5 =	sld [smem:$0x3FB3]  }
0x2b: {  	s6 =	sld [smem:$0x3FB4]  }
0x2c: {  	s7 =	sld [smem:$0x3FB5]  }
0x2d: {  	s3 =	simm.s32 $0x108;
	s8 =	sld [smem:$0x3FB6]  }
0x2e: {  	s3 =	simm.s32 @!p0 $0x1082;
	s9 =	sld [smem:$0x3FB7]  }
0x2f: {  	lr =	sadd.s32 s0, s3;
	s0 =	sld [smem:$0x3FAE]  }
0x30: {  	s3 =	sld [smem:$0x3FB1]  }
0x31: {  	[smem:$0x3FBA] =	sst s10  }
0x32: {  	s10 =	sld [smem:$0x3FB8];
	_ =	sdelay $0x3  }
0x33: {  	p0 =	seq.s32 s10, $0x1;
	s10 =	sld [smem:$0x3FBA];
	_ =	sdelay $0x3  }
0x34: {  	[smem:$0x3FBA] =	sst s10  }
0x35: {  	s10 =	sld [smem:$0x3FB9];
	_ =	sdelay $0x3  }
0x36: {  	p1 =	seq.s32 s10, $0x1;
	s10 =	sld [smem:$0x3FBA];
	_ =	sdelay $0x3  }
0x37: {  	[smem:$0x3FBA] =	sst s10  }
0x38: {  	s10 =	sld [smem:$0x3FBB]  }
0x39: {  	_ = 	snop;
	(pc) =	sbr.ind lr, $3  }
0x3a: {  	_ = 	snop  }
0x3b: {  	_ = 	snop  }
0x3c: {  	p2 =	seq.s32 s10, $0x1;
	s10 =	sld [smem:$0x3FBA]  }
0x3d: {  	_ =	shalt  }
0x3e: {  	_ =	shalt  }
0x3f: {  	_ =	shalt  }
0x40: {  	_ =	shalt  }
0x41: {  	_ =	shalt  }
0x42: {  	_ =	shalt  }
0x43: {  	_ =	shalt  }
0x44: {  	_ =	shalt  }
0x45: {  	_ =	shalt  }
0x46: {  	_ =	shalt  }
0x47: {  	_ =	shalt  }
0x48: {  	_ =	shalt  }
0x49: {  	_ =	shalt  }
0x4a: {  	_ =	shalt  }
0x4b: {  	_ =	shalt  }
0x4c: {  	_ =	shalt  }
0x4d: {  	_ =	shalt  }
0x4e: {  	_ =	shalt  }
0x4f: {  	_ =	shalt  }
0x50: {  	_ =	shalt  }
0x51: {  	_ =	shalt  }
0x52: {  	_ =	shalt  }
0x53: {  	_ =	shalt  }
0x54: {  	_ =	shalt  }
0x55: {  	_ =	shalt  }
0x56: {  	_ =	shalt  }
0x57: {  	_ =	shalt  }
0x58: {  	_ =	shalt  }
0x59: {  	_ =	shalt  }
0x5a: {  	_ =	shalt  }
0x5b: {  	_ =	shalt  }
0x5c: {  	_ =	shalt  }
0x5d: {  	_ =	shalt  }
0x5e: {  	_ =	shalt  }
0x5f: {  	_ =	shalt  }
0x60: {  	_ =	shalt  }
0x61: {  	_ =	shalt  }
0x62: {  	_ =	shalt  }
0x63: {  	_ =	shalt  }
0x64: {  	_ =	shalt  }
0x65: {  	_ =	shalt  }
0x66: {  	_ =	shalt  }
0x67: {  	_ =	shalt  }
0x68: {  	_ =	shalt  }
0x69: {  	_ =	shalt  }
0x6a: {  	_ =	shalt  }
0x6b: {  	_ =	shalt  }
0x6c: {  	_ =	shalt  }
0x6d: {  	_ =	shalt  }
0x6e: {  	_ =	shalt  }
0x6f: {  	_ =	shalt  }
0x70: {  	_ =	shalt  }
0x71: {  	_ =	shalt  }
0x72: {  	_ =	shalt  }
0x73: {  	_ =	shalt  }
0x74: {  	_ =	shalt  }
0x75: {  	_ =	shalt  }
0x76: {  	_ =	shalt  }
0x77: {  	_ =	shalt  }
0x78: {  	_ =	shalt  }
0x79: {  	_ =	shalt  }
0x7a: {  	_ =	shalt  }
0x7b: {  	_ =	shalt  }
0x7c: {  	_ =	shalt  }
0x7d: {  	_ =	shalt  }
0x7e: {  	_ =	shalt  }
0x7f: {  	_ =	shalt  }
0x80: {  	_ =	shalt  }
0x81: {  	_ =	shalt  }
0x82: {  	_ =	shalt  }
0x83: {  	_ =	shalt  }
0x84: {  	_ =	shalt  }
0x85: {  	_ =	shalt  }
0x86: {  	_ =	shalt  }
0x87: {  	_ =	shalt  }
.Lfunc_end0:
.L_simem_size_0:
called_computation_lowered:
.L_overlay_start_0:
0x88: {  	s2 =	sld [smem:$0x3FD9]  }
0x89: {  	s3 =	sld [smem:$0x3FFE];
	_ =	sdelay $0x1  }
0x8a: {  	s1 =	srdreg.scid  }
0x8b: {  	s0 =	sand.u32 $0x1, s1  }
0x8c: {  	s18 =	sshll.u32 s0, $0xA;
	s2 =	sadd.s32 s3, s2  }
0x8d: {  	s2 =	sadd.s32 s2, s18  }
0x8e: {  	[smem:$0x3FC6] =	sst s2  }
0x8f: {  	_ = 	snop  }
0x90: {  	s2 =	sld [smem:$0x3FC9]  }
0x91: {  	s19 =	sld [smem:$0x3FC8]  }
0x92: {  	s4 =	sld [smem:$0x3FD0];
	(tm) =	ssettm $0x1  }
0x93: {  	s5 =	sld [smem:$0x3FFB];
	_ =	sdelay $0x3  }
0x94: {  	_ =	strace s5  }
0x95: {  	s5 =	sld [smem:$0x3FFC];
	_ =	sdelay $0x3  }
0x96: {  	_ =	strace s5  }
0x97: {  	s5 =	sld [smem:$0x3FFD];
	_ =	sdelay $0x3  }
0x98: {  	_ =	strace s5  }
0x99: {  	_ =	strace $0x8FFFFFFF  }
0x9a: {  	s20 =	sld [smem:$0x3FDB];
	_ =	sdelay $0x1  }
0x9b: {  	s6 =	simm.s32 $_scs_section_size  }
0x9c: {  	s7 =	simm.s32 $_size__tile_overlayer_lowered;
	s8 =	simm.s32 $_tile_overlayer_lowered  }
0x9d: {  	s23 =	simm.s32 $0x1BFF;
	s22 =	sshll.u32 s8, $0x1;
	s5 =	sadd.s32 s6, s20  }
0x9e: {  	s9 =	simm.s32 $0x0;
	s21 =	sshll.u32 s7, $0x1;
	s7 =	sadd.s32 s22, s5  }
0x9f: {  	[timem:s9], [sflag:s23] =	dma.local [hbm:s7], s21  }
0xa0: {  	_ =	swait.ge [sflag:s23], s21  }
0xa1: {  	s6 =	ssub.s32 $0x0, s21;
	[sflag:s23] =	ssyncset.done $0x0  }
0xa2: {  	[sflag:s23] =	ssyncadd.s32 s6;
	_ =	sdelay $0x1  }
0xa3: {  	s24 =	simm.s32 $0x1B8B  }
0xa4: {  	_ =	swait.ge [sflag:s24], $0x1  }
0xa5: {  	[sflag:s24] =	ssyncset.done $0x0  }
0xa6: {  	s25 =	simm.s32 $0x1B8E;
	[sflag:s24] =	ssyncadd.s32 $0xFFFFFFFF  }
0xa7: {  	s26 =	simm.s32 $execute0_lowered;
	[smem:$0x3FD2] =	sst s25  }
0xa8: {  	s6 =	sshll.u32 s26, $0x1;
	_ =	strace $0x80000046;
	[dreg:$0x1] =	wrdreg $0xFFFFFFFF  }
0xa9: {  	s28 =	simm.s32 $_size_execute0_lowered;
	s5 =	sadd.s32 s5, s6;
	[dreg:$0x0] =	wrdreg $0x0  }
0xaa: {  	s6 =	sshll.u32 s28, $0x1;
	[dreg:$0x2] =	wrdreg s5  }
0xab: {  	[dreg:$0x3] =	wrdreg s6  }
0xac: {  	[dreg:$0x4] =	wrdreg $0xC0  }
0xad: {  	_ =	task [dreg:s9], $0x5FFFF  }
0xae: {  	[dreg:$0x1] =	wrdreg $0xFFFFFFFF  }
0xaf: {  	[dreg:$0x0] =	wrdreg $0x60  }
0xb0: {  	[dreg:$0x2] =	wrdreg s2  }
0xb1: {  	[dreg:$0x3] =	wrdreg s19  }
0xb2: {  	[dreg:$0x4] =	wrdreg s4  }
0xb3: {  	[dreg:$0x5] =	wrdreg $0x9  }
0xb4: {  	_ =	task.clear_ibuf [dreg:s9], $0x6FFFF;
	_ =	strace $0x90000046  }
0xb5: {  	s29 =	simm.s32 $0x9;
	_ =	strace $0x80000048  }
0xb6: {  	_ =	swait.ge [sflag:s29], $0x1  }
0xb7: {  	[sflag:s29] =	ssyncadd.s32 $0xFFFFFFFF  }
0xb8: {  	_ =	strace $0x90000048  }
0xb9: {  	_ =	sfence  }
0xba: {  	s30 =	sld [smem:$0x0];
	_ =	sdelay $0x2  }
0xbb: {  	s31 =	sshll.u32 s1, $0xD;
	s1 =	sshrl.u32 s1, $0x2  }
0xbc: {  	s3 =	sand.u32 $0x4000, s31;
	s1 =	sadd.s32 s1, s30  }
0xbd: {  	s0 =	sor.u32 s3, s0;
	s1 =	sshll.u32 s1, $0x11  }
0xbe: {  	s0 =	sor.u32 s1, s0  }
0xbf: {  	s0 =	sadd.s32 $0x8F2B, s0  }
0xc0: {  	[sflag:s0] =	ssyncadd.remote.s32 $0x1  }
0xc1: {  	_ =	sfence.sel $0xFFFF  }
0xc2: {  	[dreg:$0x0] =	wrdreg $0xFFFFFFFF;
	(pc) =	sbr.abs _section_cstart, $3  }
0xc3: {  	[dreg:$0x1] =	wrdreg $0xFFFFFFFF  }
0xc4: {  	_ =	task.clear_ibuf [dreg:s9], $0x2FFFF;
	_ =	strace $0x9FFFFFFF  }
0xc5: {  	(tm) =	ssettm $0x7FFFFFFF  }
tec
execute0_lowered:
.L_overlay_start_1:
0x0: {  	(tag) =	ssettag $0x1  }
0x1: {  	s3 =	rddreg [dreg:$0x0]  }
0x2: {  	s26 =	rddreg [dreg:$0x1]  }
0x3: {  	s25 =	rddreg [dreg:$0x2];
	s0 =	srdreg.scid  }
0x4: {  	s1 =	stileid.u32;
	s5 =	simm.s32 $0x0;
	s0 =	sand.u32 $0x1, s0  }
0x5: {  	s1 =	sshll.u32 s1, $0x8;
	[smem:$0x7FF] =	sst s5;
	s2 =	sshll.u32 s0, $0x7  }
0x6: {  	s9 =	sadd.s32 $0x80000, s3;
	s23 =	sadd.s32 $0x180000, s25;
	s1 =	sor.u32 s2, s1  }
0x7: {  	_ =	strace $0x80000047;
	[dreg:$0xf] =	wrdreg s23;
	s4 =	sshll.u32 s1, $0x7  }
0x8: {  	s10 =	sadd.s32 $0x100000, s3;
	s16 =	sadd.s32 s26, s4;
	[dreg:$0x4] =	wrdreg s4  }
0x9: {  	s0 =	ssub.s32 $0x2, s0;
	s6 =	sadd.s32 s4, s9;
	[dreg:$0x5] =	wrdreg s16  }
0xa: {  	s15 =	sshrl.u32 s0, $0x1;
	s18 =	sadd.s32 s4, s10;
	[dreg:$0x8] =	wrdreg s6  }
0xb: {  	s17 =	sadd.s32 s3, s4;
	s3 =	sadd.s32 $0x180000, s3;
	[dreg:$0x9] =	wrdreg s18  }
0xc: {  	s0 =	ssub.s32 s0, s15;
	[dreg:$0x7] =	wrdreg s3  }
0xd: {  	s0 =	smax.u32 s0, $0x1;
	[dreg:$0x6] =	wrdreg s17  }
0xe: {  	s8 =	simm.s32 $0x10000;
	s31 =	sor.u32 $0x400, s4;
	[dreg:$0x12] =	wrdreg s0  }
0xf: {  	s12 =	simm.s32 $0x12000;
	s3 =	sadd.s32 s4, s3;
	[dreg:$0x13] =	wrdreg s31  }
0x10: {  	s13 =	simm.s32 $0x9;
	s19 =	sadd.s32 $0x400, s17;
	[dreg:$0xa] =	wrdreg s3  }
0x11: {  	s28 =	simm.s32 $0xA;
	s20 =	sadd.s32 $0x80400, s17;
	[dreg:$0xb] =	wrdreg s19  }
.Ltmp0:
0x12: {  	s21 =	sadd.s32 $0x100400, s17;
	[dreg:$0xc] =	wrdreg s20;
	(pc) =	sbr.rel .LBB2_1-.Ltmp0, $4  }
0x13: {  	s29 =	simm.s32 $0x11;
	s22 =	sadd.s32 $0x800, s17;
	[dreg:$0xd] =	wrdreg s21  }
0x14: {  	s18 =	sshrl.u32 s1, $0x3;
	s30 =	sadd.s32 $0xC00, s17;
	[dreg:$0xe] =	wrdreg s22  }
0x15: {  	s2 =	simm.s32 $0x0;
	s24 =	sor.u32 $0x2, s18;
	[dreg:$0x11] =	wrdreg s30  }
0x16: {  	s19 =	sadd.s32 $0x80000, s25;
	s21 =	sadd.s32 $0x100000, s25;
	[dreg:$0x10] =	wrdreg s24  }
.LBB2_20:
0x17: {  	s0 =	simm.s32 $0xB  }
0x18: {  	_ =	swait.ge [sflag:s0], $0x2000  }
0x19: {  	[sflag:s0] =	ssyncset.done $0x0  }
0x1a: {  	s20 =	simm.s32 $0xC;
	[sflag:s0] =	ssyncadd.s32 $0xFFFFE000  }
0x1b: {  	_ =	swait.ge [sflag:s20], $0x2000  }
0x1c: {  	[sflag:s20] =	ssyncset.done $0x0  }
0x1d: {  	s22 =	simm.s32 $0xD;
	[sflag:s20] =	ssyncadd.s32 $0xFFFFE000  }
0x1e: {  	_ =	swait.ge [sflag:s22], $0x2000  }
0x1f: {  	[sflag:s22] =	ssyncset.done $0x0  }
0x20: {  	s23 =	simm.s32 $0xE;
	[sflag:s22] =	ssyncadd.s32 $0xFFFFE000  }
0x21: {  	_ =	swait.ge [sflag:s23], $0x2000  }
0x22: {  	[sflag:s23] =	ssyncset.done $0x0  }
0x23: {  	s24 =	simm.s32 $0xF;
	[sflag:s23] =	ssyncadd.s32 $0xFFFFE000  }
0x24: {  	_ =	swait.ge [sflag:s24], $0x2000  }
0x25: {  	[sflag:s24] =	ssyncset.done $0x0  }
0x26: {  	s30 =	simm.s32 $0x10;
	[sflag:s24] =	ssyncadd.s32 $0xFFFFE000  }
0x27: {  	_ =	swait.ge [sflag:s30], $0x2000  }
0x28: {  	[sflag:s30] =	ssyncset.done $0x0  }
0x29: {  	[sflag:s30] =	ssyncadd.s32 $0xFFFFE000  }
0x2a: {  	_ =	swait.ge [sflag:s29], $0x2000  }
0x2b: {  	[sflag:s29] =	ssyncset.done $0x0  }
0x2c: {  	s1 =	simm.s32 $0x12;
	[sflag:s29] =	ssyncadd.s32 $0xFFFFE000  }
0x2d: {  	_ =	swait.ge [sflag:s1], $0x2000  }
0x2e: {  	s2 =	rddreg [dreg:$0x14]  }
0x2f: {  	s31 =	rddreg [dreg:$0x12];
	s2 =	sadd.s32 $0x1, s2  }
0x30: {  	p0 =	sne.s32 s2, s31  }
.Ltmp1:
0x31: {  	_ = 	snop;
	(pc) =	sbr.rel @!p0 .LBB2_21-.Ltmp1, $3  }
0x32: {  	_ =	sdelay $0x1  }
0x33: {  	[sflag:s1] =	ssyncset.done $0x0  }
0x34: {  	[sflag:s1] =	ssyncadd.s32 $0xFFFFE000  }
.LBB2_1:
0x35: {  	[dreg:$0x14] =	wrdreg s2  }
0x36: {  	s0 =	rddreg [dreg:$0x5]  }
0x37: {  	[tilespmem:s5], [sflag:$0x1] =	stream.linear.gather [hbm4b:s0+s5], $0x2000, $0x38;
	[tilespmem:$0x14000] =	vst v63  }
0x38: {  	s6 =	rddreg [dreg:$0x6];
	s1 =	simm.s32 $0x4000  }
0x39: {  	[tilespmem:s1], [sflag:$0x3] =	stream.linear.gather [hbm4b:s6+s5], $0x2000, $0x38;
	[tilespmem:$0x14000] =	vst v63  }
0x3a: {  	s7 =	rddreg [dreg:$0x8];
	s11 =	simm.s32 $0x6000  }
0x3b: {  	[tilespmem:s11], [sflag:$0x4] =	stream.linear.gather [hbm4b:s7+s5], $0x2000, $0x38;
	[tilespmem:$0x14000] =	vst v63  }
0x3c: {  	s14 =	rddreg [dreg:$0x9];
	s15 =	simm.s32 $0x8000  }
0x3d: {  	[tilespmem:s15], [sflag:$0x5] =	stream.linear.gather [hbm4b:s14+s5], $0x2000, $0x38;
	[tilespmem:$0x14000] =	vst v63  }
0x3e: {  	s16 =	rddreg [dreg:$0xa];
	s17 =	simm.s32 $0xA000  }
0x3f: {  	[tilespmem:s17], [sflag:$0x6] =	stream.linear.gather [hbm4b:s16+s5], $0x2000, $0x38;
	[tilespmem:$0x14000] =	vst v63  }
0x40: {  	s20 =	rddreg [dreg:$0xb];
	s22 =	simm.s32 $0xC000  }
0x41: {  	[tilespmem:s22], [sflag:$0x7] =	stream.linear.gather [hbm4b:s20+s5], $0x2000, $0x38;
	[tilespmem:$0x14000] =	vst v63  }
0x42: {  	s23 =	rddreg [dreg:$0xc];
	s24 =	simm.s32 $0xE000  }
0x43: {  	[tilespmem:s24], [sflag:$0x8] =	stream.linear.gather [hbm4b:s23+s5], $0x2000, $0x38;
	[tilespmem:$0x14000] =	vst v63  }
0x44: {  	s31 =	rddreg [dreg:$0xd];
	s30 =	simm.s32 $0x0  }
0x45: {  	[tilespmem:s8], [sflag:$0x9] =	stream.linear.gather [hbm4b:s31+s5], $0x2000, $0x38;
	[tilespmem:$0x14000] =	vst v63  }
.LBB2_2:
0x46: {  	s1 =	simm.s32 $0x1  }
0x47: {  	_ =	swait.ge [sflag:s1], $0x2000  }
0x48: {  	s2 =	sshll.u32 s30, $0xB;
	s23 =	simm.s32 $0x2000;
	s0 =	rddreg [dreg:$0x13]  }
0x49: {  	s24 =	simm.s32 $0x3;
	[sflag:s1] =	ssyncset.done $0x0;
	s3 =	sadd.s32 s0, s2  }
0x4a: {  	[sflag:s1] =	ssyncadd.s32 $0xFFFFE000;
	s0 =	simm.s32 $0x0;
	s6 =	sadd.s32 s26, s3  }
0x4b: {  	[tilespmem:s23], [sflag:$0x2] =	stream.linear.gather [hbm4b:s6+s0], $0x2000, $0x38;
	[tilespmem:$0x14000] =	vst v63  }
0x4c: {  	s8 =	smov.u32 s26;
	s26 =	sand.u32 $0x1C00, s0;
	_ =	swait.ge [sflag:s24], $0x2000  }
0x4d: {  	s7 =	sor.u32 s26, s0;
	[sflag:s24] =	ssyncset.done $0x0  }
0x4e: {  	s11 =	sand.u32 $0x380, s0;
	s7 =	sor.u32 $0x70, s7;
	[sflag:s24] =	ssyncadd.s32 $0xFFFFE000  }
0x4f: {  	s11 =	sor.u32 s11, s26;
	v0 =	vld [tilespmem:s7+$0x0]  }
0x50: {  	v3 =	vld [tilespmem:s11+$0x0]  }
0x51: {  	v4 =	vld [tilespmem:s11+$0x10]  }
0x52: {  	v5 =	vld [tilespmem:s11+$0x20]  }
0x53: {  	v6 =	vld [tilespmem:s11+$0x30]  }
0x54: {  	v2 =	vld [tilespmem:s11+$0x40]  }
0x55: {  	v1 =	vld [tilespmem:s11+$0x50]  }
0x56: {  	[tilespmem:s7+$0x4000] =	vst.add.f32.msk $0xffff, v0  }
0x57: {  	s6 =	sor.u32 $0x4000, s11;
	v0 =	vld [tilespmem:s11+$0x60]  }
0x58: {  	s31 =	sor.u32 $0x4010, s11;
	[tilespmem:s6+$0x0] =	vst.add.f32.msk $0xffff, v3  }
0x59: {  	s15 =	sor.u32 $0x4020, s11;
	[tilespmem:s31+$0x0] =	vst.add.f32.msk $0xffff, v4  }
0x5a: {  	s23 =	sor.u32 $0x4030, s11;
	s22 =	sor.u32 $0x4050, s11;
	s20 =	sor.u32 $0x4060, s11;
	[tilespmem:s15+$0x0] =	vst.add.f32.msk $0xffff, v5  }
0x5b: {  	s6 =	simm.s32 $0x0;
	s7 =	sor.u32 $0x4040, s11;
	[tilespmem:s23+$0x0] =	vst.add.f32.msk $0xffff, v6;
	s11 =	simm.s32 $0x400  }
.LBB2_3:
0x5c: {  	s15 =	sand.u32 $0x1C00, s11;
	s6 =	sadd.s32 $0x80, s6;
	[tilespmem:s7+$0x0] =	vst.add.f32.msk $0xffff, v2;
	s0 =	sadd.s32 $0x10, s0  }
0x5d: {  	s7 =	sand.u32 $0x380, s0;
	s23 =	sor.u32 s15, s0;
	p0 =	slt.u32 s6, $0x1F80;
	[tilespmem:s22+$0x0] =	vst.add.f32.msk $0xffff, v1  }
0x5e: {  	s15 =	sor.u32 s7, s15;
	s23 =	sor.u32 $0x70, s23;
	[tilespmem:s20+$0x0] =	vst.add.f32.msk $0xffff, v0  }
0x5f: {  	s24 =	sor.u32 $0x4000, s15;
	s26 =	sor.u32 $0x4010, s15;
	s31 =	sor.u32 $0x4020, s15;
	v0 =	vld [tilespmem:s23+$0x0]  }
0x60: {  	s4 =	sor.u32 $0x4030, s15;
	s7 =	sor.u32 $0x4040, s15;
	s22 =	sor.u32 $0x4050, s15;
	v3 =	vld [tilespmem:s15+$0x0]  }
0x61: {  	s20 =	sor.u32 $0x4060, s15;
	v4 =	vld [tilespmem:s15+$0x10]  }
0x62: {  	v5 =	vld [tilespmem:s15+$0x20]  }
0x63: {  	v6 =	vld [tilespmem:s15+$0x30]  }
0x64: {  	[tilespmem:s23+$0x4000] =	vst.add.f32.msk $0xffff, v0  }
0x65: {  	v2 =	vld [tilespmem:s15+$0x40]  }
0x66: {  	v1 =	vld [tilespmem:s15+$0x50]  }
.Ltmp2:
0x67: {  	v0 =	vld [tilespmem:s15+$0x60];
	(pc) =	sbr.rel @p0 .LBB2_3-.Ltmp2, $4  }
0x68: {  	[tilespmem:s24+$0x0] =	vst.add.f32.msk $0xffff, v3  }
0x69: {  	[tilespmem:s26+$0x0] =	vst.add.f32.msk $0xffff, v4  }
0x6a: {  	[tilespmem:s31+$0x0] =	vst.add.f32.msk $0xffff, v5  }
0x6b: {  	s11 =	sadd.s32 $0x400, s11;
	[tilespmem:s4+$0x0] =	vst.add.f32.msk $0xffff, v6  }
0x6c: {  	[tilespmem:s7+$0x0] =	vst.add.f32.msk $0xffff, v2  }
0x6d: {  	[tilespmem:s22+$0x0] =	vst.add.f32.msk $0xffff, v1  }
0x6e: {  	s0 =	rddreg [dreg:$0x4]  }
0x6f: {  	s11 =	sor.u32 s0, s2  }
0x70: {  	s1 =	simm.s32 $0x4000;
	p0 =	seq.s32 s30, $0x0;
	[tilespmem:s20+$0x0] =	vst.add.f32.msk $0xffff, v0;
	s0 =	sadd.s32 s25, s11  }
0x71: {  	[hbm4b:s0+s5] =	stream.linear.scatter [tilespmem:s1], [sflag:$0xB], $0x2000, $0x38;
	[tilespmem:$0x14000] =	vst v63  }
0x72: {  	s0 =	simm.s32 @!p0 $0x12  }
0x73: {  	_ =	swait.ge @!p0 [sflag:s0], $0x2000  }
0x74: {  	[sflag:s0] =	ssyncset.done @!p0 $0x0  }
0x75: {  	[sflag:s0] =	ssyncadd.s32 @!p0 $0xFFFFE000  }
0x76: {  	s31 =	sadd.s32 $0x180000, s3;
	s0 =	rddreg [dreg:$0x0]  }
0x77: {  	s14 =	simm.s32 $0x4;
	s20 =	simm.s32 $0x0;
	s0 =	sadd.s32 s0, s31  }
0x78: {  	[tilespmem:s12], [sflag:$0xA] =	stream.linear.gather [hbm4b:s0+s20], $0x2000, $0x38;
	[tilespmem:$0x14000] =	vst v63  }
0x79: {  	s15 =	sand.u32 $0x1C00, s20;
	_ =	swait.ge [sflag:s14], $0x2000  }
0x7a: {  	s4 =	sor.u32 s15, s20;
	[sflag:s14] =	ssyncset.done $0x0  }
0x7b: {  	s6 =	sand.u32 $0x380, s20;
	s4 =	sor.u32 $0x70, s4;
	[sflag:s14] =	ssyncadd.s32 $0xFFFFE000  }
0x7c: {  	s15 =	sor.u32 s6, s15;
	v0 =	vld [tilespmem:s4+$0x0]  }
0x7d: {  	v3 =	vld [tilespmem:s15+$0x0]  }
0x7e: {  	v4 =	vld [tilespmem:s15+$0x10]  }
0x7f: {  	v5 =	vld [tilespmem:s15+$0x20]  }
0x80: {  	v6 =	vld [tilespmem:s15+$0x30]  }
0x81: {  	v2 =	vld [tilespmem:s15+$0x40]  }
0x82: {  	v1 =	vld [tilespmem:s15+$0x50]  }
0x83: {  	[tilespmem:s4+$0x6000] =	vst.add.f32.msk $0xffff, v0  }
0x84: {  	s0 =	sor.u32 $0x6000, s15;
	v0 =	vld [tilespmem:s15+$0x60]  }
0x85: {  	s16 =	sor.u32 $0x6010, s15;
	[tilespmem:s0+$0x0] =	vst.add.f32.msk $0xffff, v3  }
0x86: {  	s22 =	simm.s32 $0x0;
	s6 =	sshll.u32 s30, $0x1;
	s23 =	sor.u32 $0x6020, s15;
	[tilespmem:s16+$0x0] =	vst.add.f32.msk $0xffff, v4  }
0x87: {  	s17 =	sor.u32 $0x6030, s15;
	s7 =	sor.u32 $0x6040, s15;
	s26 =	sor.u32 $0x6050, s15;
	[tilespmem:s23+$0x0] =	vst.add.f32.msk $0xffff, v5  }
0x88: {  	s24 =	sor.u32 $0x6060, s15;
	s0 =	sshll.u32 s30, $0x3;
	[tilespmem:s17+$0x0] =	vst.add.f32.msk $0xffff, v6;
	s23 =	simm.s32 $0x400  }
.LBB2_5:
0x89: {  	s4 =	sand.u32 $0x1C00, s23;
	s22 =	sadd.s32 $0x80, s22;
	[tilespmem:s7+$0x0] =	vst.add.f32.msk $0xffff, v2;
	s20 =	sadd.s32 $0x10, s20  }
0x8a: {  	s7 =	sand.u32 $0x380, s20;
	s15 =	sor.u32 s4, s20;
	p0 =	slt.u32 s22, $0x1F80;
	[tilespmem:s26+$0x0] =	vst.add.f32.msk $0xffff, v1  }
0x8b: {  	s4 =	sor.u32 s7, s4;
	s15 =	sor.u32 $0x70, s15;
	[tilespmem:s24+$0x0] =	vst.add.f32.msk $0xffff, v0  }
0x8c: {  	s12 =	sor.u32 $0x6000, s4;
	s14 =	sor.u32 $0x6010, s4;
	s16 =	sor.u32 $0x6020, s4;
	v0 =	vld [tilespmem:s15+$0x0]  }
0x8d: {  	s17 =	sor.u32 $0x6030, s4;
	s7 =	sor.u32 $0x6040, s4;
	s26 =	sor.u32 $0x6050, s4;
	v3 =	vld [tilespmem:s4+$0x0]  }
0x8e: {  	s24 =	sor.u32 $0x6060, s4;
	v4 =	vld [tilespmem:s4+$0x10]  }
0x8f: {  	v5 =	vld [tilespmem:s4+$0x20]  }
0x90: {  	v6 =	vld [tilespmem:s4+$0x30]  }
0x91: {  	[tilespmem:s15+$0x6000] =	vst.add.f32.msk $0xffff, v0  }
0x92: {  	v2 =	vld [tilespmem:s4+$0x40]  }
0x93: {  	v1 =	vld [tilespmem:s4+$0x50]  }
.Ltmp3:
0x94: {  	v0 =	vld [tilespmem:s4+$0x60];
	(pc) =	sbr.rel @p0 .LBB2_5-.Ltmp3, $4  }
0x95: {  	[tilespmem:s12+$0x0] =	vst.add.f32.msk $0xffff, v3  }
0x96: {  	[tilespmem:s14+$0x0] =	vst.add.f32.msk $0xffff, v4  }
0x97: {  	[tilespmem:s16+$0x0] =	vst.add.f32.msk $0xffff, v5  }
0x98: {  	s23 =	sadd.s32 $0x400, s23;
	[tilespmem:s17+$0x0] =	vst.add.f32.msk $0xffff, v6  }
0x99: {  	[tilespmem:s7+$0x0] =	vst.add.f32.msk $0xffff, v2  }
0x9a: {  	[tilespmem:s26+$0x0] =	vst.add.f32.msk $0xffff, v1  }
0x9b: {  	[tilespmem:s24+$0x0] =	vst.add.f32.msk $0xffff, v0;
	s4 =	sadd.s32 s11, s19;
	s15 =	simm.s32 $0x6000;
	p0 =	seq.s32 s30, $0x7  }
0x9c: {  	[hbm4b:s4+s5] =	stream.linear.scatter [tilespmem:s15], [sflag:$0xC], $0x2000, $0x38;
	[tilespmem:$0x14000] =	vst v63  }
0x9d: {  	s4 =	simm.s32 @!p0 $0xB  }
0x9e: {  	_ =	swait.ge @!p0 [sflag:s4], $0x2000  }
0x9f: {  	s20 =	simm.s32 $0x0;
	[sflag:s4] =	ssyncset.done @!p0 $0x0  }
0xa0: {  	s16 =	simm.s32 $0x5;
	[sflag:s4] =	ssyncadd.s32 @!p0 $0xFFFFE000;
	s4 =	rddreg [dreg:$0xe]  }
0xa1: {  	s7 =	simm.s32 @!p0 $0x0;
	s12 =	simm.s32 @!p0 $0x4000;
	s4 =	sadd.s32 @!p0 s2, s4  }
0xa2: {  	[tilespmem:s12], [sflag:$0x3] =	stream.linear.gather @!p0 [hbm4b:s4+s7], $0x2000, $0x38;
	[tilespmem:$0x14000] =	vst v63  }
0xa3: {  	s17 =	sand.u32 $0x1C00, s20;
	_ =	swait.ge [sflag:s16], $0x2000  }
0xa4: {  	s22 =	sor.u32 s17, s20;
	[sflag:s16] =	ssyncset.done $0x0  }
0xa5: {  	s23 =	sand.u32 $0x380, s20;
	s7 =	sor.u32 $0x70, s22;
	[sflag:s16] =	ssyncadd.s32 $0xFFFFE000  }
0xa6: {  	s4 =	sor.u32 s23, s17;
	v0 =	vld [tilespmem:s7+$0x0]  }
0xa7: {  	v3 =	vld [tilespmem:s4+$0x0]  }
0xa8: {  	v4 =	vld [tilespmem:s4+$0x10]  }
0xa9: {  	v5 =	vld [tilespmem:s4+$0x20]  }
0xaa: {  	v6 =	vld [tilespmem:s4+$0x30]  }
0xab: {  	v2 =	vld [tilespmem:s4+$0x40]  }
0xac: {  	v1 =	vld [tilespmem:s4+$0x50]  }
0xad: {  	[tilespmem:s7+$0x8000] =	vst.add.f32.msk $0xffff, v0  }
0xae: {  	s24 =	sor.u32 $0x8000, s4;
	v0 =	vld [tilespmem:s4+$0x60]  }
0xaf: {  	s12 =	sor.u32 $0x8010, s4;
	[tilespmem:s24+$0x0] =	vst.add.f32.msk $0xffff, v3  }
0xb0: {  	s1 =	smov.u32 s25;
	s14 =	sor.u32 $0x8020, s4;
	[tilespmem:s12+$0x0] =	vst.add.f32.msk $0xffff, v4  }
0xb1: {  	s22 =	simm.s32 $0x0;
	s23 =	simm.s32 $0x400;
	s25 =	sor.u32 $0x8030, s4;
	[tilespmem:s14+$0x0] =	vst.add.f32.msk $0xffff, v5  }
0xb2: {  	s26 =	sor.u32 $0x8050, s4;
	s7 =	sor.u32 $0x8040, s4;
	s24 =	sor.u32 $0x8060, s4;
	[tilespmem:s25+$0x0] =	vst.add.f32.msk $0xffff, v6  }
.LBB2_7:
0xb3: {  	s4 =	sand.u32 $0x1C00, s23;
	s22 =	sadd.s32 $0x80, s22;
	[tilespmem:s7+$0x0] =	vst.add.f32.msk $0xffff, v2;
	s20 =	sadd.s32 $0x10, s20  }
0xb4: {  	s7 =	sand.u32 $0x380, s20;
	s12 =	sor.u32 s4, s20;
	p1 =	slt.u32 s22, $0x1F80;
	[tilespmem:s26+$0x0] =	vst.add.f32.msk $0xffff, v1  }
0xb5: {  	s4 =	sor.u32 s7, s4;
	s12 =	sor.u32 $0x70, s12;
	[tilespmem:s24+$0x0] =	vst.add.f32.msk $0xffff, v0  }
0xb6: {  	s14 =	sor.u32 $0x8000, s4;
	s15 =	sor.u32 $0x8010, s4;
	s16 =	sor.u32 $0x8020, s4;
	v0 =	vld [tilespmem:s12+$0x0]  }
0xb7: {  	s17 =	sor.u32 $0x8030, s4;
	s7 =	sor.u32 $0x8040, s4;
	s26 =	sor.u32 $0x8050, s4;
	v3 =	vld [tilespmem:s4+$0x0]  }
0xb8: {  	s24 =	sor.u32 $0x8060, s4;
	v4 =	vld [tilespmem:s4+$0x10]  }
0xb9: {  	v5 =	vld [tilespmem:s4+$0x20]  }
0xba: {  	v6 =	vld [tilespmem:s4+$0x30]  }
0xbb: {  	[tilespmem:s12+$0x8000] =	vst.add.f32.msk $0xffff, v0  }
0xbc: {  	v2 =	vld [tilespmem:s4+$0x40]  }
0xbd: {  	v1 =	vld [tilespmem:s4+$0x50]  }
.Ltmp4:
0xbe: {  	v0 =	vld [tilespmem:s4+$0x60];
	(pc) =	sbr.rel @p1 .LBB2_7-.Ltmp4, $4  }
0xbf: {  	[tilespmem:s14+$0x0] =	vst.add.f32.msk $0xffff, v3  }
0xc0: {  	[tilespmem:s15+$0x0] =	vst.add.f32.msk $0xffff, v4  }
0xc1: {  	[tilespmem:s16+$0x0] =	vst.add.f32.msk $0xffff, v5  }
0xc2: {  	s23 =	sadd.s32 $0x400, s23;
	[tilespmem:s17+$0x0] =	vst.add.f32.msk $0xffff, v6  }
0xc3: {  	[tilespmem:s7+$0x0] =	vst.add.f32.msk $0xffff, v2  }
0xc4: {  	[tilespmem:s26+$0x0] =	vst.add.f32.msk $0xffff, v1  }
0xc5: {  	[tilespmem:s24+$0x0] =	vst.add.f32.msk $0xffff, v0;
	s4 =	sadd.s32 s11, s21;
	s12 =	simm.s32 $0x8000  }
0xc6: {  	[hbm4b:s4+s5] =	stream.linear.scatter [tilespmem:s12], [sflag:$0xD], $0x2000, $0x38;
	[tilespmem:$0x14000] =	vst v63  }
0xc7: {  	s7 =	sshrl.u32 @!p0 s0, $0x2;
	s4 =	simm.s32 @!p0 $0xC  }
0xc8: {  	s7 =	sadd.s32 @!p0 s18, s7;
	_ =	swait.ge @!p0 [sflag:s4], $0x2000  }
0xc9: {  	s22 =	simm.s32 $0x0;
	s20 =	sshll.u32 @!p0 s7, $0xA;
	[sflag:s4] =	ssyncset.done @!p0 $0x0  }
0xca: {  	s14 =	simm.s32 $0x6;
	[sflag:s4] =	ssyncadd.s32 @!p0 $0xFFFFE000;
	s4 =	sadd.s32 @!p0 s9, s20  }
0xcb: {  	s12 =	simm.s32 @!p0 $0x6000;
	s7 =	simm.s32 @!p0 $0x0;
	s4 =	sadd.s32 @!p0 $0x800, s4  }
0xcc: {  	[tilespmem:s12], [sflag:$0x4] =	stream.linear.gather @!p0 [hbm4b:s4+s7], $0x2000, $0x38;
	[tilespmem:$0x14000] =	vst v63  }
0xcd: {  	s15 =	sand.u32 $0x1C00, s22;
	_ =	swait.ge [sflag:s14], $0x2000  }
0xce: {  	s16 =	sor.u32 s15, s22;
	[sflag:s14] =	ssyncset.done $0x0  }
0xcf: {  	s17 =	sand.u32 $0x380, s22;
	s7 =	sor.u32 $0x70, s16;
	[sflag:s14] =	ssyncadd.s32 $0xFFFFE000  }
0xd0: {  	s4 =	sor.u32 s17, s15;
	v0 =	vld [tilespmem:s7+$0x0]  }
0xd1: {  	v3 =	vld [tilespmem:s4+$0x0]  }
0xd2: {  	v4 =	vld [tilespmem:s4+$0x10]  }
0xd3: {  	v5 =	vld [tilespmem:s4+$0x20]  }
0xd4: {  	v6 =	vld [tilespmem:s4+$0x30]  }
0xd5: {  	v2 =	vld [tilespmem:s4+$0x40]  }
0xd6: {  	v1 =	vld [tilespmem:s4+$0x50]  }
0xd7: {  	[tilespmem:s7+$0xA000] =	vst.add.f32.msk $0xffff, v0  }
0xd8: {  	s23 =	sor.u32 $0xA000, s4;
	v0 =	vld [tilespmem:s4+$0x60]  }
0xd9: {  	s12 =	sor.u32 $0xA010, s4;
	[tilespmem:s23+$0x0] =	vst.add.f32.msk $0xffff, v3  }
0xda: {  	s24 =	sor.u32 $0xA020, s4;
	[tilespmem:s12+$0x0] =	vst.add.f32.msk $0xffff, v4  }
0xdb: {  	s25 =	sor.u32 $0xA030, s4;
	s15 =	sor.u32 $0xA040, s4;
	s26 =	sor.u32 $0xA060, s4;
	[tilespmem:s24+$0x0] =	vst.add.f32.msk $0xffff, v5  }
0xdc: {  	s23 =	simm.s32 $0x0;
	s7 =	sor.u32 $0xA050, s4;
	[tilespmem:s25+$0x0] =	vst.add.f32.msk $0xffff, v6;
	s24 =	simm.s32 $0x400  }
.LBB2_9:
0xdd: {  	s4 =	sand.u32 $0x1C00, s24;
	s23 =	sadd.s32 $0x80, s23;
	[tilespmem:s15+$0x0] =	vst.add.f32.msk $0xffff, v2;
	s22 =	sadd.s32 $0x10, s22  }
0xde: {  	s12 =	sand.u32 $0x380, s22;
	s14 =	sor.u32 s4, s22;
	p1 =	slt.u32 s23, $0x1F80;
	[tilespmem:s7+$0x0] =	vst.add.f32.msk $0xffff, v1  }
0xdf: {  	s4 =	sor.u32 s12, s4;
	s12 =	sor.u32 $0x70, s14;
	[tilespmem:s26+$0x0] =	vst.add.f32.msk $0xffff, v0  }
0xe0: {  	s14 =	sor.u32 $0xA000, s4;
	s16 =	sor.u32 $0xA010, s4;
	s17 =	sor.u32 $0xA020, s4;
	v0 =	vld [tilespmem:s12+$0x0]  }
0xe1: {  	s25 =	sor.u32 $0xA030, s4;
	s15 =	sor.u32 $0xA040, s4;
	s7 =	sor.u32 $0xA050, s4;
	v3 =	vld [tilespmem:s4+$0x0]  }
0xe2: {  	s26 =	sor.u32 $0xA060, s4;
	v4 =	vld [tilespmem:s4+$0x10]  }
0xe3: {  	v5 =	vld [tilespmem:s4+$0x20]  }
0xe4: {  	v6 =	vld [tilespmem:s4+$0x30]  }
0xe5: {  	[tilespmem:s12+$0xA000] =	vst.add.f32.msk $0xffff, v0  }
0xe6: {  	v2 =	vld [tilespmem:s4+$0x40]  }
0xe7: {  	v1 =	vld [tilespmem:s4+$0x50]  }
.Ltmp5:
0xe8: {  	v0 =	vld [tilespmem:s4+$0x60];
	(pc) =	sbr.rel @p1 .LBB2_9-.Ltmp5, $4  }
0xe9: {  	[tilespmem:s14+$0x0] =	vst.add.f32.msk $0xffff, v3  }
0xea: {  	[tilespmem:s16+$0x0] =	vst.add.f32.msk $0xffff, v4  }
0xeb: {  	[tilespmem:s17+$0x0] =	vst.add.f32.msk $0xffff, v5  }
0xec: {  	s24 =	sadd.s32 $0x400, s24;
	[tilespmem:s25+$0x0] =	vst.add.f32.msk $0xffff, v6  }
0xed: {  	[tilespmem:s15+$0x0] =	vst.add.f32.msk $0xffff, v2  }
0xee: {  	[tilespmem:s7+$0x0] =	vst.add.f32.msk $0xffff, v1  }
0xef: {  	[tilespmem:s26+$0x0] =	vst.add.f32.msk $0xffff, v0  }
0xf0: {  	s4 =	rddreg [dreg:$0xf]  }
0xf1: {  	p1 =	sne.s32 s30, $0x7;
	s15 =	simm.s32 $0xA000;
	s4 =	sadd.s32 s11, s4  }
0xf2: {  	[hbm4b:s4+s5] =	stream.linear.scatter [tilespmem:s15], [sflag:$0xE], $0x2000, $0x38;
	[tilespmem:$0x14000] =	vst v63  }
0xf3: {  	s7 =	sshrl.u32 @p1 s0, $0x2;
	s4 =	simm.s32 @p1 $0xD  }
0xf4: {  	s7 =	sadd.s32 @p1 s18, s7;
	_ =	swait.ge @p1 [sflag:s4], $0x2000  }
0xf5: {  	s7 =	sshll.u32 @p1 s7, $0xA;
	[sflag:s4] =	ssyncset.done @p1 $0x0  }
0xf6: {  	[sflag:s4] =	ssyncadd.s32 @p1 $0xFFFFE000;
	s4 =	sadd.s32 @p1 s10, s7  }
0xf7: {  	s11 =	simm.s32 @p1 $0x8000;
	s7 =	simm.s32 @p1 $0x0;
	s4 =	sadd.s32 @p1 $0x800, s4  }
0xf8: {  	[tilespmem:s11], [sflag:$0x5] =	stream.linear.gather @p1 [hbm4b:s4+s7], $0x2000, $0x38;
	[tilespmem:$0x14000] =	vst v63  }
0xf9: {  	s11 =	rddreg [dreg:$0x10]  }
0xfa: {  	s4 =	simm.s32 @p1 $0x2;
	s11 =	sadd.s32 @p1 s6, s11  }
0xfb: {  	_ =	swait.ge @p1 [sflag:s4], $0x2000;
	s11 =	sshll.u32 @p1 s11, $0xA  }
0xfc: {  	[sflag:s4] =	ssyncset.done @p1 $0x0;
	s11 =	sand.u32 @p1 $0x1FFFF800, s11  }
0xfd: {  	[sflag:s4] =	ssyncadd.s32 @p1 $0xFFFFE000;
	s4 =	sadd.s32 @p1 s8, s11  }
0xfe: {  	[tilespmem:s7], [sflag:$0x1] =	stream.linear.gather @p1 [hbm4b:s4+s7], $0x2000, $0x38;
	[tilespmem:$0x14000] =	vst v63  }
0xff: {  	s4 =	simm.s32 @!p1 $0x2  }
0x100: {  	_ =	swait.ge @!p1 [sflag:s4], $0x2000  }
0x101: {  	[sflag:s4] =	ssyncset.done @!p1 $0x0  }
0x102: {  	s16 =	simm.s32 $0x7;
	s11 =	simm.s32 $0x0;
	[sflag:s4] =	ssyncadd.s32 @!p1 $0xFFFFE000  }
0x103: {  	s17 =	sand.u32 $0x1C00, s11;
	_ =	swait.ge [sflag:s16], $0x2000  }
0x104: {  	s22 =	sor.u32 s17, s11;
	[sflag:s16] =	ssyncset.done $0x0  }
0x105: {  	s12 =	sand.u32 $0x380, s11;
	s7 =	sor.u32 $0x70, s22;
	[sflag:s16] =	ssyncadd.s32 $0xFFFFE000  }
0x106: {  	s4 =	sor.u32 s12, s17;
	v0 =	vld [tilespmem:s7+$0x2000]  }
0x107: {  	v3 =	vld [tilespmem:s4+$0x2000]  }
0x108: {  	v4 =	vld [tilespmem:s4+$0x2010]  }
0x109: {  	v5 =	vld [tilespmem:s4+$0x2020]  }
0x10a: {  	v6 =	vld [tilespmem:s4+$0x2030]  }
0x10b: {  	v2 =	vld [tilespmem:s4+$0x2040]  }
0x10c: {  	v1 =	vld [tilespmem:s4+$0x2050]  }
0x10d: {  	[tilespmem:s7+$0xC000] =	vst.add.f32.msk $0xffff, v0  }
0x10e: {  	s23 =	sor.u32 $0xC000, s4;
	v0 =	vld [tilespmem:s4+$0x2060]  }
0x10f: {  	s12 =	sor.u32 $0xC010, s4;
	[tilespmem:s23+$0x0] =	vst.add.f32.msk $0xffff, v3  }
0x110: {  	s26 =	smov.u32 s8;
	s24 =	sor.u32 $0xC020, s4;
	[tilespmem:s12+$0x0] =	vst.add.f32.msk $0xffff, v4  }
0x111: {  	s22 =	simm.s32 $0x0;
	s25 =	sor.u32 $0xC030, s4;
	s15 =	sor.u32 $0xC040, s4;
	[tilespmem:s24+$0x0] =	vst.add.f32.msk $0xffff, v5  }
0x112: {  	s7 =	sor.u32 $0xC050, s4;
	s24 =	sor.u32 $0xC060, s4;
	[tilespmem:s25+$0x0] =	vst.add.f32.msk $0xffff, v6;
	s23 =	simm.s32 $0x400  }
.LBB2_11:
0x113: {  	s4 =	sand.u32 $0x1C00, s23;
	s22 =	sadd.s32 $0x80, s22;
	[tilespmem:s15+$0x0] =	vst.add.f32.msk $0xffff, v2;
	s11 =	sadd.s32 $0x10, s11  }
0x114: {  	s12 =	sand.u32 $0x380, s11;
	s14 =	sor.u32 s4, s11;
	p1 =	slt.u32 s22, $0x1F80;
	[tilespmem:s7+$0x0] =	vst.add.f32.msk $0xffff, v1  }
0x115: {  	s4 =	sor.u32 s12, s4;
	s12 =	sor.u32 $0x70, s14;
	[tilespmem:s24+$0x0] =	vst.add.f32.msk $0xffff, v0  }
0x116: {  	s14 =	sor.u32 $0xC000, s4;
	s16 =	sor.u32 $0xC010, s4;
	s17 =	sor.u32 $0xC020, s4;
	v0 =	vld [tilespmem:s12+$0x2000]  }
0x117: {  	s25 =	sor.u32 $0xC030, s4;
	s15 =	sor.u32 $0xC040, s4;
	s7 =	sor.u32 $0xC050, s4;
	v3 =	vld [tilespmem:s4+$0x2000]  }
0x118: {  	s24 =	sor.u32 $0xC060, s4;
	v4 =	vld [tilespmem:s4+$0x2010]  }
0x119: {  	v5 =	vld [tilespmem:s4+$0x2020]  }
0x11a: {  	v6 =	vld [tilespmem:s4+$0x2030]  }
0x11b: {  	[tilespmem:s12+$0xC000] =	vst.add.f32.msk $0xffff, v0  }
0x11c: {  	v2 =	vld [tilespmem:s4+$0x2040]  }
0x11d: {  	v1 =	vld [tilespmem:s4+$0x2050]  }
.Ltmp6:
0x11e: {  	v0 =	vld [tilespmem:s4+$0x2060];
	(pc) =	sbr.rel @p1 .LBB2_11-.Ltmp6, $4  }
0x11f: {  	[tilespmem:s14+$0x0] =	vst.add.f32.msk $0xffff, v3  }
0x120: {  	[tilespmem:s16+$0x0] =	vst.add.f32.msk $0xffff, v4  }
0x121: {  	[tilespmem:s17+$0x0] =	vst.add.f32.msk $0xffff, v5  }
0x122: {  	s23 =	sadd.s32 $0x400, s23;
	[tilespmem:s25+$0x0] =	vst.add.f32.msk $0xffff, v6  }
0x123: {  	[tilespmem:s15+$0x0] =	vst.add.f32.msk $0xffff, v2  }
0x124: {  	[tilespmem:s7+$0x0] =	vst.add.f32.msk $0xffff, v1  }
0x125: {  	[tilespmem:s24+$0x0] =	vst.add.f32.msk $0xffff, v0;
	s3 =	sadd.s32 s1, s3;
	s17 =	simm.s32 $0xC000  }
0x126: {  	[hbm4b:s3+s5] =	stream.linear.scatter [tilespmem:s17], [sflag:$0xF], $0x2000, $0x38;
	[tilespmem:$0x14000] =	vst v63  }
0x127: {  	s3 =	simm.s32 @!p0 $0xE  }
0x128: {  	_ =	swait.ge @!p0 [sflag:s3], $0x2000  }
0x129: {  	s25 =	smov.u32 s1;
	[sflag:s3] =	ssyncset.done @!p0 $0x0;
	s1 =	rddreg [dreg:$0x7]  }
0x12a: {  	[sflag:s3] =	ssyncadd.s32 @!p0 $0xFFFFE000;
	s3 =	sadd.s32 @!p0 s1, s20  }
0x12b: {  	s4 =	simm.s32 @!p0 $0x0;
	s7 =	simm.s32 @!p0 $0xA000;
	s3 =	sadd.s32 @!p0 $0x800, s3  }
0x12c: {  	[tilespmem:s7], [sflag:$0x6] =	stream.linear.gather @!p0 [hbm4b:s3+s4], $0x2000, $0x38;
	[tilespmem:$0x14000] =	vst v63  }
0x12d: {  	s20 =	simm.s32 $0x8;
	s3 =	simm.s32 $0x0  }
0x12e: {  	_ =	swait.ge [sflag:s20], $0x2000;
	s22 =	sand.u32 $0x1C00, s3  }
0x12f: {  	[sflag:s20] =	ssyncset.done $0x0;
	s23 =	sor.u32 s22, s3  }
0x130: {  	s11 =	sand.u32 $0x380, s3;
	[sflag:s20] =	ssyncadd.s32 $0xFFFFE000;
	s7 =	sor.u32 $0x70, s23  }
0x131: {  	s4 =	sor.u32 s11, s22;
	v0 =	vld [tilespmem:s7+$0x2000]  }
0x132: {  	v3 =	vld [tilespmem:s4+$0x2000]  }
0x133: {  	v4 =	vld [tilespmem:s4+$0x2010]  }
0x134: {  	v5 =	vld [tilespmem:s4+$0x2020]  }
0x135: {  	v6 =	vld [tilespmem:s4+$0x2030]  }
0x136: {  	v2 =	vld [tilespmem:s4+$0x2040]  }
0x137: {  	v1 =	vld [tilespmem:s4+$0x2050]  }
0x138: {  	[tilespmem:s7+$0xE000] =	vst.add.f32.msk $0xffff, v0  }
0x139: {  	s24 =	sor.u32 $0xE000, s4;
	v0 =	vld [tilespmem:s4+$0x2060]  }
0x13a: {  	s11 =	sor.u32 $0xE010, s4;
	[tilespmem:s24+$0x0] =	vst.add.f32.msk $0xffff, v3  }
0x13b: {  	s8 =	simm.s32 $0x10000;
	s12 =	sor.u32 $0xE020, s4;
	[tilespmem:s11+$0x0] =	vst.add.f32.msk $0xffff, v4  }
0x13c: {  	s14 =	sor.u32 $0xE030, s4;
	s23 =	sor.u32 $0xE050, s4;
	s22 =	sor.u32 $0xE060, s4;
	[tilespmem:s12+$0x0] =	vst.add.f32.msk $0xffff, v5  }
0x13d: {  	s20 =	simm.s32 $0x400;
	s11 =	simm.s32 $0x0;
	s7 =	sor.u32 $0xE040, s4;
	[tilespmem:s14+$0x0] =	vst.add.f32.msk $0xffff, v6  }
.LBB2_13:
0x13e: {  	s4 =	sand.u32 $0x1C00, s20;
	s11 =	sadd.s32 $0x80, s11;
	[tilespmem:s7+$0x0] =	vst.add.f32.msk $0xffff, v2;
	s3 =	sadd.s32 $0x10, s3  }
0x13f: {  	s7 =	sand.u32 $0x380, s3;
	s12 =	sor.u32 s4, s3;
	p1 =	slt.u32 s11, $0x1F80;
	[tilespmem:s23+$0x0] =	vst.add.f32.msk $0xffff, v1  }
0x140: {  	s4 =	sor.u32 s7, s4;
	s12 =	sor.u32 $0x70, s12;
	[tilespmem:s22+$0x0] =	vst.add.f32.msk $0xffff, v0  }
0x141: {  	s14 =	sor.u32 $0xE000, s4;
	s15 =	sor.u32 $0xE010, s4;
	s16 =	sor.u32 $0xE020, s4;
	v0 =	vld [tilespmem:s12+$0x2000]  }
0x142: {  	s17 =	sor.u32 $0xE030, s4;
	s7 =	sor.u32 $0xE040, s4;
	s23 =	sor.u32 $0xE050, s4;
	v3 =	vld [tilespmem:s4+$0x2000]  }
0x143: {  	s22 =	sor.u32 $0xE060, s4;
	v4 =	vld [tilespmem:s4+$0x2010]  }
0x144: {  	v5 =	vld [tilespmem:s4+$0x2020]  }
0x145: {  	v6 =	vld [tilespmem:s4+$0x2030]  }
0x146: {  	[tilespmem:s12+$0xE000] =	vst.add.f32.msk $0xffff, v0  }
0x147: {  	v2 =	vld [tilespmem:s4+$0x2040]  }
0x148: {  	v1 =	vld [tilespmem:s4+$0x2050]  }
.Ltmp7:
0x149: {  	v0 =	vld [tilespmem:s4+$0x2060];
	(pc) =	sbr.rel @p1 .LBB2_13-.Ltmp7, $4  }
0x14a: {  	[tilespmem:s14+$0x0] =	vst.add.f32.msk $0xffff, v3  }
0x14b: {  	[tilespmem:s15+$0x0] =	vst.add.f32.msk $0xffff, v4  }
0x14c: {  	[tilespmem:s16+$0x0] =	vst.add.f32.msk $0xffff, v5  }
0x14d: {  	s20 =	sadd.s32 $0x400, s20;
	[tilespmem:s17+$0x0] =	vst.add.f32.msk $0xffff, v6  }
0x14e: {  	s3 =	sor.u32 s6, s18  }
0x14f: {  	[tilespmem:s7+$0x0] =	vst.add.f32.msk $0xffff, v2;
	s3 =	sshll.u32 s3, $0xA  }
0x150: {  	[tilespmem:s23+$0x0] =	vst.add.f32.msk $0xffff, v1;
	s3 =	sor.u32 $0x400, s3  }
0x151: {  	[tilespmem:s22+$0x0] =	vst.add.f32.msk $0xffff, v0;
	s1 =	simm.s32 $0xE000;
	s4 =	sadd.s32 s3, s19  }
0x152: {  	[hbm4b:s4+s5] =	stream.linear.scatter [tilespmem:s1], [sflag:$0x10], $0x2000, $0x38;
	[tilespmem:$0x14000] =	vst v63  }
0x153: {  	s4 =	simm.s32 @!p0 $0xF  }
0x154: {  	_ =	swait.ge @!p0 [sflag:s4], $0x2000  }
0x155: {  	s6 =	simm.s32 @!p0 $0xC000;
	[sflag:s4] =	ssyncset.done @!p0 $0x0;
	s1 =	rddreg [dreg:$0x11]  }
0x156: {  	[sflag:s4] =	ssyncadd.s32 @!p0 $0xFFFFE000;
	s2 =	sadd.s32 @!p0 s2, s1;
	s4 =	simm.s32 @!p0 $0x0  }
0x157: {  	[tilespmem:s6], [sflag:$0x7] =	stream.linear.gather @!p0 [hbm4b:s2+s4], $0x2000, $0x38;
	[tilespmem:$0x14000] =	vst v63  }
0x158: {  	s2 =	simm.s32 $0x0  }
0x159: {  	_ =	swait.ge [sflag:s13], $0x2000;
	s20 =	sand.u32 $0x1C00, s2  }
0x15a: {  	[sflag:s13] =	ssyncset.done $0x0;
	s22 =	sor.u32 s20, s2  }
0x15b: {  	s23 =	sand.u32 $0x380, s2;
	[sflag:s13] =	ssyncadd.s32 $0xFFFFE000;
	s6 =	sor.u32 $0x70, s22  }
0x15c: {  	s4 =	sor.u32 s23, s20;
	v0 =	vld [tilespmem:s6+$0x2000]  }
0x15d: {  	v3 =	vld [tilespmem:s4+$0x2000]  }
0x15e: {  	v4 =	vld [tilespmem:s4+$0x2010]  }
0x15f: {  	v5 =	vld [tilespmem:s4+$0x2020]  }
0x160: {  	v6 =	vld [tilespmem:s4+$0x2030]  }
0x161: {  	v2 =	vld [tilespmem:s4+$0x2040]  }
0x162: {  	v1 =	vld [tilespmem:s4+$0x2050]  }
0x163: {  	[tilespmem:s6+$0x10000] =	vst.add.f32.msk $0xffff, v0  }
0x164: {  	s24 =	sor.u32 $0x10000, s4;
	v0 =	vld [tilespmem:s4+$0x2060]  }
0x165: {  	s7 =	sor.u32 $0x10010, s4;
	[tilespmem:s24+$0x0] =	vst.add.f32.msk $0xffff, v3  }
0x166: {  	s11 =	sor.u32 $0x10020, s4;
	[tilespmem:s7+$0x0] =	vst.add.f32.msk $0xffff, v4  }
0x167: {  	s12 =	sor.u32 $0x10030, s4;
	s15 =	sor.u32 $0x10040, s4;
	s20 =	sor.u32 $0x10060, s4;
	[tilespmem:s11+$0x0] =	vst.add.f32.msk $0xffff, v5  }
0x168: {  	s6 =	simm.s32 $0x0;
	s7 =	sor.u32 $0x10050, s4;
	[tilespmem:s12+$0x0] =	vst.add.f32.msk $0xffff, v6;
	s11 =	simm.s32 $0x400  }
.LBB2_15:
0x169: {  	s4 =	sand.u32 $0x1C00, s11;
	s6 =	sadd.s32 $0x80, s6;
	[tilespmem:s15+$0x0] =	vst.add.f32.msk $0xffff, v2;
	s2 =	sadd.s32 $0x10, s2  }
0x16a: {  	s12 =	sand.u32 $0x380, s2;
	s14 =	sor.u32 s4, s2;
	p1 =	slt.u32 s6, $0x1F80;
	[tilespmem:s7+$0x0] =	vst.add.f32.msk $0xffff, v1  }
0x16b: {  	s4 =	sor.u32 s12, s4;
	s12 =	sor.u32 $0x70, s14;
	[tilespmem:s20+$0x0] =	vst.add.f32.msk $0xffff, v0  }
0x16c: {  	s14 =	sor.u32 $0x10000, s4;
	s16 =	sor.u32 $0x10010, s4;
	s17 =	sor.u32 $0x10020, s4;
	v0 =	vld [tilespmem:s12+$0x2000]  }
0x16d: {  	s22 =	sor.u32 $0x10030, s4;
	s15 =	sor.u32 $0x10040, s4;
	s7 =	sor.u32 $0x10050, s4;
	v3 =	vld [tilespmem:s4+$0x2000]  }
0x16e: {  	s20 =	sor.u32 $0x10060, s4;
	v4 =	vld [tilespmem:s4+$0x2010]  }
0x16f: {  	v5 =	vld [tilespmem:s4+$0x2020]  }
0x170: {  	v6 =	vld [tilespmem:s4+$0x2030]  }
0x171: {  	[tilespmem:s12+$0x10000] =	vst.add.f32.msk $0xffff, v0  }
0x172: {  	v2 =	vld [tilespmem:s4+$0x2040]  }
0x173: {  	v1 =	vld [tilespmem:s4+$0x2050]  }
.Ltmp8:
0x174: {  	v0 =	vld [tilespmem:s4+$0x2060];
	(pc) =	sbr.rel @p1 .LBB2_15-.Ltmp8, $4  }
0x175: {  	[tilespmem:s14+$0x0] =	vst.add.f32.msk $0xffff, v3  }
0x176: {  	[tilespmem:s16+$0x0] =	vst.add.f32.msk $0xffff, v4  }
0x177: {  	[tilespmem:s17+$0x0] =	vst.add.f32.msk $0xffff, v5  }
0x178: {  	s11 =	sadd.s32 $0x400, s11;
	[tilespmem:s22+$0x0] =	vst.add.f32.msk $0xffff, v6  }
0x179: {  	[tilespmem:s15+$0x0] =	vst.add.f32.msk $0xffff, v2  }
0x17a: {  	[tilespmem:s7+$0x0] =	vst.add.f32.msk $0xffff, v1  }
0x17b: {  	[tilespmem:s20+$0x0] =	vst.add.f32.msk $0xffff, v0;
	s2 =	sadd.s32 s3, s21  }
0x17c: {  	[hbm4b:s2+s5] =	stream.linear.scatter [tilespmem:s8], [sflag:$0x11], $0x2000, $0x38;
	[tilespmem:$0x14000] =	vst v63  }
0x17d: {  	s3 =	sadd.s32 @!p0 $0xC, s0;
	s2 =	simm.s32 @!p0 $0x10  }
0x17e: {  	s3 =	sshrl.u32 @!p0 s3, $0x2;
	_ =	swait.ge @!p0 [sflag:s2], $0x2000  }
0x17f: {  	s3 =	sadd.s32 @!p0 s18, s3;
	[sflag:s2] =	ssyncset.done @!p0 $0x0  }
0x180: {  	[sflag:s2] =	ssyncadd.s32 @!p0 $0xFFFFE000;
	s2 =	sshll.u32 @!p0 s3, $0xA  }
0x181: {  	s4 =	simm.s32 @!p0 $0xE000;
	s3 =	simm.s32 @!p0 $0x0;
	s2 =	sadd.s32 @!p0 s2, s9  }
0x182: {  	[tilespmem:s4], [sflag:$0x8] =	stream.linear.gather @!p0 [hbm4b:s2+s3], $0x2000, $0x38;
	[tilespmem:$0x14000] =	vst v63  }
0x183: {  	s2 =	simm.s32 $0x0  }
0x184: {  	_ =	swait.ge [sflag:s28], $0x2000;
	s17 =	sand.u32 $0x1C00, s2  }
0x185: {  	[sflag:s28] =	ssyncset.done $0x0;
	s20 =	sor.u32 s17, s2  }
0x186: {  	s6 =	sand.u32 $0x380, s2;
	[sflag:s28] =	ssyncadd.s32 $0xFFFFE000;
	s4 =	sor.u32 $0x70, s20  }
0x187: {  	s6 =	sor.u32 s6, s17;
	v0 =	vld [tilespmem:s4+$0x2000]  }
0x188: {  	v3 =	vld [tilespmem:s6+$0x2000]  }
0x189: {  	v4 =	vld [tilespmem:s6+$0x2010]  }
0x18a: {  	v5 =	vld [tilespmem:s6+$0x2020]  }
0x18b: {  	v6 =	vld [tilespmem:s6+$0x2030]  }
0x18c: {  	v2 =	vld [tilespmem:s6+$0x2040]  }
0x18d: {  	v1 =	vld [tilespmem:s6+$0x2050]  }
0x18e: {  	[tilespmem:s4+$0x12000] =	vst.add.f32.msk $0xffff, v0  }
0x18f: {  	s3 =	sor.u32 $0x12000, s6;
	v0 =	vld [tilespmem:s6+$0x2060]  }
0x190: {  	s22 =	sor.u32 $0x12010, s6;
	[tilespmem:s3+$0x0] =	vst.add.f32.msk $0xffff, v3  }
0x191: {  	s23 =	sor.u32 $0x12020, s6;
	[tilespmem:s22+$0x0] =	vst.add.f32.msk $0xffff, v4  }
0x192: {  	s24 =	sor.u32 $0x12030, s6;
	s15 =	sor.u32 $0x12040, s6;
	s7 =	sor.u32 $0x12050, s6;
	[tilespmem:s23+$0x0] =	vst.add.f32.msk $0xffff, v5  }
0x193: {  	s11 =	sor.u32 $0x12060, s6;
	s3 =	simm.s32 $0x0;
	[tilespmem:s24+$0x0] =	vst.add.f32.msk $0xffff, v6;
	s6 =	simm.s32 $0x400  }
.LBB2_17:
0x194: {  	s4 =	sand.u32 $0x1C00, s6;
	s3 =	sadd.s32 $0x80, s3;
	[tilespmem:s15+$0x0] =	vst.add.f32.msk $0xffff, v2;
	s2 =	sadd.s32 $0x10, s2  }
0x195: {  	s12 =	sand.u32 $0x380, s2;
	s14 =	sor.u32 s4, s2;
	p1 =	slt.u32 s3, $0x1F80;
	[tilespmem:s7+$0x0] =	vst.add.f32.msk $0xffff, v1  }
0x196: {  	s4 =	sor.u32 s12, s4;
	s12 =	sor.u32 $0x70, s14;
	[tilespmem:s11+$0x0] =	vst.add.f32.msk $0xffff, v0  }
0x197: {  	s14 =	sor.u32 $0x12000, s4;
	s16 =	sor.u32 $0x12010, s4;
	s17 =	sor.u32 $0x12020, s4;
	v0 =	vld [tilespmem:s12+$0x2000]  }
0x198: {  	s20 =	sor.u32 $0x12030, s4;
	s15 =	sor.u32 $0x12040, s4;
	s7 =	sor.u32 $0x12050, s4;
	v3 =	vld [tilespmem:s4+$0x2000]  }
0x199: {  	s11 =	sor.u32 $0x12060, s4;
	v4 =	vld [tilespmem:s4+$0x2010]  }
0x19a: {  	v5 =	vld [tilespmem:s4+$0x2020]  }
0x19b: {  	v6 =	vld [tilespmem:s4+$0x2030]  }
0x19c: {  	[tilespmem:s12+$0x12000] =	vst.add.f32.msk $0xffff, v0  }
0x19d: {  	v2 =	vld [tilespmem:s4+$0x2040]  }
0x19e: {  	v1 =	vld [tilespmem:s4+$0x2050]  }
.Ltmp9:
0x19f: {  	v0 =	vld [tilespmem:s4+$0x2060];
	(pc) =	sbr.rel @p1 .LBB2_17-.Ltmp9, $4  }
0x1a0: {  	[tilespmem:s14+$0x0] =	vst.add.f32.msk $0xffff, v3  }
0x1a1: {  	[tilespmem:s16+$0x0] =	vst.add.f32.msk $0xffff, v4  }
0x1a2: {  	[tilespmem:s17+$0x0] =	vst.add.f32.msk $0xffff, v5  }
0x1a3: {  	s6 =	sadd.s32 $0x400, s6;
	[tilespmem:s20+$0x0] =	vst.add.f32.msk $0xffff, v6  }
.Ltmp10:
0x1a4: {  	(pc) =	sbr.rel @p0 .LBB2_20-.Ltmp10, $4  }
0x1a5: {  	[tilespmem:s15+$0x0] =	vst.add.f32.msk $0xffff, v2  }
0x1a6: {  	[tilespmem:s7+$0x0] =	vst.add.f32.msk $0xffff, v1  }
0x1a7: {  	[tilespmem:s11+$0x0] =	vst.add.f32.msk $0xffff, v0;
	s2 =	sadd.s32 s25, s31;
	s12 =	simm.s32 $0x12000  }
0x1a8: {  	[hbm4b:s2+s5] =	stream.linear.scatter [tilespmem:s12], [sflag:$0x12], $0x2000, $0x38;
	[tilespmem:$0x14000] =	vst v63  }
0x1a9: {  	s0 =	sadd.s32 $0xC, s0  }
.Ltmp11:
0x1aa: {  	s0 =	sshrl.u32 s0, $0x2;
	(pc) =	sbr.rel .LBB2_2-.Ltmp11, $4  }
0x1ab: {  	_ =	swait.ge [sflag:s29], $0x2000;
	s0 =	sadd.s32 s18, s0  }
0x1ac: {  	[sflag:s29] =	ssyncset.done $0x0;
	s0 =	sshll.u32 s0, $0xA  }
0x1ad: {  	s30 =	sadd.s32 $0x1, s30;
	[sflag:s29] =	ssyncadd.s32 $0xFFFFE000;
	s0 =	sadd.s32 s0, s10  }
0x1ae: {  	[tilespmem:s8], [sflag:$0x9] =	stream.linear.gather [hbm4b:s0+s5], $0x2000, $0x38;
	[tilespmem:$0x14000] =	vst v63  }
.LBB2_21:
0x1af: {  	_ =	sfence.sel $0x180000  }
0x1b0: {  	[bflag:$0x0] =	sbarrier.arrive $0xFFFF  }
0x1b1: {  	_ =	strace $0x90000047  }
0x1b2: {  	s0 =	stileid.u32;
	[bflag:$0x2] =	sbarrier.arrive $0xFFFF  }
0x1b3: {  	p0 =	sne.s32 s0, $0x0;
	s0 =	rddreg [dreg:$0x3]  }
0x1b4: {  	s0 =	sadd.s32 @!p0 $0x100000, s0  }
0x1b5: {  	[sflag:s0] =	ssyncadd.tile.s32 @!p0 $0x1;
	_ =	shalt  }
.Lfunc_end2:
_tile_overlayer_lowered:
.L_overlay_start_2:
0x1b6: {  	(tag) =	ssettag $0x2  }
0x1b7: {  	s0 =	rddreg [dreg:$0x0];
	s2 =	stileid.u32  }
0x1b8: {  	s1 =	rddreg [dreg:$0x1];
	p0 =	sne.s32 s2, $0x0  }
0x1b9: {  	s3 =	rddreg [dreg:$0x2];
	[bflag:$0x3] =	sbarrier.arrive $0xFFFF;
	s2 =	simm.s32 @!p0 $0x1C13  }
0x1ba: {  	[timem:s3], [sflag:s2] =	dma.local @!p0 [hbm:s0], s1  }
0x1bb: {  	s0 =	simm.s32 @!p0 $0x13  }
0x1bc: {  	_ =	swait.ge @!p0 [sflag:s0], s1  }
0x1bd: {  	s1 =	ssub.s32 @!p0 $0x0, s1;
	[sflag:s0] =	ssyncset.done @!p0 $0x0  }
0x1be: {  	[sflag:s0] =	ssyncadd.s32 @!p0 s1  }
0x1bf: {  	[bflag:$0x3] =	sbarrier.arrive $0xFFFF  }
0x1c0: {  	_ =	shalt  }

</sc_bundles>
